<compile_context>
chip_gen: v7x
topology: tpu7x:2x2x1
jax: 0.10.2.dev20260603
libtpu: 0.0.44.dev20260713+nightly
codegen_flags: <defaults>
</compile_context>

<pallas_src>
import functools

import jax
import jax.numpy as jnp
from jax import lax
from jax.experimental import pallas as pl
from jax.experimental.pallas import tpu as pltpu
from jax.experimental.pallas import tpu_sc as plsc

_NC = 2
_NS = 16
_NW = _NC * _NS
_LN = 16
_CH = 128
_PAD = 8




def _body(emb_hbm, a_hbm, seql_hbm, idx_hbm, out_hbm,
          a_v, seql_v, idx_all, rows0, rows1, out0, out1,
          d_v, ww_v, tt_v,
          gsem0, gsem1, osem0, osem1, *, L, H, PW):
    rows = (rows0, rows1)
    outs = (out0, out1)
    gsems = (gsem0, gsem1)
    osems = (osem0, osem1)
    nh = H // _LN
    nchunks = PW // _CH

    c = lax.axis_index("c")
    s = lax.axis_index("s")
    wid = s * _NC + c
    wpr = L // PW
    p = wid // wpr
    i0 = (wid % wpr) * PW
    wbase = wid * PW

    pltpu.sync_copy(a_hbm, a_v)
    pltpu.sync_copy(seql_hbm, seql_v)
    tbase = jnp.minimum(wbase + PW, _NW * PW - _PAD)
    pltpu.sync_copy(idx_hbm.at[pl.ds(wbase, PW)], idx_all.at[pl.ds(0, PW)])
    pltpu.sync_copy(idx_hbm.at[pl.ds(tbase, _PAD)],
                    idx_all.at[pl.ds(PW, _PAD)])

    a2 = [a_v[pl.ds(H + _LN * k, _LN)] for k in range(nh)]
    s2p = a2[0]
    for k in range(1, nh):
        s2p = s2p + a2[k]
    s2 = jnp.full((_LN,), jnp.sum(s2p))
    lp = plsc.load_gather(seql_v, [jnp.full((_LN,), p, jnp.int32)])
    lanes = lax.iota(jnp.int32, _LN)

    def gather_descs(gk, b):
        main = pltpu.make_async_copy(
            emb_hbm.at[idx_all.at[pl.ds(gk * _CH, _CH)]],
            rows[b].at[pl.ds(0, _CH)], gsems[b])
        tail = pltpu.make_async_copy(
            emb_hbm.at[idx_all.at[pl.ds(gk * _CH + _CH, _PAD)]],
            rows[b].at[pl.ds(_CH, _PAD)], gsems[b])
        return main, tail

    def issue_gather(gk, b):
        for d in gather_descs(gk, b):
            d.start()

    def wait_gather(gk, b):
        for d in gather_descs(gk, b):
            d.wait()

    _HC = _CH // 2

    def out_descs(gk, b):
        return tuple(
            pltpu.make_async_copy(
                outs[b].at[pl.ds(h * _HC, _HC)],
                out_hbm.at[pl.ds(wbase + gk * _CH + h * _HC, _HC)], osems[b])
            for h in (0, 1))

    def compute_chunk(gk, b):
        rv = rows[b]
        ov = outs[b]
        ibase = i0 + gk * _CH

        def rowdot(u, carry):
            for r in (2 * u, 2 * u + 1):
                row = [rv[r, pl.ds(_LN * k, _LN)] for k in range(nh)]
                acc = row[0] * a2[0]
                for k in range(1, nh):
                    acc = acc + row[k] * a2[k]
                d_v[r, :] = jnp.full((_LN,), jnp.sum(acc))
            return carry

        lax.fori_loop(0, _CH // 2 + 1, rowdot, 0)

        def soft16(u, carry):
            base16 = u * _LN
            ridx = lanes + base16
            dvi = plsc.load_gather(d_v, [ridx, lanes])
            dvn = plsc.load_gather(d_v, [ridx + 1, lanes])
            delta = dvi - dvn + s2
            w0 = 1.0 / (1.0 + jnp.exp(-delta))
            ifv = (ridx + ibase).astype(jnp.float32)
            fe = lp - ifv - 1.0
            active = (ifv + 1.0) < lp
            ww_v[pl.ds(base16, _LN)] = jnp.where(active, w0, 1.0)
            tt_v[pl.ds(base16, _LN)] = jnp.where(active, fe + w0, 0.0)
            return carry

        lax.fori_loop(0, _CH // _LN, soft16, 0)

        r_init = tuple(rv[0, pl.ds(_LN * k, _LN)] for k in range(nh))

        def blend2(u, ga):
            i = 2 * u
            gb = tuple(rv[i + 1, pl.ds(_LN * k, _LN)] for k in range(nh))
            gc = tuple(rv[i + 2, pl.ds(_LN * k, _LN)] for k in range(nh))
            for pa, pb, ii in ((ga, gb, i), (gb, gc, i + 1)):
                iv = jnp.full((_LN,), ii, jnp.int32)
                wws = plsc.load_gather(ww_v, [iv])
                tts = plsc.load_gather(tt_v, [iv])
                for k in range(nh):
                    ov[ii, pl.ds(_LN * k, _LN)] = pb[k] + tts + wws * (pa[k] - pb[k])
            return gc

        car = lax.fori_loop(0, _CH // 4, blend2, r_init)
        out_descs(gk, b)[0].start()
        lax.fori_loop(_CH // 4, _CH // 2, blend2, car)
        out_descs(gk, b)[1].start()

    for b in (0, 1):
        issue_gather(b, b)

    def pair_body(gp, carry):
        for b in (0, 1):
            gk = 2 * gp + b
            wait_gather(gk, b)

            @pl.when(gk >= 2)
            def _():
                for d in out_descs(gk - 2, b):
                    d.wait()

            compute_chunk(gk, b)

            @pl.when(gk + 2 < nchunks)
            def _():
                issue_gather(gk + 2, b)

        return carry

    lax.fori_loop(0, nchunks // 2, pair_body, 0)
    for b in (0, 1):
        for d in out_descs(nchunks - 2 + b, b):
            d.wait()


def kernel(emb, a, seq, seq_l):
    B, L = seq.shape
    V, H = emb.shape
    BL = B * L
    PW = BL // _NW
    assert H % _LN == 0 and PW % _CH == 0 and L % PW == 0
    assert PW // _CH >= 6

    idx_flat = seq.reshape(-1).astype(jnp.int32)
    a_flat = a.reshape(-1).astype(jnp.float32)
    seql_f = seq_l.astype(jnp.float32)
    if seql_f.shape[0] % _LN != 0:
        seql_f = jnp.pad(seql_f, (0, _LN - seql_f.shape[0] % _LN))

    mesh = plsc.VectorSubcoreMesh(
        core_axis_name="c", subcore_axis_name="s",
        num_cores=_NC, num_subcores=_NS)

    run = pl.kernel(
        functools.partial(_body, L=L, H=H, PW=PW),
        out_type=jax.ShapeDtypeStruct((BL, H), jnp.float32),
        mesh=mesh,
        compiler_params=pltpu.CompilerParams(
            needs_layout_passes=False, skip_device_barrier=True),
        scratch_types=[
            pltpu.VMEM((2 * H,), jnp.float32),
            pltpu.VMEM((seql_f.shape[0],), jnp.float32),
            pltpu.VMEM((PW + _PAD,), jnp.int32),
            pltpu.VMEM((_CH + _PAD, H), jnp.float32),
            pltpu.VMEM((_CH + _PAD, H), jnp.float32),
            pltpu.VMEM((_CH, H), jnp.float32),
            pltpu.VMEM((_CH, H), jnp.float32),
            pltpu.VMEM((_CH + _PAD, _LN), jnp.float32),
            pltpu.VMEM((_CH,), jnp.float32),
            pltpu.VMEM((_CH,), jnp.float32),
            pltpu.SemaphoreType.DMA,
            pltpu.SemaphoreType.DMA,
            pltpu.SemaphoreType.DMA,
            pltpu.SemaphoreType.DMA,
        ],
    )
    out = run(emb, a_flat, seql_f, idx_flat)
    return out.reshape(B, L, H)

# --- scband reference (transcript-rebuilt; emitter-appended) ---
"""Pipeline reference for scband-graph-attention-layer-9096740733359 (READ-ONLY COPY).

The authoritative reference and input builder live on the scoring server;
editing this copy changes nothing except your own understanding.
"""

import jax, jax.numpy as jnp
import numpy as np

HIDDEN = 128
VOCAB = 100000
B = 16
L = 4096


def setup_inputs(seed: int = 0) -> dict:
    key = jax.random.key(seed)
    k1, k2, k3, k4 = jax.random.split(key, 4)
    emb = jax.random.normal(k1, (VOCAB, HIDDEN), dtype=jnp.float32)
    # xavier_uniform with gain=1.414 for a: shape (2*HIDDEN, 1)
    bound = 1.414 * np.sqrt(6.0 / (2 * HIDDEN + 1))
    a = jax.random.uniform(k2, (2 * HIDDEN, 1), minval=-bound, maxval=bound, dtype=jnp.float32)
    seq = jax.random.randint(k3, (B, L), 0, VOCAB, dtype=jnp.int64)
    seq_l = jax.random.randint(k4, (B,), 1, L + 1, dtype=jnp.int64)
    return {"emb": emb, "a": a, "seq": seq, "seq_l": seq_l}


def reference(emb, a, seq, seq_l):
    # Vectorized, faithful translation of GraphAttentionLayer.forward (concat=True).
    # For each batch p and position i < seq_l[p]-1:
    #   ei = emb[seq[p,i]]   + (seq_l[p]-i)     (positional scalar added to every dim)
    #   en = emb[seq[p,i+1]] + (seq_l[p]-i-1)
    #   h  = [[ei||ei],[ei||en]];  att = softmax(h @ a);  out = att0*ei + att1*en
    # For i >= seq_l[p]-1: out = emb[seq[p,i]]
    Bb, Ll = seq.shape
    hdim = emb.shape[1]
    pos = jnp.arange(Ll)
    Lp = seq_l[:, None].astype(jnp.float32)  # [B,1]
    ue_pos = Lp - pos[None, :].astype(jnp.float32)      # seq_l[p]-i, [B,L]
    fe_pos = ue_pos - 1.0                                # seq_l[p]-i-1
    e_cur = jnp.take(emb, seq, axis=0)                   # [B,L,h] gather
    # shifted-by-one embeddings (value at i = emb[seq[p,i+1]]); pad last (unused in active region)
    e_shift = jnp.concatenate([e_cur[:, 1:, :], e_cur[:, -1:, :]], axis=1)
    ei = e_cur + ue_pos[..., None]
    en = e_shift + fe_pos[..., None]
    a1 = a[:hdim, 0]
    a2 = a[hdim:, 0]
    s1 = ei @ a1                     # [B,L] : first half of both rows of h
    logit0 = s1 + ei @ a2            # row [ei||ei] @ a
    logit1 = s1 + en @ a2            # row [ei||en] @ a
    m = jnp.maximum(logit0, logit1)
    w0 = jnp.exp(logit0 - m)
    w1 = jnp.exp(logit1 - m)
    Z = w0 + w1
    u = (w0[..., None] * ei + w1[..., None] * en) / Z[..., None]
    active = pos[None, :] < (seq_l[:, None] - 1)         # [B,L]
    out = jnp.where(active[..., None], u, e_cur)
    return out

if __name__ == "__main__":
    import jax
    _d = setup_inputs()
    print(jax.jit(kernel)(*tuple(_d.values())))

</pallas_src>

<mosaic_0001>
#map = affine_map<(d0, d1) -> (0, 0)>
#map1 = affine_map<(d0, d1) -> (0)>
module attributes {stable_mosaic.version = 14 : i64} {
  func.func @_body(%arg0: i32, %arg1: i32, %arg2: memref<100000x128xf32, #tpu.memory_space<hbm>>, %arg3: memref<256xf32, #tpu.memory_space<hbm>>, %arg4: memref<16xf32, #tpu.memory_space<hbm>>, %arg5: memref<65536xi32, #tpu.memory_space<hbm>>, %arg6: memref<65536x128xf32, #tpu.memory_space<hbm>>, %arg7: memref<256xf32, #tpu.memory_space<vmem>>, %arg8: memref<16xf32, #tpu.memory_space<vmem>>, %arg9: memref<2056xi32, #tpu.memory_space<vmem>>, %arg10: memref<136x128xf32, #tpu.memory_space<vmem>>, %arg11: memref<136x128xf32, #tpu.memory_space<vmem>>, %arg12: memref<128x128xf32, #tpu.memory_space<vmem>>, %arg13: memref<128x128xf32, #tpu.memory_space<vmem>>, %arg14: memref<136x16xf32, #tpu.memory_space<vmem>>, %arg15: memref<128xf32, #tpu.memory_space<vmem>>, %arg16: memref<128xf32, #tpu.memory_space<vmem>>, %arg17: memref<!tpu.dma_semaphore, #tpu.memory_space<semaphore_mem>>, %arg18: memref<!tpu.dma_semaphore, #tpu.memory_space<semaphore_mem>>, %arg19: memref<!tpu.dma_semaphore, #tpu.memory_space<semaphore_mem>>, %arg20: memref<!tpu.dma_semaphore, #tpu.memory_space<semaphore_mem>>) attributes {dimension_semantics = [#tpu.dimension_semantics<core_parallel>, #tpu.dimension_semantics<subcore_parallel>], iteration_bounds = array<i64: 2, 16>, scalar_prefetch = 0 : i64, scratch_operands = 14 : i64, tpu.core_type = #tpu.core_type<sc_vector_subcore>, window_params = [{transform_indices = #map}, {transform_indices = #map1}, {transform_indices = #map1}, {transform_indices = #map1}, {transform_indices = #map}]} {
    %mul3A = arith.constant 2 : i32
    %mul3A_0 = arith.muli %arg1, %mul3A : i32
    %add3A = arith.addi %mul3A_0, %arg0 : i32
    %jit3A = arith.constant 2 : i32
    %div3A = arith.divsi %add3A, %jit3A : i32
    %sign3A = arith.constant 0 : i32
    %sign3A_1 = arith.cmpi sgt, %add3A, %sign3A : i32
    %sign3A_2 = arith.extui %sign3A_1 : i1 to i32
    %sign3A_3 = arith.constant 0 : i32
    %sign3A_4 = arith.cmpi slt, %add3A, %sign3A_3 : i32
    %sign3A_5 = arith.extui %sign3A_4 : i1 to i32
    %sign3A_6 = arith.subi %sign3A_2, %sign3A_5 : i32
    %sign3A_7 = arith.constant 0 : i32
    %sign3A_8 = arith.cmpi sgt, %jit3A, %sign3A_7 : i32
    %sign3A_9 = arith.extui %sign3A_8 : i1 to i32
    %sign3A_10 = arith.constant 0 : i32
    %sign3A_11 = arith.cmpi slt, %jit3A, %sign3A_10 : i32
    %sign3A_12 = arith.extui %sign3A_11 : i1 to i32
    %sign3A_13 = arith.subi %sign3A_9, %sign3A_12 : i32
    %ne3A = arith.cmpi ne, %sign3A_6, %sign3A_13 : i32
    %rem3A = arith.remsi %add3A, %jit3A : i32
    %ne3A_14 = arith.constant 0 : i32
    %ne3A_15 = arith.cmpi ne, %rem3A, %ne3A_14 : i32
    %and3A = arith.andi %ne3A, %ne3A_15 : i1
    %sub3A = arith.constant 1 : i32
    %sub3A_16 = arith.subi %div3A, %sub3A : i32
    %select_n3A = arith.select %and3A, %sub3A_16, %div3A : i32
    %jit3A_17 = arith.constant 2 : i32
    %eq3A = arith.constant 0 : i32
    %eq3A_18 = arith.cmpi eq, %jit3A_17, %eq3A : i32
    %jit3A_19 = arith.constant 1 : i32
    %select_n3A_20 = arith.select %eq3A_18, %jit3A_19, %jit3A_17 : i32
    %rem3A_21 = arith.remsi %add3A, %select_n3A_20 : i32
    %ne3A_22 = arith.constant 0 : i32
    %ne3A_23 = arith.cmpi ne, %rem3A_21, %ne3A_22 : i32
    %lt3A = arith.constant 0 : i32
    %lt3A_24 = arith.cmpi slt, %rem3A_21, %lt3A : i32
    %lt3A_25 = arith.constant 0 : i32
    %lt3A_26 = arith.cmpi slt, %select_n3A_20, %lt3A_25 : i32
    %ne3A_27 = arith.xori %lt3A_24, %lt3A_26 : i1
    %and3A_28 = arith.andi %ne3A_27, %ne3A_23 : i1
    %add3A_29 = arith.addi %rem3A_21, %select_n3A_20 : i32
    %select_n3A_30 = arith.select %and3A_28, %add3A_29, %rem3A_21 : i32
    %mul3A_31 = arith.constant 2048 : i32
    %mul3A_32 = arith.muli %select_n3A_30, %mul3A_31 : i32
    %mul3A_33 = arith.constant 2048 : i32
    %mul3A_34 = arith.muli %add3A, %mul3A_33 : i32
    "tpu.region"() ({
      %run_scoped3A = tpu.sem_alloc : memref<!tpu.dma_semaphore, #tpu.memory_space<semaphore_mem>>
      tpu.enqueue_dma source(%arg3 : memref<256xf32, #tpu.memory_space<hbm>>) target(%arg7 : memref<256xf32, #tpu.memory_space<vmem>>) target_semaphore(%run_scoped3A : memref<!tpu.dma_semaphore, #tpu.memory_space<semaphore_mem>>)
      tpu.wait_dma2 semaphore(%run_scoped3A : memref<!tpu.dma_semaphore, #tpu.memory_space<semaphore_mem>>) src(%arg3 : memref<256xf32, #tpu.memory_space<hbm>>) dst(%arg7 : memref<256xf32, #tpu.memory_space<vmem>>)
      tpu.yield
    }) : () -> ()
    "tpu.region"() ({
      %run_scoped3A = tpu.sem_alloc : memref<!tpu.dma_semaphore, #tpu.memory_space<semaphore_mem>>
      tpu.enqueue_dma source(%arg4 : memref<16xf32, #tpu.memory_space<hbm>>) target(%arg8 : memref<16xf32, #tpu.memory_space<vmem>>) target_semaphore(%run_scoped3A : memref<!tpu.dma_semaphore, #tpu.memory_space<semaphore_mem>>)
      tpu.wait_dma2 semaphore(%run_scoped3A : memref<!tpu.dma_semaphore, #tpu.memory_space<semaphore_mem>>) src(%arg4 : memref<16xf32, #tpu.memory_space<hbm>>) dst(%arg8 : memref<16xf32, #tpu.memory_space<vmem>>)
      tpu.yield
    }) : () -> ()
    %add3A_35 = arith.constant 2048 : i32
    %add3A_36 = arith.addi %mul3A_34, %add3A_35 : i32
    %min3A = arith.constant 65528 : i32
    %min3A_37 = arith.minsi %add3A_36, %min3A : i32
    "tpu.region"() ({
      %run_scoped3A = tpu.sem_alloc : memref<!tpu.dma_semaphore, #tpu.memory_space<semaphore_mem>>
      %dma_start3A_155 = arith.constant 0 : i32
      %dma_start3A_156 = tpu.memref_slice %arg9[%dma_start3A_155] : memref<2056xi32, #tpu.memory_space<vmem>> -> memref<2048xi32, #tpu.memory_space<vmem>>
      %dma_start3A_157 = tpu.memref_slice %arg5[%mul3A_34] : memref<65536xi32, #tpu.memory_space<hbm>> -> memref<2048xi32, #tpu.memory_space<hbm>>
      %dma_start3A_158 = arith.constant 0 : i32
      %dma_start3A_159 = tpu.memref_slice %arg9[%dma_start3A_158] : memref<2056xi32, #tpu.memory_space<vmem>> -> memref<2048xi32, #tpu.memory_space<vmem>>
      %dma_start3A_160 = tpu.memref_slice %arg5[%mul3A_34] : memref<65536xi32, #tpu.memory_space<hbm>> -> memref<2048xi32, #tpu.memory_space<hbm>>
      tpu.enqueue_dma source(%dma_start3A_160 : memref<2048xi32, #tpu.memory_space<hbm>>) target(%dma_start3A_159 : memref<2048xi32, #tpu.memory_space<vmem>>) target_semaphore(%run_scoped3A : memref<!tpu.dma_semaphore, #tpu.memory_space<semaphore_mem>>)
      %dma_wait3A_161 = arith.constant 0 : i32
      %dma_wait3A_162 = tpu.memref_slice %arg9[%dma_wait3A_161] : memref<2056xi32, #tpu.memory_space<vmem>> -> memref<2048xi32, #tpu.memory_space<vmem>>
      %dma_wait3A_163 = tpu.memref_slice %arg5[%mul3A_34] : memref<65536xi32, #tpu.memory_space<hbm>> -> memref<2048xi32, #tpu.memory_space<hbm>>
      %dma_wait3A_164 = arith.constant 0 : i32
      %dma_wait3A_165 = tpu.memref_slice %arg9[%dma_wait3A_164] : memref<2056xi32, #tpu.memory_space<vmem>> -> memref<2048xi32, #tpu.memory_space<vmem>>
      %dma_wait3A_166 = tpu.memref_slice %arg5[%mul3A_34] : memref<65536xi32, #tpu.memory_space<hbm>> -> memref<2048xi32, #tpu.memory_space<hbm>>
      tpu.wait_dma2 semaphore(%run_scoped3A : memref<!tpu.dma_semaphore, #tpu.memory_space<semaphore_mem>>) src(%dma_wait3A_166 : memref<2048xi32, #tpu.memory_space<hbm>>) dst(%dma_wait3A_165 : memref<2048xi32, #tpu.memory_space<vmem>>)
      tpu.yield
    }) : () -> ()
    "tpu.region"() ({
      %run_scoped3A = tpu.sem_alloc : memref<!tpu.dma_semaphore, #tpu.memory_space<semaphore_mem>>
      %dma_start3A_155 = arith.constant 2048 : i32
      %dma_start3A_156 = tpu.memref_slice %arg9[%dma_start3A_155] : memref<2056xi32, #tpu.memory_space<vmem>> -> memref<8xi32, #tpu.memory_space<vmem>>
      %dma_start3A_157 = tpu.memref_slice %arg5[%min3A_37] : memref<65536xi32, #tpu.memory_space<hbm>> -> memref<8xi32, #tpu.memory_space<hbm>>
      %dma_start3A_158 = arith.constant 2048 : i32
      %dma_start3A_159 = tpu.memref_slice %arg9[%dma_start3A_158] : memref<2056xi32, #tpu.memory_space<vmem>> -> memref<8xi32, #tpu.memory_space<vmem>>
      %dma_start3A_160 = tpu.memref_slice %arg5[%min3A_37] : memref<65536xi32, #tpu.memory_space<hbm>> -> memref<8xi32, #tpu.memory_space<hbm>>
      tpu.enqueue_dma source(%dma_start3A_160 : memref<8xi32, #tpu.memory_space<hbm>>) target(%dma_start3A_159 : memref<8xi32, #tpu.memory_space<vmem>>) target_semaphore(%run_scoped3A : memref<!tpu.dma_semaphore, #tpu.memory_space<semaphore_mem>>)
      %dma_wait3A_161 = arith.constant 2048 : i32
      %dma_wait3A_162 = tpu.memref_slice %arg9[%dma_wait3A_161] : memref<2056xi32, #tpu.memory_space<vmem>> -> memref<8xi32, #tpu.memory_space<vmem>>
      %dma_wait3A_163 = tpu.memref_slice %arg5[%min3A_37] : memref<65536xi32, #tpu.memory_space<hbm>> -> memref<8xi32, #tpu.memory_space<hbm>>
      %dma_wait3A_164 = arith.constant 2048 : i32
      %dma_wait3A_165 = tpu.memref_slice %arg9[%dma_wait3A_164] : memref<2056xi32, #tpu.memory_space<vmem>> -> memref<8xi32, #tpu.memory_space<vmem>>
      %dma_wait3A_166 = tpu.memref_slice %arg5[%min3A_37] : memref<65536xi32, #tpu.memory_space<hbm>> -> memref<8xi32, #tpu.memory_space<hbm>>
      tpu.wait_dma2 semaphore(%run_scoped3A : memref<!tpu.dma_semaphore, #tpu.memory_space<semaphore_mem>>) src(%dma_wait3A_166 : memref<8xi32, #tpu.memory_space<hbm>>) dst(%dma_wait3A_165 : memref<8xi32, #tpu.memory_space<vmem>>)
      tpu.yield
    }) : () -> ()
    %get3A = arith.constant 128 : index
    %get3A_38 = tpu.vector_load %arg7[%get3A] {strides = array<i32>} : memref<256xf32, #tpu.memory_space<vmem>>, vector<16xf32>,
    %get3A_39 = arith.constant 144 : index
    %get3A_40 = tpu.vector_load %arg7[%get3A_39] {strides = array<i32>} : memref<256xf32, #tpu.memory_space<vmem>>, vector<16xf32>,
    %get3A_41 = arith.constant 160 : index
    %get3A_42 = tpu.vector_load %arg7[%get3A_41] {strides = array<i32>} : memref<256xf32, #tpu.memory_space<vmem>>, vector<16xf32>,
    %get3A_43 = arith.constant 176 : index
    %get3A_44 = tpu.vector_load %arg7[%get3A_43] {strides = array<i32>} : memref<256xf32, #tpu.memory_space<vmem>>, vector<16xf32>,
    %get3A_45 = arith.constant 192 : index
    %get3A_46 = tpu.vector_load %arg7[%get3A_45] {strides = array<i32>} : memref<256xf32, #tpu.memory_space<vmem>>, vector<16xf32>,
    %get3A_47 = arith.constant 208 : index
    %get3A_48 = tpu.vector_load %arg7[%get3A_47] {strides = array<i32>} : memref<256xf32, #tpu.memory_space<vmem>>, vector<16xf32>,
    %get3A_49 = arith.constant 224 : index
    %get3A_50 = tpu.vector_load %arg7[%get3A_49] {strides = array<i32>} : memref<256xf32, #tpu.memory_space<vmem>>, vector<16xf32>,
    %get3A_51 = arith.constant 240 : index
    %get3A_52 = tpu.vector_load %arg7[%get3A_51] {strides = array<i32>} : memref<256xf32, #tpu.memory_space<vmem>>, vector<16xf32>,
    %add3A_53 = arith.addf %get3A_38, %get3A_40 : vector<16xf32>
    %add3A_54 = arith.addf %add3A_53, %get3A_42 : vector<16xf32>
    %add3A_55 = arith.addf %add3A_54, %get3A_44 : vector<16xf32>
    %add3A_56 = arith.addf %add3A_55, %get3A_46 : vector<16xf32>
    %add3A_57 = arith.addf %add3A_56, %get3A_48 : vector<16xf32>
    %add3A_58 = arith.addf %add3A_57, %get3A_50 : vector<16xf32>
    %add3A_59 = arith.addf %add3A_58, %get3A_52 : vector<16xf32>
    %reduce_sum3A = arith.constant true
    %reduce_sum3A_60 = vector.broadcast %reduce_sum3A : i1 to vector<16xi1>
    %reduce_sum3A_61 = tpu.scan <sum>, %add3A_59 masked %reduce_sum3A_60 : vector<16xf32>, vector<16xi1> -> vector<16xf32>
    %reduce_sum3A_62 = vector.extract %reduce_sum3A_61[15] : f32 from vector<16xf32>
    %broadcast_in_dim3A = vector.broadcast %reduce_sum3A_62 : f32 to vector<16xf32>
    %broadcast_in_dim3A_63 = vector.broadcast %select_n3A : i32 to vector<16xi32>
    %gather3A = tpu.vector_load_idx %arg8[%broadcast_in_dim3A_63] : memref<16xf32, #tpu.memory_space<vmem>>[vector<16xi32>], vector<16xf32>,
    %iota3A = tpu.iota {dimensions = array<i32: 0>} : vector<16xi32>
    %dma_start3A = arith.constant 0 : i32
    %dma_start3A_64 = arith.constant 0 : i32
    %dma_start3A_65 = tpu.memref_slice %arg10[%dma_start3A, %dma_start3A_64] : memref<136x128xf32, #tpu.memory_space<vmem>> -> memref<128x128xf32, #tpu.memory_space<vmem>>
    %dma_start3A_66 = arith.constant 0 : i32
    %dma_start3A_67 = tpu.memref_slice %arg9[%dma_start3A_66] : memref<2056xi32, #tpu.memory_space<vmem>> -> memref<128xi32, #tpu.memory_space<vmem>>
    %dma_start3A_68 = arith.constant 0 : i32
    %dma_start3A_69 = arith.constant 0 : i32
    %dma_start3A_70 = tpu.memref_slice %arg2[%dma_start3A_68, %dma_start3A_69] : memref<100000x128xf32, #tpu.memory_space<hbm>> -> memref<100000x128xf32, #tpu.memory_space<hbm>>
    tpu.enqueue_indirect_dma source(%dma_start3A_70 : memref<100000x128xf32, #tpu.memory_space<hbm>>) target(%dma_start3A_65 : memref<128x128xf32, #tpu.memory_space<vmem>>) offsets(%dma_start3A_67 : memref<128xi32, #tpu.memory_space<vmem>>) semaphore(%arg17 : memref<!tpu.dma_semaphore, #tpu.memory_space<semaphore_mem>>)
    %dma_start3A_71 = arith.constant 128 : i32
    %dma_start3A_72 = arith.constant 0 : i32
    %dma_start3A_73 = tpu.memref_slice %arg10[%dma_start3A_71, %dma_start3A_72] : memref<136x128xf32, #tpu.memory_space<vmem>> -> memref<8x128xf32, #tpu.memory_space<vmem>>
    %dma_start3A_74 = arith.constant 128 : i32
    %dma_start3A_75 = tpu.memref_slice %arg9[%dma_start3A_74] : memref<2056xi32, #tpu.memory_space<vmem>> -> memref<8xi32, #tpu.memory_space<vmem>>
    %dma_start3A_76 = arith.constant 0 : i32
    %dma_start3A_77 = arith.constant 0 : i32
    %dma_start3A_78 = tpu.memref_slice %arg2[%dma_start3A_76, %dma_start3A_77] : memref<100000x128xf32, #tpu.memory_space<hbm>> -> memref<100000x128xf32, #tpu.memory_space<hbm>>
    tpu.enqueue_indirect_dma source(%dma_start3A_78 : memref<100000x128xf32, #tpu.memory_space<hbm>>) target(%dma_start3A_73 : memref<8x128xf32, #tpu.memory_space<vmem>>) offsets(%dma_start3A_75 : memref<8xi32, #tpu.memory_space<vmem>>) semaphore(%arg17 : memref<!tpu.dma_semaphore, #tpu.memory_space<semaphore_mem>>)
    %dma_start3A_79 = arith.constant 0 : i32
    %dma_start3A_80 = arith.constant 0 : i32
    %dma_start3A_81 = tpu.memref_slice %arg11[%dma_start3A_79, %dma_start3A_80] : memref<136x128xf32, #tpu.memory_space<vmem>> -> memref<128x128xf32, #tpu.memory_space<vmem>>
    %dma_start3A_82 = arith.constant 128 : i32
    %dma_start3A_83 = tpu.memref_slice %arg9[%dma_start3A_82] : memref<2056xi32, #tpu.memory_space<vmem>> -> memref<128xi32, #tpu.memory_space<vmem>>
    %dma_start3A_84 = arith.constant 0 : i32
    %dma_start3A_85 = arith.constant 0 : i32
    %dma_start3A_86 = tpu.memref_slice %arg2[%dma_start3A_84, %dma_start3A_85] : memref<100000x128xf32, #tpu.memory_space<hbm>> -> memref<100000x128xf32, #tpu.memory_space<hbm>>
    tpu.enqueue_indirect_dma source(%dma_start3A_86 : memref<100000x128xf32, #tpu.memory_space<hbm>>) target(%dma_start3A_81 : memref<128x128xf32, #tpu.memory_space<vmem>>) offsets(%dma_start3A_83 : memref<128xi32, #tpu.memory_space<vmem>>) semaphore(%arg18 : memref<!tpu.dma_semaphore, #tpu.memory_space<semaphore_mem>>)
    %dma_start3A_87 = arith.constant 128 : i32
    %dma_start3A_88 = arith.constant 0 : i32
    %dma_start3A_89 = tpu.memref_slice %arg11[%dma_start3A_87, %dma_start3A_88] : memref<136x128xf32, #tpu.memory_space<vmem>> -> memref<8x128xf32, #tpu.memory_space<vmem>>
    %dma_start3A_90 = arith.constant 256 : i32
    %dma_start3A_91 = tpu.memref_slice %arg9[%dma_start3A_90] : memref<2056xi32, #tpu.memory_space<vmem>> -> memref<8xi32, #tpu.memory_space<vmem>>
    %dma_start3A_92 = arith.constant 0 : i32
    %dma_start3A_93 = arith.constant 0 : i32
    %dma_start3A_94 = tpu.memref_slice %arg2[%dma_start3A_92, %dma_start3A_93] : memref<100000x128xf32, #tpu.memory_space<hbm>> -> memref<100000x128xf32, #tpu.memory_space<hbm>>
    tpu.enqueue_indirect_dma source(%dma_start3A_94 : memref<100000x128xf32, #tpu.memory_space<hbm>>) target(%dma_start3A_89 : memref<8x128xf32, #tpu.memory_space<vmem>>) offsets(%dma_start3A_91 : memref<8xi32, #tpu.memory_space<vmem>>) semaphore(%arg18 : memref<!tpu.dma_semaphore, #tpu.memory_space<semaphore_mem>>)
    %scan3A = arith.constant 0 : i32
    %scan3A_95 = arith.constant 0 : i32
    %scan3A_96 = arith.constant 8 : i32
    %scan3A_97 = arith.addi %scan3A_95, %scan3A_96 : i32
    %scan3A_98 = arith.constant 1 : i32
    scf.for %scan3A_155 = %scan3A_95 to %scan3A_97 step %scan3A_98  : i32 {
      %mul3A_156 = arith.constant 2 : i32
      %mul3A_157 = arith.muli %mul3A_156, %scan3A_155 : i32
      %add3A_158 = arith.constant 0 : i32
      %add3A_159 = arith.addi %mul3A_157, %add3A_158 : i32
      %mul3A_160 = arith.constant 128 : i32
      %mul3A_161 = arith.muli %add3A_159, %mul3A_160 : i32
      %mul3A_162 = arith.constant 128 : i32
      %mul3A_163 = arith.muli %add3A_159, %mul3A_162 : i32
      %add3A_164 = arith.constant 128 : i32
      %add3A_165 = arith.addi %mul3A_163, %add3A_164 : i32
      %dma_wait3A_166 = arith.constant 0 : i32
      %dma_wait3A_167 = arith.constant 0 : i32
      %dma_wait3A_168 = tpu.memref_slice %arg10[%dma_wait3A_166, %dma_wait3A_167] : memref<136x128xf32, #tpu.memory_space<vmem>> -> memref<128x128xf32, #tpu.memory_space<vmem>>
      %dma_wait3A_169 = tpu.memref_slice %arg9[%mul3A_161] : memref<2056xi32, #tpu.memory_space<vmem>> -> memref<128xi32, #tpu.memory_space<vmem>>
      %dma_wait3A_170 = arith.constant 0 : i32
      %dma_wait3A_171 = arith.constant 0 : i32
      %dma_wait3A_172 = tpu.memref_slice %arg2[%dma_wait3A_170, %dma_wait3A_171] : memref<100000x128xf32, #tpu.memory_space<hbm>> -> memref<100000x128xf32, #tpu.memory_space<hbm>>
      tpu.wait_indirect_dma semaphore(%arg17 : memref<!tpu.dma_semaphore, #tpu.memory_space<semaphore_mem>>) src(%dma_wait3A_172 : memref<100000x128xf32, #tpu.memory_space<hbm>>) dst(%dma_wait3A_168 : memref<128x128xf32, #tpu.memory_space<vmem>>)
      %dma_wait3A_173 = arith.constant 128 : i32
      %dma_wait3A_174 = arith.constant 0 : i32
      %dma_wait3A_175 = tpu.memref_slice %arg10[%dma_wait3A_173, %dma_wait3A_174] : memref<136x128xf32, #tpu.memory_space<vmem>> -> memref<8x128xf32, #tpu.memory_space<vmem>>
      %dma_wait3A_176 = tpu.memref_slice %arg9[%add3A_165] : memref<2056xi32, #tpu.memory_space<vmem>> -> memref<8xi32, #tpu.memory_space<vmem>>
      %dma_wait3A_177 = arith.constant 0 : i32
      %dma_wait3A_178 = arith.constant 0 : i32
      %dma_wait3A_179 = tpu.memref_slice %arg2[%dma_wait3A_177, %dma_wait3A_178] : memref<100000x128xf32, #tpu.memory_space<hbm>> -> memref<100000x128xf32, #tpu.memory_space<hbm>>
      tpu.wait_indirect_dma semaphore(%arg17 : memref<!tpu.dma_semaphore, #tpu.memory_space<semaphore_mem>>) src(%dma_wait3A_179 : memref<100000x128xf32, #tpu.memory_space<hbm>>) dst(%dma_wait3A_175 : memref<8x128xf32, #tpu.memory_space<vmem>>)
      %ge3A = arith.constant 2 : i32
      %ge3A_180 = arith.cmpi sge, %add3A_159, %ge3A : i32
      %convert_element_type3A = arith.extui %ge3A_180 : i1 to i32
      %cond3A = arith.constant 0 : i32
      %cond3A_181 = arith.cmpi ne, %convert_element_type3A, %cond3A : i32
      scf.if %cond3A_181 {
        %sub3A_423 = arith.constant 2 : i32
        %sub3A_424 = arith.subi %add3A_159, %sub3A_423 : i32
        %mul3A_425 = arith.constant 128 : i32
        %mul3A_426 = arith.muli %sub3A_424, %mul3A_425 : i32
        %add3A_427 = arith.addi %mul3A_34, %mul3A_426 : i32
        %add3A_428 = arith.constant 0 : i32
        %add3A_429 = arith.addi %add3A_427, %add3A_428 : i32
        %mul3A_430 = arith.constant 128 : i32
        %mul3A_431 = arith.muli %sub3A_424, %mul3A_430 : i32
        %add3A_432 = arith.addi %mul3A_34, %mul3A_431 : i32
        %add3A_433 = arith.constant 64 : i32
        %add3A_434 = arith.addi %add3A_432, %add3A_433 : i32
        %dma_wait3A_435 = arith.constant 0 : i32
        %dma_wait3A_436 = arith.constant 0 : i32
        %dma_wait3A_437 = tpu.memref_slice %arg12[%dma_wait3A_435, %dma_wait3A_436] : memref<128x128xf32, #tpu.memory_space<vmem>> -> memref<64x128xf32, #tpu.memory_space<vmem>>
        %dma_wait3A_438 = arith.constant 0 : i32
        %dma_wait3A_439 = tpu.memref_slice %arg6[%add3A_429, %dma_wait3A_438] : memref<65536x128xf32, #tpu.memory_space<hbm>> -> memref<64x128xf32, #tpu.memory_space<hbm>>
        %dma_wait3A_440 = arith.constant 0 : i32
        %dma_wait3A_441 = tpu.memref_slice %arg6[%add3A_429, %dma_wait3A_440] : memref<65536x128xf32, #tpu.memory_space<hbm>> -> memref<64x128xf32, #tpu.memory_space<hbm>>
        %dma_wait3A_442 = arith.constant 0 : i32
        %dma_wait3A_443 = arith.constant 0 : i32
        %dma_wait3A_444 = tpu.memref_slice %arg12[%dma_wait3A_442, %dma_wait3A_443] : memref<128x128xf32, #tpu.memory_space<vmem>> -> memref<64x128xf32, #tpu.memory_space<vmem>>
        tpu.wait_dma2 semaphore(%arg19 : memref<!tpu.dma_semaphore, #tpu.memory_space<semaphore_mem>>) src(%dma_wait3A_444 : memref<64x128xf32, #tpu.memory_space<vmem>>) dst(%dma_wait3A_441 : memref<64x128xf32, #tpu.memory_space<hbm>>)
        %dma_wait3A_445 = arith.constant 64 : i32
        %dma_wait3A_446 = arith.constant 0 : i32
        %dma_wait3A_447 = tpu.memref_slice %arg12[%dma_wait3A_445, %dma_wait3A_446] : memref<128x128xf32, #tpu.memory_space<vmem>> -> memref<64x128xf32, #tpu.memory_space<vmem>>
        %dma_wait3A_448 = arith.constant 0 : i32
        %dma_wait3A_449 = tpu.memref_slice %arg6[%add3A_434, %dma_wait3A_448] : memref<65536x128xf32, #tpu.memory_space<hbm>> -> memref<64x128xf32, #tpu.memory_space<hbm>>
        %dma_wait3A_450 = arith.constant 0 : i32
        %dma_wait3A_451 = tpu.memref_slice %arg6[%add3A_434, %dma_wait3A_450] : memref<65536x128xf32, #tpu.memory_space<hbm>> -> memref<64x128xf32, #tpu.memory_space<hbm>>
        %dma_wait3A_452 = arith.constant 64 : i32
        %dma_wait3A_453 = arith.constant 0 : i32
        %dma_wait3A_454 = tpu.memref_slice %arg12[%dma_wait3A_452, %dma_wait3A_453] : memref<128x128xf32, #tpu.memory_space<vmem>> -> memref<64x128xf32, #tpu.memory_space<vmem>>
        tpu.wait_dma2 semaphore(%arg19 : memref<!tpu.dma_semaphore, #tpu.memory_space<semaphore_mem>>) src(%dma_wait3A_454 : memref<64x128xf32, #tpu.memory_space<vmem>>) dst(%dma_wait3A_451 : memref<64x128xf32, #tpu.memory_space<hbm>>)
      } else {
      }
      %mul3A_182 = arith.constant 128 : i32
      %mul3A_183 = arith.muli %add3A_159, %mul3A_182 : i32
      %add3A_184 = arith.addi %mul3A_32, %mul3A_183 : i32
      %scan3A_185 = arith.constant 0 : i32
      %scan3A_186 = arith.constant 0 : i32
      %scan3A_187 = arith.constant 65 : i32
      %scan3A_188 = arith.addi %scan3A_186, %scan3A_187 : i32
      %scan3A_189 = arith.constant 1 : i32
      scf.for %scan3A_423 = %scan3A_186 to %scan3A_188 step %scan3A_189  : i32 {
        %mul3A_424 = arith.constant 2 : i32
        %mul3A_425 = arith.muli %mul3A_424, %scan3A_423 : i32
        %mul3A_426 = arith.constant 2 : i32
        %mul3A_427 = arith.muli %mul3A_426, %scan3A_423 : i32
        %add3A_428 = arith.constant 1 : i32
        %add3A_429 = arith.addi %mul3A_427, %add3A_428 : i32
        %get3A_430 = arith.index_cast %mul3A_425 : i32 to index
        %get3A_431 = arith.constant 0 : index
        %get3A_432 = tpu.vector_load %arg10[%get3A_430, %get3A_431] {strides = array<i32>} : memref<136x128xf32, #tpu.memory_space<vmem>>, vector<16xf32>,
        %get3A_433 = arith.index_cast %mul3A_425 : i32 to index
        %get3A_434 = arith.constant 16 : index
        %get3A_435 = tpu.vector_load %arg10[%get3A_433, %get3A_434] {strides = array<i32>} : memref<136x128xf32, #tpu.memory_space<vmem>>, vector<16xf32>,
        %get3A_436 = arith.index_cast %mul3A_425 : i32 to index
        %get3A_437 = arith.constant 32 : index
        %get3A_438 = tpu.vector_load %arg10[%get3A_436, %get3A_437] {strides = array<i32>} : memref<136x128xf32, #tpu.memory_space<vmem>>, vector<16xf32>,
        %get3A_439 = arith.index_cast %mul3A_425 : i32 to index
        %get3A_440 = arith.constant 48 : index
        %get3A_441 = tpu.vector_load %arg10[%get3A_439, %get3A_440] {strides = array<i32>} : memref<136x128xf32, #tpu.memory_space<vmem>>, vector<16xf32>,
        %get3A_442 = arith.index_cast %mul3A_425 : i32 to index
        %get3A_443 = arith.constant 64 : index
        %get3A_444 = tpu.vector_load %arg10[%get3A_442, %get3A_443] {strides = array<i32>} : memref<136x128xf32, #tpu.memory_space<vmem>>, vector<16xf32>,
        %get3A_445 = arith.index_cast %mul3A_425 : i32 to index
        %get3A_446 = arith.constant 80 : index
        %get3A_447 = tpu.vector_load %arg10[%get3A_445, %get3A_446] {strides = array<i32>} : memref<136x128xf32, #tpu.memory_space<vmem>>, vector<16xf32>,
        %get3A_448 = arith.index_cast %mul3A_425 : i32 to index
        %get3A_449 = arith.constant 96 : index
        %get3A_450 = tpu.vector_load %arg10[%get3A_448, %get3A_449] {strides = array<i32>} : memref<136x128xf32, #tpu.memory_space<vmem>>, vector<16xf32>,
        %get3A_451 = arith.index_cast %mul3A_425 : i32 to index
        %get3A_452 = arith.constant 112 : index
        %get3A_453 = tpu.vector_load %arg10[%get3A_451, %get3A_452] {strides = array<i32>} : memref<136x128xf32, #tpu.memory_space<vmem>>, vector<16xf32>,
        %mul3A_454 = arith.mulf %get3A_432, %get3A_38 : vector<16xf32>
        %mul3A_455 = arith.mulf %get3A_435, %get3A_40 : vector<16xf32>
        %add3A_456 = arith.addf %mul3A_454, %mul3A_455 : vector<16xf32>
        %mul3A_457 = arith.mulf %get3A_438, %get3A_42 : vector<16xf32>
        %add3A_458 = arith.addf %add3A_456, %mul3A_457 : vector<16xf32>
        %mul3A_459 = arith.mulf %get3A_441, %get3A_44 : vector<16xf32>
        %add3A_460 = arith.addf %add3A_458, %mul3A_459 : vector<16xf32>
        %mul3A_461 = arith.mulf %get3A_444, %get3A_46 : vector<16xf32>
        %add3A_462 = arith.addf %add3A_460, %mul3A_461 : vector<16xf32>
        %mul3A_463 = arith.mulf %get3A_447, %get3A_48 : vector<16xf32>
        %add3A_464 = arith.addf %add3A_462, %mul3A_463 : vector<16xf32>
        %mul3A_465 = arith.mulf %get3A_450, %get3A_50 : vector<16xf32>
        %add3A_466 = arith.addf %add3A_464, %mul3A_465 : vector<16xf32>
        %mul3A_467 = arith.mulf %get3A_453, %get3A_52 : vector<16xf32>
        %add3A_468 = arith.addf %add3A_466, %mul3A_467 : vector<16xf32>
        %reduce_sum3A_469 = arith.constant true
        %reduce_sum3A_470 = vector.broadcast %reduce_sum3A_469 : i1 to vector<16xi1>
        %reduce_sum3A_471 = tpu.scan <sum>, %add3A_468 masked %reduce_sum3A_470 : vector<16xf32>, vector<16xi1> -> vector<16xf32>
        %reduce_sum3A_472 = vector.extract %reduce_sum3A_471[15] : f32 from vector<16xf32>
        %broadcast_in_dim3A_473 = vector.broadcast %reduce_sum3A_472 : f32 to vector<16xf32>
        %swap3A = arith.index_cast %mul3A_425 : i32 to index
        %swap3A_474 = arith.constant 0 : index
        %swap3A_475 = tpu.vector_load %arg14[%swap3A, %swap3A_474] {strides = array<i32>} : memref<136x16xf32, #tpu.memory_space<vmem>>, vector<16xf32>,
        tpu.vector_store %arg14[%swap3A, %swap3A_474], %broadcast_in_dim3A_473 {strides = array<i32>} : memref<136x16xf32, #tpu.memory_space<vmem>>, vector<16xf32>,
        %get3A_476 = arith.index_cast %add3A_429 : i32 to index
        %get3A_477 = arith.constant 0 : index
        %get3A_478 = tpu.vector_load %arg10[%get3A_476, %get3A_477] {strides = array<i32>} : memref<136x128xf32, #tpu.memory_space<vmem>>, vector<16xf32>,
        %get3A_479 = arith.index_cast %add3A_429 : i32 to index
        %get3A_480 = arith.constant 16 : index
        %get3A_481 = tpu.vector_load %arg10[%get3A_479, %get3A_480] {strides = array<i32>} : memref<136x128xf32, #tpu.memory_space<vmem>>, vector<16xf32>,
        %get3A_482 = arith.index_cast %add3A_429 : i32 to index
        %get3A_483 = arith.constant 32 : index
        %get3A_484 = tpu.vector_load %arg10[%get3A_482, %get3A_483] {strides = array<i32>} : memref<136x128xf32, #tpu.memory_space<vmem>>, vector<16xf32>,
        %get3A_485 = arith.index_cast %add3A_429 : i32 to index
        %get3A_486 = arith.constant 48 : index
        %get3A_487 = tpu.vector_load %arg10[%get3A_485, %get3A_486] {strides = array<i32>} : memref<136x128xf32, #tpu.memory_space<vmem>>, vector<16xf32>,
        %get3A_488 = arith.index_cast %add3A_429 : i32 to index
        %get3A_489 = arith.constant 64 : index
        %get3A_490 = tpu.vector_load %arg10[%get3A_488, %get3A_489] {strides = array<i32>} : memref<136x128xf32, #tpu.memory_space<vmem>>, vector<16xf32>,
        %get3A_491 = arith.index_cast %add3A_429 : i32 to index
        %get3A_492 = arith.constant 80 : index
        %get3A_493 = tpu.vector_load %arg10[%get3A_491, %get3A_492] {strides = array<i32>} : memref<136x128xf32, #tpu.memory_space<vmem>>, vector<16xf32>,
        %get3A_494 = arith.index_cast %add3A_429 : i32 to index
        %get3A_495 = arith.constant 96 : index
        %get3A_496 = tpu.vector_load %arg10[%get3A_494, %get3A_495] {strides = array<i32>} : memref<136x128xf32, #tpu.memory_space<vmem>>, vector<16xf32>,
        %get3A_497 = arith.index_cast %add3A_429 : i32 to index
        %get3A_498 = arith.constant 112 : index
        %get3A_499 = tpu.vector_load %arg10[%get3A_497, %get3A_498] {strides = array<i32>} : memref<136x128xf32, #tpu.memory_space<vmem>>, vector<16xf32>,
        %mul3A_500 = arith.mulf %get3A_478, %get3A_38 : vector<16xf32>
        %mul3A_501 = arith.mulf %get3A_481, %get3A_40 : vector<16xf32>
        %add3A_502 = arith.addf %mul3A_500, %mul3A_501 : vector<16xf32>
        %mul3A_503 = arith.mulf %get3A_484, %get3A_42 : vector<16xf32>
        %add3A_504 = arith.addf %add3A_502, %mul3A_503 : vector<16xf32>
        %mul3A_505 = arith.mulf %get3A_487, %get3A_44 : vector<16xf32>
        %add3A_506 = arith.addf %add3A_504, %mul3A_505 : vector<16xf32>
        %mul3A_507 = arith.mulf %get3A_490, %get3A_46 : vector<16xf32>
        %add3A_508 = arith.addf %add3A_506, %mul3A_507 : vector<16xf32>
        %mul3A_509 = arith.mulf %get3A_493, %get3A_48 : vector<16xf32>
        %add3A_510 = arith.addf %add3A_508, %mul3A_509 : vector<16xf32>
        %mul3A_511 = arith.mulf %get3A_496, %get3A_50 : vector<16xf32>
        %add3A_512 = arith.addf %add3A_510, %mul3A_511 : vector<16xf32>
        %mul3A_513 = arith.mulf %get3A_499, %get3A_52 : vector<16xf32>
        %add3A_514 = arith.addf %add3A_512, %mul3A_513 : vector<16xf32>
        %reduce_sum3A_515 = arith.constant true
        %reduce_sum3A_516 = vector.broadcast %reduce_sum3A_515 : i1 to vector<16xi1>
        %reduce_sum3A_517 = tpu.scan <sum>, %add3A_514 masked %reduce_sum3A_516 : vector<16xf32>, vector<16xi1> -> vector<16xf32>
        %reduce_sum3A_518 = vector.extract %reduce_sum3A_517[15] : f32 from vector<16xf32>
        %broadcast_in_dim3A_519 = vector.broadcast %reduce_sum3A_518 : f32 to vector<16xf32>
        %swap3A_520 = arith.index_cast %add3A_429 : i32 to index
        %swap3A_521 = arith.constant 0 : index
        %swap3A_522 = tpu.vector_load %arg14[%swap3A_520, %swap3A_521] {strides = array<i32>} : memref<136x16xf32, #tpu.memory_space<vmem>>, vector<16xf32>,
        tpu.vector_store %arg14[%swap3A_520, %swap3A_521], %broadcast_in_dim3A_519 {strides = array<i32>} : memref<136x16xf32, #tpu.memory_space<vmem>>, vector<16xf32>,
      }
      %scan3A_190 = arith.constant 65 : i32
      %scan3A_191 = arith.constant 0 : i32
      %scan3A_192 = arith.constant 0 : i32
      %scan3A_193 = arith.constant 8 : i32
      %scan3A_194 = arith.addi %scan3A_192, %scan3A_193 : i32
      %scan3A_195 = arith.constant 1 : i32
      scf.for %scan3A_423 = %scan3A_192 to %scan3A_194 step %scan3A_195  : i32 {
        %mul3A_424 = arith.constant 16 : i32
        %mul3A_425 = arith.muli %scan3A_423, %mul3A_424 : i32
        %add3A_426 = vector.broadcast %mul3A_425 : i32 to vector<16xi32>
        %add3A_427 = arith.addi %iota3A, %add3A_426 : vector<16xi32>
        %gather3A_428 = tpu.vector_load_idx %arg14[%add3A_427, %iota3A] : memref<136x16xf32, #tpu.memory_space<vmem>>[vector<16xi32>, vector<16xi32>], vector<16xf32>,
        %add3A_429 = arith.constant 1 : i32
        %add3A_430 = vector.broadcast %add3A_429 : i32 to vector<16xi32>
        %add3A_431 = arith.addi %add3A_427, %add3A_430 : vector<16xi32>
        %gather3A_432 = tpu.vector_load_idx %arg14[%add3A_431, %iota3A] : memref<136x16xf32, #tpu.memory_space<vmem>>[vector<16xi32>, vector<16xi32>], vector<16xf32>,
        %sub3A_433 = arith.subf %gather3A_428, %gather3A_432 : vector<16xf32>
        %add3A_434 = arith.addf %sub3A_433, %broadcast_in_dim3A : vector<16xf32>
        %neg3A = arith.constant 0.000000e+00 : f32
        %neg3A_435 = vector.broadcast %neg3A : f32 to vector<16xf32>
        %neg3A_436 = arith.subf %neg3A_435, %add3A_434 : vector<16xf32>
        %exp3A = math.exp %neg3A_436 : vector<16xf32>
        %add3A_437 = arith.constant 1.000000e+00 : f32
        %add3A_438 = vector.broadcast %add3A_437 : f32 to vector<16xf32>
        %add3A_439 = arith.addf %add3A_438, %exp3A : vector<16xf32>
        %div3A_440 = arith.constant 1.000000e+00 : f32
        %div3A_441 = vector.broadcast %div3A_440 : f32 to vector<16xf32>
        %div3A_442 = arith.divf %div3A_441, %add3A_439 : vector<16xf32>
        %add3A_443 = vector.broadcast %add3A_184 : i32 to vector<16xi32>
        %add3A_444 = arith.addi %add3A_427, %add3A_443 : vector<16xi32>
        %convert_element_type3A_445 = arith.sitofp %add3A_444 : vector<16xi32> to vector<16xf32>
        %sub3A_446 = arith.subf %gather3A, %convert_element_type3A_445 : vector<16xf32>
        %sub3A_447 = arith.constant 1.000000e+00 : f32
        %sub3A_448 = vector.broadcast %sub3A_447 : f32 to vector<16xf32>
        %sub3A_449 = arith.subf %sub3A_446, %sub3A_448 : vector<16xf32>
        %add3A_450 = arith.constant 1.000000e+00 : f32
        %add3A_451 = vector.broadcast %add3A_450 : f32 to vector<16xf32>
        %add3A_452 = arith.addf %convert_element_type3A_445, %add3A_451 : vector<16xf32>
        %lt3A_453 = arith.cmpf olt, %add3A_452, %gather3A : vector<16xf32>
        %jit3A_454 = arith.constant 1.000000e+00 : f32
        %broadcast_in_dim3A_455 = vector.broadcast %jit3A_454 : f32 to vector<16xf32>
        %select_n3A_456 = arith.select %lt3A_453, %div3A_442, %broadcast_in_dim3A_455 : vector<16xi1>, vector<16xf32>
        %swap3A = arith.index_cast %mul3A_425 : i32 to index
        %swap3A_457 = tpu.vector_load %arg15[%swap3A] {strides = array<i32>} : memref<128xf32, #tpu.memory_space<vmem>>, vector<16xf32>,
        tpu.vector_store %arg15[%swap3A], %select_n3A_456 {strides = array<i32>} : memref<128xf32, #tpu.memory_space<vmem>>, vector<16xf32>,
        %add3A_458 = arith.addf %sub3A_449, %div3A_442 : vector<16xf32>
        %jit3A_459 = arith.constant 0.000000e+00 : f32
        %broadcast_in_dim3A_460 = vector.broadcast %jit3A_459 : f32 to vector<16xf32>
        %select_n3A_461 = arith.select %lt3A_453, %add3A_458, %broadcast_in_dim3A_460 : vector<16xi1>, vector<16xf32>
        %swap3A_462 = arith.index_cast %mul3A_425 : i32 to index
        %swap3A_463 = tpu.vector_load %arg16[%swap3A_462] {strides = array<i32>} : memref<128xf32, #tpu.memory_space<vmem>>, vector<16xf32>,
        tpu.vector_store %arg16[%swap3A_462], %select_n3A_461 {strides = array<i32>} : memref<128xf32, #tpu.memory_space<vmem>>, vector<16xf32>,
      }
      %scan3A_196 = arith.constant 8 : i32
      %get3A_197 = arith.constant 0 : i32
      %get3A_198 = arith.index_cast %get3A_197 : i32 to index
      %get3A_199 = arith.constant 0 : index
      %get3A_200 = tpu.vector_load %arg10[%get3A_198, %get3A_199] {strides = array<i32>} : memref<136x128xf32, #tpu.memory_space<vmem>>, vector<16xf32>,
      %get3A_201 = arith.constant 0 : i32
      %get3A_202 = arith.index_cast %get3A_201 : i32 to index
      %get3A_203 = arith.constant 16 : index
      %get3A_204 = tpu.vector_load %arg10[%get3A_202, %get3A_203] {strides = array<i32>} : memref<136x128xf32, #tpu.memory_space<vmem>>, vector<16xf32>,
      %get3A_205 = arith.constant 0 : i32
      %get3A_206 = arith.index_cast %get3A_205 : i32 to index
      %get3A_207 = arith.constant 32 : index
      %get3A_208 = tpu.vector_load %arg10[%get3A_206, %get3A_207] {strides = array<i32>} : memref<136x128xf32, #tpu.memory_space<vmem>>, vector<16xf32>,
      %get3A_209 = arith.constant 0 : i32
      %get3A_210 = arith.index_cast %get3A_209 : i32 to index
      %get3A_211 = arith.constant 48 : index
      %get3A_212 = tpu.vector_load %arg10[%get3A_210, %get3A_211] {strides = array<i32>} : memref<136x128xf32, #tpu.memory_space<vmem>>, vector<16xf32>,
      %get3A_213 = arith.constant 0 : i32
      %get3A_214 = arith.index_cast %get3A_213 : i32 to index
      %get3A_215 = arith.constant 64 : index
      %get3A_216 = tpu.vector_load %arg10[%get3A_214, %get3A_215] {strides = array<i32>} : memref<136x128xf32, #tpu.memory_space<vmem>>, vector<16xf32>,
      %get3A_217 = arith.constant 0 : i32
      %get3A_218 = arith.index_cast %get3A_217 : i32 to index
      %get3A_219 = arith.constant 80 : index
      %get3A_220 = tpu.vector_load %arg10[%get3A_218, %get3A_219] {strides = array<i32>} : memref<136x128xf32, #tpu.memory_space<vmem>>, vector<16xf32>,
      %get3A_221 = arith.constant 0 : i32
      %get3A_222 = arith.index_cast %get3A_221 : i32 to index
      %get3A_223 = arith.constant 96 : index
      %get3A_224 = tpu.vector_load %arg10[%get3A_222, %get3A_223] {strides = array<i32>} : memref<136x128xf32, #tpu.memory_space<vmem>>, vector<16xf32>,
      %get3A_225 = arith.constant 0 : i32
      %get3A_226 = arith.index_cast %get3A_225 : i32 to index
      %get3A_227 = arith.constant 112 : index
      %get3A_228 = tpu.vector_load %arg10[%get3A_226, %get3A_227] {strides = array<i32>} : memref<136x128xf32, #tpu.memory_space<vmem>>, vector<16xf32>,
      %scan3A_229 = arith.constant 0 : i32
      %scan3A_230 = arith.constant 32 : i32
      %scan3A_231 = arith.addi %scan3A_229, %scan3A_230 : i32
      %scan3A_232 = arith.constant 1 : i32
      %scan3A_233:8 = scf.for %scan3A_423 = %scan3A_229 to %scan3A_231 step %scan3A_232 iter_args(%scan3A_424 = %get3A_200, %scan3A_425 = %get3A_204, %scan3A_426 = %get3A_208, %scan3A_427 = %get3A_212, %scan3A_428 = %get3A_216, %scan3A_429 = %get3A_220, %scan3A_430 = %get3A_224, %scan3A_431 = %get3A_228) -> (vector<16xf32>, vector<16xf32>, vector<16xf32>, vector<16xf32>, vector<16xf32>, vector<16xf32>, vector<16xf32>, vector<16xf32>)  : i32 {
        %mul3A_432 = arith.constant 2 : i32
        %mul3A_433 = arith.muli %mul3A_432, %scan3A_423 : i32
        %add3A_434 = arith.constant 1 : i32
        %add3A_435 = arith.addi %mul3A_433, %add3A_434 : i32
        %get3A_436 = arith.index_cast %add3A_435 : i32 to index
        %get3A_437 = arith.constant 0 : index
        %get3A_438 = tpu.vector_load %arg10[%get3A_436, %get3A_437] {strides = array<i32>} : memref<136x128xf32, #tpu.memory_space<vmem>>, vector<16xf32>,
        %add3A_439 = arith.constant 1 : i32
        %add3A_440 = arith.addi %mul3A_433, %add3A_439 : i32
        %get3A_441 = arith.index_cast %add3A_440 : i32 to index
        %get3A_442 = arith.constant 16 : index
        %get3A_443 = tpu.vector_load %arg10[%get3A_441, %get3A_442] {strides = array<i32>} : memref<136x128xf32, #tpu.memory_space<vmem>>, vector<16xf32>,
        %add3A_444 = arith.constant 1 : i32
        %add3A_445 = arith.addi %mul3A_433, %add3A_444 : i32
        %get3A_446 = arith.index_cast %add3A_445 : i32 to index
        %get3A_447 = arith.constant 32 : index
        %get3A_448 = tpu.vector_load %arg10[%get3A_446, %get3A_447] {strides = array<i32>} : memref<136x128xf32, #tpu.memory_space<vmem>>, vector<16xf32>,
        %add3A_449 = arith.constant 1 : i32
        %add3A_450 = arith.addi %mul3A_433, %add3A_449 : i32
        %get3A_451 = arith.index_cast %add3A_450 : i32 to index
        %get3A_452 = arith.constant 48 : index
        %get3A_453 = tpu.vector_load %arg10[%get3A_451, %get3A_452] {strides = array<i32>} : memref<136x128xf32, #tpu.memory_space<vmem>>, vector<16xf32>,
        %add3A_454 = arith.constant 1 : i32
        %add3A_455 = arith.addi %mul3A_433, %add3A_454 : i32
        %get3A_456 = arith.index_cast %add3A_455 : i32 to index
        %get3A_457 = arith.constant 64 : index
        %get3A_458 = tpu.vector_load %arg10[%get3A_456, %get3A_457] {strides = array<i32>} : memref<136x128xf32, #tpu.memory_space<vmem>>, vector<16xf32>,
        %add3A_459 = arith.constant 1 : i32
        %add3A_460 = arith.addi %mul3A_433, %add3A_459 : i32
        %get3A_461 = arith.index_cast %add3A_460 : i32 to index
        %get3A_462 = arith.constant 80 : index
        %get3A_463 = tpu.vector_load %arg10[%get3A_461, %get3A_462] {strides = array<i32>} : memref<136x128xf32, #tpu.memory_space<vmem>>, vector<16xf32>,
        %add3A_464 = arith.constant 1 : i32
        %add3A_465 = arith.addi %mul3A_433, %add3A_464 : i32
        %get3A_466 = arith.index_cast %add3A_465 : i32 to index
        %get3A_467 = arith.constant 96 : index
        %get3A_468 = tpu.vector_load %arg10[%get3A_466, %get3A_467] {strides = array<i32>} : memref<136x128xf32, #tpu.memory_space<vmem>>, vector<16xf32>,
        %add3A_469 = arith.constant 1 : i32
        %add3A_470 = arith.addi %mul3A_433, %add3A_469 : i32
        %get3A_471 = arith.index_cast %add3A_470 : i32 to index
        %get3A_472 = arith.constant 112 : index
        %get3A_473 = tpu.vector_load %arg10[%get3A_471, %get3A_472] {strides = array<i32>} : memref<136x128xf32, #tpu.memory_space<vmem>>, vector<16xf32>,
        %add3A_474 = arith.constant 2 : i32
        %add3A_475 = arith.addi %mul3A_433, %add3A_474 : i32
        %get3A_476 = arith.index_cast %add3A_475 : i32 to index
        %get3A_477 = arith.constant 0 : index
        %get3A_478 = tpu.vector_load %arg10[%get3A_476, %get3A_477] {strides = array<i32>} : memref<136x128xf32, #tpu.memory_space<vmem>>, vector<16xf32>,
        %add3A_479 = arith.constant 2 : i32
        %add3A_480 = arith.addi %mul3A_433, %add3A_479 : i32
        %get3A_481 = arith.index_cast %add3A_480 : i32 to index
        %get3A_482 = arith.constant 16 : index
        %get3A_483 = tpu.vector_load %arg10[%get3A_481, %get3A_482] {strides = array<i32>} : memref<136x128xf32, #tpu.memory_space<vmem>>, vector<16xf32>,
        %add3A_484 = arith.constant 2 : i32
        %add3A_485 = arith.addi %mul3A_433, %add3A_484 : i32
        %get3A_486 = arith.index_cast %add3A_485 : i32 to index
        %get3A_487 = arith.constant 32 : index
        %get3A_488 = tpu.vector_load %arg10[%get3A_486, %get3A_487] {strides = array<i32>} : memref<136x128xf32, #tpu.memory_space<vmem>>, vector<16xf32>,
        %add3A_489 = arith.constant 2 : i32
        %add3A_490 = arith.addi %mul3A_433, %add3A_489 : i32
        %get3A_491 = arith.index_cast %add3A_490 : i32 to index
        %get3A_492 = arith.constant 48 : index
        %get3A_493 = tpu.vector_load %arg10[%get3A_491, %get3A_492] {strides = array<i32>} : memref<136x128xf32, #tpu.memory_space<vmem>>, vector<16xf32>,
        %add3A_494 = arith.constant 2 : i32
        %add3A_495 = arith.addi %mul3A_433, %add3A_494 : i32
        %get3A_496 = arith.index_cast %add3A_495 : i32 to index
        %get3A_497 = arith.constant 64 : index
        %get3A_498 = tpu.vector_load %arg10[%get3A_496, %get3A_497] {strides = array<i32>} : memref<136x128xf32, #tpu.memory_space<vmem>>, vector<16xf32>,
        %add3A_499 = arith.constant 2 : i32
        %add3A_500 = arith.addi %mul3A_433, %add3A_499 : i32
        %get3A_501 = arith.index_cast %add3A_500 : i32 to index
        %get3A_502 = arith.constant 80 : index
        %get3A_503 = tpu.vector_load %arg10[%get3A_501, %get3A_502] {strides = array<i32>} : memref<136x128xf32, #tpu.memory_space<vmem>>, vector<16xf32>,
        %add3A_504 = arith.constant 2 : i32
        %add3A_505 = arith.addi %mul3A_433, %add3A_504 : i32
        %get3A_506 = arith.index_cast %add3A_505 : i32 to index
        %get3A_507 = arith.constant 96 : index
        %get3A_508 = tpu.vector_load %arg10[%get3A_506, %get3A_507] {strides = array<i32>} : memref<136x128xf32, #tpu.memory_space<vmem>>, vector<16xf32>,
        %add3A_509 = arith.constant 2 : i32
        %add3A_510 = arith.addi %mul3A_433, %add3A_509 : i32
        %get3A_511 = arith.index_cast %add3A_510 : i32 to index
        %get3A_512 = arith.constant 112 : index
        %get3A_513 = tpu.vector_load %arg10[%get3A_511, %get3A_512] {strides = array<i32>} : memref<136x128xf32, #tpu.memory_space<vmem>>, vector<16xf32>,
        %add3A_514 = arith.constant 1 : i32
        %add3A_515 = arith.addi %mul3A_433, %add3A_514 : i32
        %broadcast_in_dim3A_516 = vector.broadcast %mul3A_433 : i32 to vector<16xi32>
        %gather3A_517 = tpu.vector_load_idx %arg15[%broadcast_in_dim3A_516] : memref<128xf32, #tpu.memory_space<vmem>>[vector<16xi32>], vector<16xf32>,
        %gather3A_518 = tpu.vector_load_idx %arg16[%broadcast_in_dim3A_516] : memref<128xf32, #tpu.memory_space<vmem>>[vector<16xi32>], vector<16xf32>,
        %add3A_519 = arith.addf %get3A_438, %gather3A_518 : vector<16xf32>
        %sub3A_520 = arith.subf %scan3A_424, %get3A_438 : vector<16xf32>
        %mul3A_521 = arith.mulf %gather3A_517, %sub3A_520 : vector<16xf32>
        %add3A_522 = arith.addf %add3A_519, %mul3A_521 : vector<16xf32>
        %swap3A = arith.index_cast %mul3A_433 : i32 to index
        %swap3A_523 = arith.constant 0 : index
        %swap3A_524 = tpu.vector_load %arg12[%swap3A, %swap3A_523] {strides = array<i32>} : memref<128x128xf32, #tpu.memory_space<vmem>>, vector<16xf32>,
        tpu.vector_store %arg12[%swap3A, %swap3A_523], %add3A_522 {strides = array<i32>} : memref<128x128xf32, #tpu.memory_space<vmem>>, vector<16xf32>,
        %add3A_525 = arith.addf %get3A_443, %gather3A_518 : vector<16xf32>
        %sub3A_526 = arith.subf %scan3A_425, %get3A_443 : vector<16xf32>
        %mul3A_527 = arith.mulf %gather3A_517, %sub3A_526 : vector<16xf32>
        %add3A_528 = arith.addf %add3A_525, %mul3A_527 : vector<16xf32>
        %swap3A_529 = arith.index_cast %mul3A_433 : i32 to index
        %swap3A_530 = arith.constant 16 : index
        %swap3A_531 = tpu.vector_load %arg12[%swap3A_529, %swap3A_530] {strides = array<i32>} : memref<128x128xf32, #tpu.memory_space<vmem>>, vector<16xf32>,
        tpu.vector_store %arg12[%swap3A_529, %swap3A_530], %add3A_528 {strides = array<i32>} : memref<128x128xf32, #tpu.memory_space<vmem>>, vector<16xf32>,
        %add3A_532 = arith.addf %get3A_448, %gather3A_518 : vector<16xf32>
        %sub3A_533 = arith.subf %scan3A_426, %get3A_448 : vector<16xf32>
        %mul3A_534 = arith.mulf %gather3A_517, %sub3A_533 : vector<16xf32>
        %add3A_535 = arith.addf %add3A_532, %mul3A_534 : vector<16xf32>
        %swap3A_536 = arith.index_cast %mul3A_433 : i32 to index
        %swap3A_537 = arith.constant 32 : index
        %swap3A_538 = tpu.vector_load %arg12[%swap3A_536, %swap3A_537] {strides = array<i32>} : memref<128x128xf32, #tpu.memory_space<vmem>>, vector<16xf32>,
        tpu.vector_store %arg12[%swap3A_536, %swap3A_537], %add3A_535 {strides = array<i32>} : memref<128x128xf32, #tpu.memory_space<vmem>>, vector<16xf32>,
        %add3A_539 = arith.addf %get3A_453, %gather3A_518 : vector<16xf32>
        %sub3A_540 = arith.subf %scan3A_427, %get3A_453 : vector<16xf32>
        %mul3A_541 = arith.mulf %gather3A_517, %sub3A_540 : vector<16xf32>
        %add3A_542 = arith.addf %add3A_539, %mul3A_541 : vector<16xf32>
        %swap3A_543 = arith.index_cast %mul3A_433 : i32 to index
        %swap3A_544 = arith.constant 48 : index
        %swap3A_545 = tpu.vector_load %arg12[%swap3A_543, %swap3A_544] {strides = array<i32>} : memref<128x128xf32, #tpu.memory_space<vmem>>, vector<16xf32>,
        tpu.vector_store %arg12[%swap3A_543, %swap3A_544], %add3A_542 {strides = array<i32>} : memref<128x128xf32, #tpu.memory_space<vmem>>, vector<16xf32>,
        %add3A_546 = arith.addf %get3A_458, %gather3A_518 : vector<16xf32>
        %sub3A_547 = arith.subf %scan3A_428, %get3A_458 : vector<16xf32>
        %mul3A_548 = arith.mulf %gather3A_517, %sub3A_547 : vector<16xf32>
        %add3A_549 = arith.addf %add3A_546, %mul3A_548 : vector<16xf32>
        %swap3A_550 = arith.index_cast %mul3A_433 : i32 to index
        %swap3A_551 = arith.constant 64 : index
        %swap3A_552 = tpu.vector_load %arg12[%swap3A_550, %swap3A_551] {strides = array<i32>} : memref<128x128xf32, #tpu.memory_space<vmem>>, vector<16xf32>,
        tpu.vector_store %arg12[%swap3A_550, %swap3A_551], %add3A_549 {strides = array<i32>} : memref<128x128xf32, #tpu.memory_space<vmem>>, vector<16xf32>,
        %add3A_553 = arith.addf %get3A_463, %gather3A_518 : vector<16xf32>
        %sub3A_554 = arith.subf %scan3A_429, %get3A_463 : vector<16xf32>
        %mul3A_555 = arith.mulf %gather3A_517, %sub3A_554 : vector<16xf32>
        %add3A_556 = arith.addf %add3A_553, %mul3A_555 : vector<16xf32>
        %swap3A_557 = arith.index_cast %mul3A_433 : i32 to index
        %swap3A_558 = arith.constant 80 : index
        %swap3A_559 = tpu.vector_load %arg12[%swap3A_557, %swap3A_558] {strides = array<i32>} : memref<128x128xf32, #tpu.memory_space<vmem>>, vector<16xf32>,
        tpu.vector_store %arg12[%swap3A_557, %swap3A_558], %add3A_556 {strides = array<i32>} : memref<128x128xf32, #tpu.memory_space<vmem>>, vector<16xf32>,
        %add3A_560 = arith.addf %get3A_468, %gather3A_518 : vector<16xf32>
        %sub3A_561 = arith.subf %scan3A_430, %get3A_468 : vector<16xf32>
        %mul3A_562 = arith.mulf %gather3A_517, %sub3A_561 : vector<16xf32>
        %add3A_563 = arith.addf %add3A_560, %mul3A_562 : vector<16xf32>
        %swap3A_564 = arith.index_cast %mul3A_433 : i32 to index
        %swap3A_565 = arith.constant 96 : index
        %swap3A_566 = tpu.vector_load %arg12[%swap3A_564, %swap3A_565] {strides = array<i32>} : memref<128x128xf32, #tpu.memory_space<vmem>>, vector<16xf32>,
        tpu.vector_store %arg12[%swap3A_564, %swap3A_565], %add3A_563 {strides = array<i32>} : memref<128x128xf32, #tpu.memory_space<vmem>>, vector<16xf32>,
        %add3A_567 = arith.addf %get3A_473, %gather3A_518 : vector<16xf32>
        %sub3A_568 = arith.subf %scan3A_431, %get3A_473 : vector<16xf32>
        %mul3A_569 = arith.mulf %gather3A_517, %sub3A_568 : vector<16xf32>
        %add3A_570 = arith.addf %add3A_567, %mul3A_569 : vector<16xf32>
        %swap3A_571 = arith.index_cast %mul3A_433 : i32 to index
        %swap3A_572 = arith.constant 112 : index
        %swap3A_573 = tpu.vector_load %arg12[%swap3A_571, %swap3A_572] {strides = array<i32>} : memref<128x128xf32, #tpu.memory_space<vmem>>, vector<16xf32>,
        tpu.vector_store %arg12[%swap3A_571, %swap3A_572], %add3A_570 {strides = array<i32>} : memref<128x128xf32, #tpu.memory_space<vmem>>, vector<16xf32>,
        %broadcast_in_dim3A_574 = vector.broadcast %add3A_515 : i32 to vector<16xi32>
        %gather3A_575 = tpu.vector_load_idx %arg15[%broadcast_in_dim3A_574] : memref<128xf32, #tpu.memory_space<vmem>>[vector<16xi32>], vector<16xf32>,
        %gather3A_576 = tpu.vector_load_idx %arg16[%broadcast_in_dim3A_574] : memref<128xf32, #tpu.memory_space<vmem>>[vector<16xi32>], vector<16xf32>,
        %add3A_577 = arith.addf %get3A_478, %gather3A_576 : vector<16xf32>
        %sub3A_578 = arith.subf %get3A_438, %get3A_478 : vector<16xf32>
        %mul3A_579 = arith.mulf %gather3A_575, %sub3A_578 : vector<16xf32>
        %add3A_580 = arith.addf %add3A_577, %mul3A_579 : vector<16xf32>
        %swap3A_581 = arith.index_cast %add3A_515 : i32 to index
        %swap3A_582 = arith.constant 0 : index
        %swap3A_583 = tpu.vector_load %arg12[%swap3A_581, %swap3A_582] {strides = array<i32>} : memref<128x128xf32, #tpu.memory_space<vmem>>, vector<16xf32>,
        tpu.vector_store %arg12[%swap3A_581, %swap3A_582], %add3A_580 {strides = array<i32>} : memref<128x128xf32, #tpu.memory_space<vmem>>, vector<16xf32>,
        %add3A_584 = arith.addf %get3A_483, %gather3A_576 : vector<16xf32>
        %sub3A_585 = arith.subf %get3A_443, %get3A_483 : vector<16xf32>
        %mul3A_586 = arith.mulf %gather3A_575, %sub3A_585 : vector<16xf32>
        %add3A_587 = arith.addf %add3A_584, %mul3A_586 : vector<16xf32>
        %swap3A_588 = arith.index_cast %add3A_515 : i32 to index
        %swap3A_589 = arith.constant 16 : index
        %swap3A_590 = tpu.vector_load %arg12[%swap3A_588, %swap3A_589] {strides = array<i32>} : memref<128x128xf32, #tpu.memory_space<vmem>>, vector<16xf32>,
        tpu.vector_store %arg12[%swap3A_588, %swap3A_589], %add3A_587 {strides = array<i32>} : memref<128x128xf32, #tpu.memory_space<vmem>>, vector<16xf32>,
        %add3A_591 = arith.addf %get3A_488, %gather3A_576 : vector<16xf32>
        %sub3A_592 = arith.subf %get3A_448, %get3A_488 : vector<16xf32>
        %mul3A_593 = arith.mulf %gather3A_575, %sub3A_592 : vector<16xf32>
        %add3A_594 = arith.addf %add3A_591, %mul3A_593 : vector<16xf32>
        %swap3A_595 = arith.index_cast %add3A_515 : i32 to index
        %swap3A_596 = arith.constant 32 : index
        %swap3A_597 = tpu.vector_load %arg12[%swap3A_595, %swap3A_596] {strides = array<i32>} : memref<128x128xf32, #tpu.memory_space<vmem>>, vector<16xf32>,
        tpu.vector_store %arg12[%swap3A_595, %swap3A_596], %add3A_594 {strides = array<i32>} : memref<128x128xf32, #tpu.memory_space<vmem>>, vector<16xf32>,
        %add3A_598 = arith.addf %get3A_493, %gather3A_576 : vector<16xf32>
        %sub3A_599 = arith.subf %get3A_453, %get3A_493 : vector<16xf32>
        %mul3A_600 = arith.mulf %gather3A_575, %sub3A_599 : vector<16xf32>
        %add3A_601 = arith.addf %add3A_598, %mul3A_600 : vector<16xf32>
        %swap3A_602 = arith.index_cast %add3A_515 : i32 to index
        %swap3A_603 = arith.constant 48 : index
        %swap3A_604 = tpu.vector_load %arg12[%swap3A_602, %swap3A_603] {strides = array<i32>} : memref<128x128xf32, #tpu.memory_space<vmem>>, vector<16xf32>,
        tpu.vector_store %arg12[%swap3A_602, %swap3A_603], %add3A_601 {strides = array<i32>} : memref<128x128xf32, #tpu.memory_space<vmem>>, vector<16xf32>,
        %add3A_605 = arith.addf %get3A_498, %gather3A_576 : vector<16xf32>
        %sub3A_606 = arith.subf %get3A_458, %get3A_498 : vector<16xf32>
        %mul3A_607 = arith.mulf %gather3A_575, %sub3A_606 : vector<16xf32>
        %add3A_608 = arith.addf %add3A_605, %mul3A_607 : vector<16xf32>
        %swap3A_609 = arith.index_cast %add3A_515 : i32 to index
        %swap3A_610 = arith.constant 64 : index
        %swap3A_611 = tpu.vector_load %arg12[%swap3A_609, %swap3A_610] {strides = array<i32>} : memref<128x128xf32, #tpu.memory_space<vmem>>, vector<16xf32>,
        tpu.vector_store %arg12[%swap3A_609, %swap3A_610], %add3A_608 {strides = array<i32>} : memref<128x128xf32, #tpu.memory_space<vmem>>, vector<16xf32>,
        %add3A_612 = arith.addf %get3A_503, %gather3A_576 : vector<16xf32>
        %sub3A_613 = arith.subf %get3A_463, %get3A_503 : vector<16xf32>
        %mul3A_614 = arith.mulf %gather3A_575, %sub3A_613 : vector<16xf32>
        %add3A_615 = arith.addf %add3A_612, %mul3A_614 : vector<16xf32>
        %swap3A_616 = arith.index_cast %add3A_515 : i32 to index
        %swap3A_617 = arith.constant 80 : index
        %swap3A_618 = tpu.vector_load %arg12[%swap3A_616, %swap3A_617] {strides = array<i32>} : memref<128x128xf32, #tpu.memory_space<vmem>>, vector<16xf32>,
        tpu.vector_store %arg12[%swap3A_616, %swap3A_617], %add3A_615 {strides = array<i32>} : memref<128x128xf32, #tpu.memory_space<vmem>>, vector<16xf32>,
        %add3A_619 = arith.addf %get3A_508, %gather3A_576 : vector<16xf32>
        %sub3A_620 = arith.subf %get3A_468, %get3A_508 : vector<16xf32>
        %mul3A_621 = arith.mulf %gather3A_575, %sub3A_620 : vector<16xf32>
        %add3A_622 = arith.addf %add3A_619, %mul3A_621 : vector<16xf32>
        %swap3A_623 = arith.index_cast %add3A_515 : i32 to index
        %swap3A_624 = arith.constant 96 : index
        %swap3A_625 = tpu.vector_load %arg12[%swap3A_623, %swap3A_624] {strides = array<i32>} : memref<128x128xf32, #tpu.memory_space<vmem>>, vector<16xf32>,
        tpu.vector_store %arg12[%swap3A_623, %swap3A_624], %add3A_622 {strides = array<i32>} : memref<128x128xf32, #tpu.memory_space<vmem>>, vector<16xf32>,
        %add3A_626 = arith.addf %get3A_513, %gather3A_576 : vector<16xf32>
        %sub3A_627 = arith.subf %get3A_473, %get3A_513 : vector<16xf32>
        %mul3A_628 = arith.mulf %gather3A_575, %sub3A_627 : vector<16xf32>
        %add3A_629 = arith.addf %add3A_626, %mul3A_628 : vector<16xf32>
        %swap3A_630 = arith.index_cast %add3A_515 : i32 to index
        %swap3A_631 = arith.constant 112 : index
        %swap3A_632 = tpu.vector_load %arg12[%swap3A_630, %swap3A_631] {strides = array<i32>} : memref<128x128xf32, #tpu.memory_space<vmem>>, vector<16xf32>,
        tpu.vector_store %arg12[%swap3A_630, %swap3A_631], %add3A_629 {strides = array<i32>} : memref<128x128xf32, #tpu.memory_space<vmem>>, vector<16xf32>,
        scf.yield %get3A_478, %get3A_483, %get3A_488, %get3A_493, %get3A_498, %get3A_503, %get3A_508, %get3A_513 : vector<16xf32>, vector<16xf32>, vector<16xf32>, vector<16xf32>, vector<16xf32>, vector<16xf32>, vector<16xf32>, vector<16xf32>
      }
      %scan3A_234 = arith.constant 32 : i32
      %mul3A_235 = arith.constant 128 : i32
      %mul3A_236 = arith.muli %add3A_159, %mul3A_235 : i32
      %add3A_237 = arith.addi %mul3A_34, %mul3A_236 : i32
      %add3A_238 = arith.constant 0 : i32
      %add3A_239 = arith.addi %add3A_237, %add3A_238 : i32
      %mul3A_240 = arith.constant 128 : i32
      %mul3A_241 = arith.muli %add3A_159, %mul3A_240 : i32
      %add3A_242 = arith.addi %mul3A_34, %mul3A_241 : i32
      %add3A_243 = arith.constant 64 : i32
      %add3A_244 = arith.addi %add3A_242, %add3A_243 : i32
      %dma_start3A_245 = arith.constant 0 : i32
      %dma_start3A_246 = arith.constant 0 : i32
      %dma_start3A_247 = tpu.memref_slice %arg12[%dma_start3A_245, %dma_start3A_246] : memref<128x128xf32, #tpu.memory_space<vmem>> -> memref<64x128xf32, #tpu.memory_space<vmem>>
      %dma_start3A_248 = arith.constant 0 : i32
      %dma_start3A_249 = tpu.memref_slice %arg6[%add3A_239, %dma_start3A_248] : memref<65536x128xf32, #tpu.memory_space<hbm>> -> memref<64x128xf32, #tpu.memory_space<hbm>>
      %dma_start3A_250 = arith.constant 0 : i32
      %dma_start3A_251 = tpu.memref_slice %arg6[%add3A_239, %dma_start3A_250] : memref<65536x128xf32, #tpu.memory_space<hbm>> -> memref<64x128xf32, #tpu.memory_space<hbm>>
      %dma_start3A_252 = arith.constant 0 : i32
      %dma_start3A_253 = arith.constant 0 : i32
      %dma_start3A_254 = tpu.memref_slice %arg12[%dma_start3A_252, %dma_start3A_253] : memref<128x128xf32, #tpu.memory_space<vmem>> -> memref<64x128xf32, #tpu.memory_space<vmem>>
      tpu.enqueue_dma source(%dma_start3A_254 : memref<64x128xf32, #tpu.memory_space<vmem>>) target(%dma_start3A_251 : memref<64x128xf32, #tpu.memory_space<hbm>>) target_semaphore(%arg19 : memref<!tpu.dma_semaphore, #tpu.memory_space<semaphore_mem>>)
      %scan3A_255 = arith.constant 32 : i32
      %scan3A_256 = arith.constant 32 : i32
      %scan3A_257 = arith.addi %scan3A_255, %scan3A_256 : i32
      %scan3A_258 = arith.constant 1 : i32
      %scan3A_259:8 = scf.for %scan3A_423 = %scan3A_255 to %scan3A_257 step %scan3A_258 iter_args(%scan3A_424 = %scan3A_233#0, %scan3A_425 = %scan3A_233#1, %scan3A_426 = %scan3A_233#2, %scan3A_427 = %scan3A_233#3, %scan3A_428 = %scan3A_233#4, %scan3A_429 = %scan3A_233#5, %scan3A_430 = %scan3A_233#6, %scan3A_431 = %scan3A_233#7) -> (vector<16xf32>, vector<16xf32>, vector<16xf32>, vector<16xf32>, vector<16xf32>, vector<16xf32>, vector<16xf32>, vector<16xf32>)  : i32 {
        %mul3A_432 = arith.constant 2 : i32
        %mul3A_433 = arith.muli %mul3A_432, %scan3A_423 : i32
        %add3A_434 = arith.constant 1 : i32
        %add3A_435 = arith.addi %mul3A_433, %add3A_434 : i32
        %get3A_436 = arith.index_cast %add3A_435 : i32 to index
        %get3A_437 = arith.constant 0 : index
        %get3A_438 = tpu.vector_load %arg10[%get3A_436, %get3A_437] {strides = array<i32>} : memref<136x128xf32, #tpu.memory_space<vmem>>, vector<16xf32>,
        %add3A_439 = arith.constant 1 : i32
        %add3A_440 = arith.addi %mul3A_433, %add3A_439 : i32
        %get3A_441 = arith.index_cast %add3A_440 : i32 to index
        %get3A_442 = arith.constant 16 : index
        %get3A_443 = tpu.vector_load %arg10[%get3A_441, %get3A_442] {strides = array<i32>} : memref<136x128xf32, #tpu.memory_space<vmem>>, vector<16xf32>,
        %add3A_444 = arith.constant 1 : i32
        %add3A_445 = arith.addi %mul3A_433, %add3A_444 : i32
        %get3A_446 = arith.index_cast %add3A_445 : i32 to index
        %get3A_447 = arith.constant 32 : index
        %get3A_448 = tpu.vector_load %arg10[%get3A_446, %get3A_447] {strides = array<i32>} : memref<136x128xf32, #tpu.memory_space<vmem>>, vector<16xf32>,
        %add3A_449 = arith.constant 1 : i32
        %add3A_450 = arith.addi %mul3A_433, %add3A_449 : i32
        %get3A_451 = arith.index_cast %add3A_450 : i32 to index
        %get3A_452 = arith.constant 48 : index
        %get3A_453 = tpu.vector_load %arg10[%get3A_451, %get3A_452] {strides = array<i32>} : memref<136x128xf32, #tpu.memory_space<vmem>>, vector<16xf32>,
        %add3A_454 = arith.constant 1 : i32
        %add3A_455 = arith.addi %mul3A_433, %add3A_454 : i32
        %get3A_456 = arith.index_cast %add3A_455 : i32 to index
        %get3A_457 = arith.constant 64 : index
        %get3A_458 = tpu.vector_load %arg10[%get3A_456, %get3A_457] {strides = array<i32>} : memref<136x128xf32, #tpu.memory_space<vmem>>, vector<16xf32>,
        %add3A_459 = arith.constant 1 : i32
        %add3A_460 = arith.addi %mul3A_433, %add3A_459 : i32
        %get3A_461 = arith.index_cast %add3A_460 : i32 to index
        %get3A_462 = arith.constant 80 : index
        %get3A_463 = tpu.vector_load %arg10[%get3A_461, %get3A_462] {strides = array<i32>} : memref<136x128xf32, #tpu.memory_space<vmem>>, vector<16xf32>,
        %add3A_464 = arith.constant 1 : i32
        %add3A_465 = arith.addi %mul3A_433, %add3A_464 : i32
        %get3A_466 = arith.index_cast %add3A_465 : i32 to index
        %get3A_467 = arith.constant 96 : index
        %get3A_468 = tpu.vector_load %arg10[%get3A_466, %get3A_467] {strides = array<i32>} : memref<136x128xf32, #tpu.memory_space<vmem>>, vector<16xf32>,
        %add3A_469 = arith.constant 1 : i32
        %add3A_470 = arith.addi %mul3A_433, %add3A_469 : i32
        %get3A_471 = arith.index_cast %add3A_470 : i32 to index
        %get3A_472 = arith.constant 112 : index
        %get3A_473 = tpu.vector_load %arg10[%get3A_471, %get3A_472] {strides = array<i32>} : memref<136x128xf32, #tpu.memory_space<vmem>>, vector<16xf32>,
        %add3A_474 = arith.constant 2 : i32
        %add3A_475 = arith.addi %mul3A_433, %add3A_474 : i32
        %get3A_476 = arith.index_cast %add3A_475 : i32 to index
        %get3A_477 = arith.constant 0 : index
        %get3A_478 = tpu.vector_load %arg10[%get3A_476, %get3A_477] {strides = array<i32>} : memref<136x128xf32, #tpu.memory_space<vmem>>, vector<16xf32>,
        %add3A_479 = arith.constant 2 : i32
        %add3A_480 = arith.addi %mul3A_433, %add3A_479 : i32
        %get3A_481 = arith.index_cast %add3A_480 : i32 to index
        %get3A_482 = arith.constant 16 : index
        %get3A_483 = tpu.vector_load %arg10[%get3A_481, %get3A_482] {strides = array<i32>} : memref<136x128xf32, #tpu.memory_space<vmem>>, vector<16xf32>,
        %add3A_484 = arith.constant 2 : i32
        %add3A_485 = arith.addi %mul3A_433, %add3A_484 : i32
        %get3A_486 = arith.index_cast %add3A_485 : i32 to index
        %get3A_487 = arith.constant 32 : index
        %get3A_488 = tpu.vector_load %arg10[%get3A_486, %get3A_487] {strides = array<i32>} : memref<136x128xf32, #tpu.memory_space<vmem>>, vector<16xf32>,
        %add3A_489 = arith.constant 2 : i32
        %add3A_490 = arith.addi %mul3A_433, %add3A_489 : i32
        %get3A_491 = arith.index_cast %add3A_490 : i32 to index
        %get3A_492 = arith.constant 48 : index
        %get3A_493 = tpu.vector_load %arg10[%get3A_491, %get3A_492] {strides = array<i32>} : memref<136x128xf32, #tpu.memory_space<vmem>>, vector<16xf32>,
        %add3A_494 = arith.constant 2 : i32
        %add3A_495 = arith.addi %mul3A_433, %add3A_494 : i32
        %get3A_496 = arith.index_cast %add3A_495 : i32 to index
        %get3A_497 = arith.constant 64 : index
        %get3A_498 = tpu.vector_load %arg10[%get3A_496, %get3A_497] {strides = array<i32>} : memref<136x128xf32, #tpu.memory_space<vmem>>, vector<16xf32>,
        %add3A_499 = arith.constant 2 : i32
        %add3A_500 = arith.addi %mul3A_433, %add3A_499 : i32
        %get3A_501 = arith.index_cast %add3A_500 : i32 to index
        %get3A_502 = arith.constant 80 : index
        %get3A_503 = tpu.vector_load %arg10[%get3A_501, %get3A_502] {strides = array<i32>} : memref<136x128xf32, #tpu.memory_space<vmem>>, vector<16xf32>,
        %add3A_504 = arith.constant 2 : i32
        %add3A_505 = arith.addi %mul3A_433, %add3A_504 : i32
        %get3A_506 = arith.index_cast %add3A_505 : i32 to index
        %get3A_507 = arith.constant 96 : index
        %get3A_508 = tpu.vector_load %arg10[%get3A_506, %get3A_507] {strides = array<i32>} : memref<136x128xf32, #tpu.memory_space<vmem>>, vector<16xf32>,
        %add3A_509 = arith.constant 2 : i32
        %add3A_510 = arith.addi %mul3A_433, %add3A_509 : i32
        %get3A_511 = arith.index_cast %add3A_510 : i32 to index
        %get3A_512 = arith.constant 112 : index
        %get3A_513 = tpu.vector_load %arg10[%get3A_511, %get3A_512] {strides = array<i32>} : memref<136x128xf32, #tpu.memory_space<vmem>>, vector<16xf32>,
        %add3A_514 = arith.constant 1 : i32
        %add3A_515 = arith.addi %mul3A_433, %add3A_514 : i32
        %broadcast_in_dim3A_516 = vector.broadcast %mul3A_433 : i32 to vector<16xi32>
        %gather3A_517 = tpu.vector_load_idx %arg15[%broadcast_in_dim3A_516] : memref<128xf32, #tpu.memory_space<vmem>>[vector<16xi32>], vector<16xf32>,
        %gather3A_518 = tpu.vector_load_idx %arg16[%broadcast_in_dim3A_516] : memref<128xf32, #tpu.memory_space<vmem>>[vector<16xi32>], vector<16xf32>,
        %add3A_519 = arith.addf %get3A_438, %gather3A_518 : vector<16xf32>
        %sub3A_520 = arith.subf %scan3A_424, %get3A_438 : vector<16xf32>
        %mul3A_521 = arith.mulf %gather3A_517, %sub3A_520 : vector<16xf32>
        %add3A_522 = arith.addf %add3A_519, %mul3A_521 : vector<16xf32>
        %swap3A = arith.index_cast %mul3A_433 : i32 to index
        %swap3A_523 = arith.constant 0 : index
        %swap3A_524 = tpu.vector_load %arg12[%swap3A, %swap3A_523] {strides = array<i32>} : memref<128x128xf32, #tpu.memory_space<vmem>>, vector<16xf32>,
        tpu.vector_store %arg12[%swap3A, %swap3A_523], %add3A_522 {strides = array<i32>} : memref<128x128xf32, #tpu.memory_space<vmem>>, vector<16xf32>,
        %add3A_525 = arith.addf %get3A_443, %gather3A_518 : vector<16xf32>
        %sub3A_526 = arith.subf %scan3A_425, %get3A_443 : vector<16xf32>
        %mul3A_527 = arith.mulf %gather3A_517, %sub3A_526 : vector<16xf32>
        %add3A_528 = arith.addf %add3A_525, %mul3A_527 : vector<16xf32>
        %swap3A_529 = arith.index_cast %mul3A_433 : i32 to index
        %swap3A_530 = arith.constant 16 : index
        %swap3A_531 = tpu.vector_load %arg12[%swap3A_529, %swap3A_530] {strides = array<i32>} : memref<128x128xf32, #tpu.memory_space<vmem>>, vector<16xf32>,
        tpu.vector_store %arg12[%swap3A_529, %swap3A_530], %add3A_528 {strides = array<i32>} : memref<128x128xf32, #tpu.memory_space<vmem>>, vector<16xf32>,
        %add3A_532 = arith.addf %get3A_448, %gather3A_518 : vector<16xf32>
        %sub3A_533 = arith.subf %scan3A_426, %get3A_448 : vector<16xf32>
        %mul3A_534 = arith.mulf %gather3A_517, %sub3A_533 : vector<16xf32>
        %add3A_535 = arith.addf %add3A_532, %mul3A_534 : vector<16xf32>
        %swap3A_536 = arith.index_cast %mul3A_433 : i32 to index
        %swap3A_537 = arith.constant 32 : index
        %swap3A_538 = tpu.vector_load %arg12[%swap3A_536, %swap3A_537] {strides = array<i32>} : memref<128x128xf32, #tpu.memory_space<vmem>>, vector<16xf32>,
        tpu.vector_store %arg12[%swap3A_536, %swap3A_537], %add3A_535 {strides = array<i32>} : memref<128x128xf32, #tpu.memory_space<vmem>>, vector<16xf32>,
        %add3A_539 = arith.addf %get3A_453, %gather3A_518 : vector<16xf32>
        %sub3A_540 = arith.subf %scan3A_427, %get3A_453 : vector<16xf32>
        %mul3A_541 = arith.mulf %gather3A_517, %sub3A_540 : vector<16xf32>
        %add3A_542 = arith.addf %add3A_539, %mul3A_541 : vector<16xf32>
        %swap3A_543 = arith.index_cast %mul3A_433 : i32 to index
        %swap3A_544 = arith.constant 48 : index
        %swap3A_545 = tpu.vector_load %arg12[%swap3A_543, %swap3A_544] {strides = array<i32>} : memref<128x128xf32, #tpu.memory_space<vmem>>, vector<16xf32>,
        tpu.vector_store %arg12[%swap3A_543, %swap3A_544], %add3A_542 {strides = array<i32>} : memref<128x128xf32, #tpu.memory_space<vmem>>, vector<16xf32>,
        %add3A_546 = arith.addf %get3A_458, %gather3A_518 : vector<16xf32>
        %sub3A_547 = arith.subf %scan3A_428, %get3A_458 : vector<16xf32>
        %mul3A_548 = arith.mulf %gather3A_517, %sub3A_547 : vector<16xf32>
        %add3A_549 = arith.addf %add3A_546, %mul3A_548 : vector<16xf32>
        %swap3A_550 = arith.index_cast %mul3A_433 : i32 to index
        %swap3A_551 = arith.constant 64 : index
        %swap3A_552 = tpu.vector_load %arg12[%swap3A_550, %swap3A_551] {strides = array<i32>} : memref<128x128xf32, #tpu.memory_space<vmem>>, vector<16xf32>,
        tpu.vector_store %arg12[%swap3A_550, %swap3A_551], %add3A_549 {strides = array<i32>} : memref<128x128xf32, #tpu.memory_space<vmem>>, vector<16xf32>,
        %add3A_553 = arith.addf %get3A_463, %gather3A_518 : vector<16xf32>
        %sub3A_554 = arith.subf %scan3A_429, %get3A_463 : vector<16xf32>
        %mul3A_555 = arith.mulf %gather3A_517, %sub3A_554 : vector<16xf32>
        %add3A_556 = arith.addf %add3A_553, %mul3A_555 : vector<16xf32>
        %swap3A_557 = arith.index_cast %mul3A_433 : i32 to index
        %swap3A_558 = arith.constant 80 : index
        %swap3A_559 = tpu.vector_load %arg12[%swap3A_557, %swap3A_558] {strides = array<i32>} : memref<128x128xf32, #tpu.memory_space<vmem>>, vector<16xf32>,
        tpu.vector_store %arg12[%swap3A_557, %swap3A_558], %add3A_556 {strides = array<i32>} : memref<128x128xf32, #tpu.memory_space<vmem>>, vector<16xf32>,
        %add3A_560 = arith.addf %get3A_468, %gather3A_518 : vector<16xf32>
        %sub3A_561 = arith.subf %scan3A_430, %get3A_468 : vector<16xf32>
        %mul3A_562 = arith.mulf %gather3A_517, %sub3A_561 : vector<16xf32>
        %add3A_563 = arith.addf %add3A_560, %mul3A_562 : vector<16xf32>
        %swap3A_564 = arith.index_cast %mul3A_433 : i32 to index
        %swap3A_565 = arith.constant 96 : index
        %swap3A_566 = tpu.vector_load %arg12[%swap3A_564, %swap3A_565] {strides = array<i32>} : memref<128x128xf32, #tpu.memory_space<vmem>>, vector<16xf32>,
        tpu.vector_store %arg12[%swap3A_564, %swap3A_565], %add3A_563 {strides = array<i32>} : memref<128x128xf32, #tpu.memory_space<vmem>>, vector<16xf32>,
        %add3A_567 = arith.addf %get3A_473, %gather3A_518 : vector<16xf32>
        %sub3A_568 = arith.subf %scan3A_431, %get3A_473 : vector<16xf32>
        %mul3A_569 = arith.mulf %gather3A_517, %sub3A_568 : vector<16xf32>
        %add3A_570 = arith.addf %add3A_567, %mul3A_569 : vector<16xf32>
        %swap3A_571 = arith.index_cast %mul3A_433 : i32 to index
        %swap3A_572 = arith.constant 112 : index
        %swap3A_573 = tpu.vector_load %arg12[%swap3A_571, %swap3A_572] {strides = array<i32>} : memref<128x128xf32, #tpu.memory_space<vmem>>, vector<16xf32>,
        tpu.vector_store %arg12[%swap3A_571, %swap3A_572], %add3A_570 {strides = array<i32>} : memref<128x128xf32, #tpu.memory_space<vmem>>, vector<16xf32>,
        %broadcast_in_dim3A_574 = vector.broadcast %add3A_515 : i32 to vector<16xi32>
        %gather3A_575 = tpu.vector_load_idx %arg15[%broadcast_in_dim3A_574] : memref<128xf32, #tpu.memory_space<vmem>>[vector<16xi32>], vector<16xf32>,
        %gather3A_576 = tpu.vector_load_idx %arg16[%broadcast_in_dim3A_574] : memref<128xf32, #tpu.memory_space<vmem>>[vector<16xi32>], vector<16xf32>,
        %add3A_577 = arith.addf %get3A_478, %gather3A_576 : vector<16xf32>
        %sub3A_578 = arith.subf %get3A_438, %get3A_478 : vector<16xf32>
        %mul3A_579 = arith.mulf %gather3A_575, %sub3A_578 : vector<16xf32>
        %add3A_580 = arith.addf %add3A_577, %mul3A_579 : vector<16xf32>
        %swap3A_581 = arith.index_cast %add3A_515 : i32 to index
        %swap3A_582 = arith.constant 0 : index
        %swap3A_583 = tpu.vector_load %arg12[%swap3A_581, %swap3A_582] {strides = array<i32>} : memref<128x128xf32, #tpu.memory_space<vmem>>, vector<16xf32>,
        tpu.vector_store %arg12[%swap3A_581, %swap3A_582], %add3A_580 {strides = array<i32>} : memref<128x128xf32, #tpu.memory_space<vmem>>, vector<16xf32>,
        %add3A_584 = arith.addf %get3A_483, %gather3A_576 : vector<16xf32>
        %sub3A_585 = arith.subf %get3A_443, %get3A_483 : vector<16xf32>
        %mul3A_586 = arith.mulf %gather3A_575, %sub3A_585 : vector<16xf32>
        %add3A_587 = arith.addf %add3A_584, %mul3A_586 : vector<16xf32>
        %swap3A_588 = arith.index_cast %add3A_515 : i32 to index
        %swap3A_589 = arith.constant 16 : index
        %swap3A_590 = tpu.vector_load %arg12[%swap3A_588, %swap3A_589] {strides = array<i32>} : memref<128x128xf32, #tpu.memory_space<vmem>>, vector<16xf32>,
        tpu.vector_store %arg12[%swap3A_588, %swap3A_589], %add3A_587 {strides = array<i32>} : memref<128x128xf32, #tpu.memory_space<vmem>>, vector<16xf32>,
        %add3A_591 = arith.addf %get3A_488, %gather3A_576 : vector<16xf32>
        %sub3A_592 = arith.subf %get3A_448, %get3A_488 : vector<16xf32>
        %mul3A_593 = arith.mulf %gather3A_575, %sub3A_592 : vector<16xf32>
        %add3A_594 = arith.addf %add3A_591, %mul3A_593 : vector<16xf32>
        %swap3A_595 = arith.index_cast %add3A_515 : i32 to index
        %swap3A_596 = arith.constant 32 : index
        %swap3A_597 = tpu.vector_load %arg12[%swap3A_595, %swap3A_596] {strides = array<i32>} : memref<128x128xf32, #tpu.memory_space<vmem>>, vector<16xf32>,
        tpu.vector_store %arg12[%swap3A_595, %swap3A_596], %add3A_594 {strides = array<i32>} : memref<128x128xf32, #tpu.memory_space<vmem>>, vector<16xf32>,
        %add3A_598 = arith.addf %get3A_493, %gather3A_576 : vector<16xf32>
        %sub3A_599 = arith.subf %get3A_453, %get3A_493 : vector<16xf32>
        %mul3A_600 = arith.mulf %gather3A_575, %sub3A_599 : vector<16xf32>
        %add3A_601 = arith.addf %add3A_598, %mul3A_600 : vector<16xf32>
        %swap3A_602 = arith.index_cast %add3A_515 : i32 to index
        %swap3A_603 = arith.constant 48 : index
        %swap3A_604 = tpu.vector_load %arg12[%swap3A_602, %swap3A_603] {strides = array<i32>} : memref<128x128xf32, #tpu.memory_space<vmem>>, vector<16xf32>,
        tpu.vector_store %arg12[%swap3A_602, %swap3A_603], %add3A_601 {strides = array<i32>} : memref<128x128xf32, #tpu.memory_space<vmem>>, vector<16xf32>,
        %add3A_605 = arith.addf %get3A_498, %gather3A_576 : vector<16xf32>
        %sub3A_606 = arith.subf %get3A_458, %get3A_498 : vector<16xf32>
        %mul3A_607 = arith.mulf %gather3A_575, %sub3A_606 : vector<16xf32>
        %add3A_608 = arith.addf %add3A_605, %mul3A_607 : vector<16xf32>
        %swap3A_609 = arith.index_cast %add3A_515 : i32 to index
        %swap3A_610 = arith.constant 64 : index
        %swap3A_611 = tpu.vector_load %arg12[%swap3A_609, %swap3A_610] {strides = array<i32>} : memref<128x128xf32, #tpu.memory_space<vmem>>, vector<16xf32>,
        tpu.vector_store %arg12[%swap3A_609, %swap3A_610], %add3A_608 {strides = array<i32>} : memref<128x128xf32, #tpu.memory_space<vmem>>, vector<16xf32>,
        %add3A_612 = arith.addf %get3A_503, %gather3A_576 : vector<16xf32>
        %sub3A_613 = arith.subf %get3A_463, %get3A_503 : vector<16xf32>
        %mul3A_614 = arith.mulf %gather3A_575, %sub3A_613 : vector<16xf32>
        %add3A_615 = arith.addf %add3A_612, %mul3A_614 : vector<16xf32>
        %swap3A_616 = arith.index_cast %add3A_515 : i32 to index
        %swap3A_617 = arith.constant 80 : index
        %swap3A_618 = tpu.vector_load %arg12[%swap3A_616, %swap3A_617] {strides = array<i32>} : memref<128x128xf32, #tpu.memory_space<vmem>>, vector<16xf32>,
        tpu.vector_store %arg12[%swap3A_616, %swap3A_617], %add3A_615 {strides = array<i32>} : memref<128x128xf32, #tpu.memory_space<vmem>>, vector<16xf32>,
        %add3A_619 = arith.addf %get3A_508, %gather3A_576 : vector<16xf32>
        %sub3A_620 = arith.subf %get3A_468, %get3A_508 : vector<16xf32>
        %mul3A_621 = arith.mulf %gather3A_575, %sub3A_620 : vector<16xf32>
        %add3A_622 = arith.addf %add3A_619, %mul3A_621 : vector<16xf32>
        %swap3A_623 = arith.index_cast %add3A_515 : i32 to index
        %swap3A_624 = arith.constant 96 : index
        %swap3A_625 = tpu.vector_load %arg12[%swap3A_623, %swap3A_624] {strides = array<i32>} : memref<128x128xf32, #tpu.memory_space<vmem>>, vector<16xf32>,
        tpu.vector_store %arg12[%swap3A_623, %swap3A_624], %add3A_622 {strides = array<i32>} : memref<128x128xf32, #tpu.memory_space<vmem>>, vector<16xf32>,
        %add3A_626 = arith.addf %get3A_513, %gather3A_576 : vector<16xf32>
        %sub3A_627 = arith.subf %get3A_473, %get3A_513 : vector<16xf32>
        %mul3A_628 = arith.mulf %gather3A_575, %sub3A_627 : vector<16xf32>
        %add3A_629 = arith.addf %add3A_626, %mul3A_628 : vector<16xf32>
        %swap3A_630 = arith.index_cast %add3A_515 : i32 to index
        %swap3A_631 = arith.constant 112 : index
        %swap3A_632 = tpu.vector_load %arg12[%swap3A_630, %swap3A_631] {strides = array<i32>} : memref<128x128xf32, #tpu.memory_space<vmem>>, vector<16xf32>,
        tpu.vector_store %arg12[%swap3A_630, %swap3A_631], %add3A_629 {strides = array<i32>} : memref<128x128xf32, #tpu.memory_space<vmem>>, vector<16xf32>,
        scf.yield %get3A_478, %get3A_483, %get3A_488, %get3A_493, %get3A_498, %get3A_503, %get3A_508, %get3A_513 : vector<16xf32>, vector<16xf32>, vector<16xf32>, vector<16xf32>, vector<16xf32>, vector<16xf32>, vector<16xf32>, vector<16xf32>
      }
      %scan3A_260 = arith.constant 32 : i32
      %mul3A_261 = arith.constant 128 : i32
      %mul3A_262 = arith.muli %add3A_159, %mul3A_261 : i32
      %add3A_263 = arith.addi %mul3A_34, %mul3A_262 : i32
      %add3A_264 = arith.constant 0 : i32
      %add3A_265 = arith.addi %add3A_263, %add3A_264 : i32
      %mul3A_266 = arith.constant 128 : i32
      %mul3A_267 = arith.muli %add3A_159, %mul3A_266 : i32
      %add3A_268 = arith.addi %mul3A_34, %mul3A_267 : i32
      %add3A_269 = arith.constant 64 : i32
      %add3A_270 = arith.addi %add3A_268, %add3A_269 : i32
      %dma_start3A_271 = arith.constant 64 : i32
      %dma_start3A_272 = arith.constant 0 : i32
      %dma_start3A_273 = tpu.memref_slice %arg12[%dma_start3A_271, %dma_start3A_272] : memref<128x128xf32, #tpu.memory_space<vmem>> -> memref<64x128xf32, #tpu.memory_space<vmem>>
      %dma_start3A_274 = arith.constant 0 : i32
      %dma_start3A_275 = tpu.memref_slice %arg6[%add3A_270, %dma_start3A_274] : memref<65536x128xf32, #tpu.memory_space<hbm>> -> memref<64x128xf32, #tpu.memory_space<hbm>>
      %dma_start3A_276 = arith.constant 0 : i32
      %dma_start3A_277 = tpu.memref_slice %arg6[%add3A_270, %dma_start3A_276] : memref<65536x128xf32, #tpu.memory_space<hbm>> -> memref<64x128xf32, #tpu.memory_space<hbm>>
      %dma_start3A_278 = arith.constant 64 : i32
      %dma_start3A_279 = arith.constant 0 : i32
      %dma_start3A_280 = tpu.memref_slice %arg12[%dma_start3A_278, %dma_start3A_279] : memref<128x128xf32, #tpu.memory_space<vmem>> -> memref<64x128xf32, #tpu.memory_space<vmem>>
      tpu.enqueue_dma source(%dma_start3A_280 : memref<64x128xf32, #tpu.memory_space<vmem>>) target(%dma_start3A_277 : memref<64x128xf32, #tpu.memory_space<hbm>>) target_semaphore(%arg19 : memref<!tpu.dma_semaphore, #tpu.memory_space<semaphore_mem>>)
      %add3A_281 = arith.constant 2 : i32
      %add3A_282 = arith.addi %add3A_159, %add3A_281 : i32
      %lt3A_283 = arith.constant 16 : i32
      %lt3A_284 = arith.cmpi slt, %add3A_282, %lt3A_283 : i32
      %convert_element_type3A_285 = arith.extui %lt3A_284 : i1 to i32
      %cond3A_286 = arith.constant 0 : i32
      %cond3A_287 = arith.cmpi ne, %convert_element_type3A_285, %cond3A_286 : i32
      scf.if %cond3A_287 {
        %add3A_423 = arith.constant 2 : i32
        %add3A_424 = arith.addi %add3A_159, %add3A_423 : i32
        %mul3A_425 = arith.constant 128 : i32
        %mul3A_426 = arith.muli %add3A_424, %mul3A_425 : i32
        %mul3A_427 = arith.constant 128 : i32
        %mul3A_428 = arith.muli %add3A_424, %mul3A_427 : i32
        %add3A_429 = arith.constant 128 : i32
        %add3A_430 = arith.addi %mul3A_428, %add3A_429 : i32
        %dma_start3A_431 = arith.constant 0 : i32
        %dma_start3A_432 = arith.constant 0 : i32
        %dma_start3A_433 = tpu.memref_slice %arg10[%dma_start3A_431, %dma_start3A_432] : memref<136x128xf32, #tpu.memory_space<vmem>> -> memref<128x128xf32, #tpu.memory_space<vmem>>
        %dma_start3A_434 = tpu.memref_slice %arg9[%mul3A_426] : memref<2056xi32, #tpu.memory_space<vmem>> -> memref<128xi32, #tpu.memory_space<vmem>>
        %dma_start3A_435 = arith.constant 0 : i32
        %dma_start3A_436 = arith.constant 0 : i32
        %dma_start3A_437 = tpu.memref_slice %arg2[%dma_start3A_435, %dma_start3A_436] : memref<100000x128xf32, #tpu.memory_space<hbm>> -> memref<100000x128xf32, #tpu.memory_space<hbm>>
        tpu.enqueue_indirect_dma source(%dma_start3A_437 : memref<100000x128xf32, #tpu.memory_space<hbm>>) target(%dma_start3A_433 : memref<128x128xf32, #tpu.memory_space<vmem>>) offsets(%dma_start3A_434 : memref<128xi32, #tpu.memory_space<vmem>>) semaphore(%arg17 : memref<!tpu.dma_semaphore, #tpu.memory_space<semaphore_mem>>)
        %dma_start3A_438 = arith.constant 128 : i32
        %dma_start3A_439 = arith.constant 0 : i32
        %dma_start3A_440 = tpu.memref_slice %arg10[%dma_start3A_438, %dma_start3A_439] : memref<136x128xf32, #tpu.memory_space<vmem>> -> memref<8x128xf32, #tpu.memory_space<vmem>>
        %dma_start3A_441 = tpu.memref_slice %arg9[%add3A_430] : memref<2056xi32, #tpu.memory_space<vmem>> -> memref<8xi32, #tpu.memory_space<vmem>>
        %dma_start3A_442 = arith.constant 0 : i32
        %dma_start3A_443 = arith.constant 0 : i32
        %dma_start3A_444 = tpu.memref_slice %arg2[%dma_start3A_442, %dma_start3A_443] : memref<100000x128xf32, #tpu.memory_space<hbm>> -> memref<100000x128xf32, #tpu.memory_space<hbm>>
        tpu.enqueue_indirect_dma source(%dma_start3A_444 : memref<100000x128xf32, #tpu.memory_space<hbm>>) target(%dma_start3A_440 : memref<8x128xf32, #tpu.memory_space<vmem>>) offsets(%dma_start3A_441 : memref<8xi32, #tpu.memory_space<vmem>>) semaphore(%arg17 : memref<!tpu.dma_semaphore, #tpu.memory_space<semaphore_mem>>)
      } else {
      }
      %mul3A_288 = arith.constant 2 : i32
      %mul3A_289 = arith.muli %mul3A_288, %scan3A_155 : i32
      %add3A_290 = arith.constant 1 : i32
      %add3A_291 = arith.addi %mul3A_289, %add3A_290 : i32
      %mul3A_292 = arith.constant 128 : i32
      %mul3A_293 = arith.muli %add3A_291, %mul3A_292 : i32
      %mul3A_294 = arith.constant 128 : i32
      %mul3A_295 = arith.muli %add3A_291, %mul3A_294 : i32
      %add3A_296 = arith.constant 128 : i32
      %add3A_297 = arith.addi %mul3A_295, %add3A_296 : i32
      %dma_wait3A_298 = arith.constant 0 : i32
      %dma_wait3A_299 = arith.constant 0 : i32
      %dma_wait3A_300 = tpu.memref_slice %arg11[%dma_wait3A_298, %dma_wait3A_299] : memref<136x128xf32, #tpu.memory_space<vmem>> -> memref<128x128xf32, #tpu.memory_space<vmem>>
      %dma_wait3A_301 = tpu.memref_slice %arg9[%mul3A_293] : memref<2056xi32, #tpu.memory_space<vmem>> -> memref<128xi32, #tpu.memory_space<vmem>>
      %dma_wait3A_302 = arith.constant 0 : i32
      %dma_wait3A_303 = arith.constant 0 : i32
      %dma_wait3A_304 = tpu.memref_slice %arg2[%dma_wait3A_302, %dma_wait3A_303] : memref<100000x128xf32, #tpu.memory_space<hbm>> -> memref<100000x128xf32, #tpu.memory_space<hbm>>
      tpu.wait_indirect_dma semaphore(%arg18 : memref<!tpu.dma_semaphore, #tpu.memory_space<semaphore_mem>>) src(%dma_wait3A_304 : memref<100000x128xf32, #tpu.memory_space<hbm>>) dst(%dma_wait3A_300 : memref<128x128xf32, #tpu.memory_space<vmem>>)
      %dma_wait3A_305 = arith.constant 128 : i32
      %dma_wait3A_306 = arith.constant 0 : i32
      %dma_wait3A_307 = tpu.memref_slice %arg11[%dma_wait3A_305, %dma_wait3A_306] : memref<136x128xf32, #tpu.memory_space<vmem>> -> memref<8x128xf32, #tpu.memory_space<vmem>>
      %dma_wait3A_308 = tpu.memref_slice %arg9[%add3A_297] : memref<2056xi32, #tpu.memory_space<vmem>> -> memref<8xi32, #tpu.memory_space<vmem>>
      %dma_wait3A_309 = arith.constant 0 : i32
      %dma_wait3A_310 = arith.constant 0 : i32
      %dma_wait3A_311 = tpu.memref_slice %arg2[%dma_wait3A_309, %dma_wait3A_310] : memref<100000x128xf32, #tpu.memory_space<hbm>> -> memref<100000x128xf32, #tpu.memory_space<hbm>>
      tpu.wait_indirect_dma semaphore(%arg18 : memref<!tpu.dma_semaphore, #tpu.memory_space<semaphore_mem>>) src(%dma_wait3A_311 : memref<100000x128xf32, #tpu.memory_space<hbm>>) dst(%dma_wait3A_307 : memref<8x128xf32, #tpu.memory_space<vmem>>)
      %ge3A_312 = arith.constant 2 : i32
      %ge3A_313 = arith.cmpi sge, %add3A_291, %ge3A_312 : i32
      %convert_element_type3A_314 = arith.extui %ge3A_313 : i1 to i32
      %cond3A_315 = arith.constant 0 : i32
      %cond3A_316 = arith.cmpi ne, %convert_element_type3A_314, %cond3A_315 : i32
      scf.if %cond3A_316 {
        %sub3A_423 = arith.constant 2 : i32
        %sub3A_424 = arith.subi %add3A_291, %sub3A_423 : i32
        %mul3A_425 = arith.constant 128 : i32
        %mul3A_426 = arith.muli %sub3A_424, %mul3A_425 : i32
        %add3A_427 = arith.addi %mul3A_34, %mul3A_426 : i32
        %add3A_428 = arith.constant 0 : i32
        %add3A_429 = arith.addi %add3A_427, %add3A_428 : i32
        %mul3A_430 = arith.constant 128 : i32
        %mul3A_431 = arith.muli %sub3A_424, %mul3A_430 : i32
        %add3A_432 = arith.addi %mul3A_34, %mul3A_431 : i32
        %add3A_433 = arith.constant 64 : i32
        %add3A_434 = arith.addi %add3A_432, %add3A_433 : i32
        %dma_wait3A_435 = arith.constant 0 : i32
        %dma_wait3A_436 = arith.constant 0 : i32
        %dma_wait3A_437 = tpu.memref_slice %arg13[%dma_wait3A_435, %dma_wait3A_436] : memref<128x128xf32, #tpu.memory_space<vmem>> -> memref<64x128xf32, #tpu.memory_space<vmem>>
        %dma_wait3A_438 = arith.constant 0 : i32
        %dma_wait3A_439 = tpu.memref_slice %arg6[%add3A_429, %dma_wait3A_438] : memref<65536x128xf32, #tpu.memory_space<hbm>> -> memref<64x128xf32, #tpu.memory_space<hbm>>
        %dma_wait3A_440 = arith.constant 0 : i32
        %dma_wait3A_441 = tpu.memref_slice %arg6[%add3A_429, %dma_wait3A_440] : memref<65536x128xf32, #tpu.memory_space<hbm>> -> memref<64x128xf32, #tpu.memory_space<hbm>>
        %dma_wait3A_442 = arith.constant 0 : i32
        %dma_wait3A_443 = arith.constant 0 : i32
        %dma_wait3A_444 = tpu.memref_slice %arg13[%dma_wait3A_442, %dma_wait3A_443] : memref<128x128xf32, #tpu.memory_space<vmem>> -> memref<64x128xf32, #tpu.memory_space<vmem>>
        tpu.wait_dma2 semaphore(%arg20 : memref<!tpu.dma_semaphore, #tpu.memory_space<semaphore_mem>>) src(%dma_wait3A_444 : memref<64x128xf32, #tpu.memory_space<vmem>>) dst(%dma_wait3A_441 : memref<64x128xf32, #tpu.memory_space<hbm>>)
        %dma_wait3A_445 = arith.constant 64 : i32
        %dma_wait3A_446 = arith.constant 0 : i32
        %dma_wait3A_447 = tpu.memref_slice %arg13[%dma_wait3A_445, %dma_wait3A_446] : memref<128x128xf32, #tpu.memory_space<vmem>> -> memref<64x128xf32, #tpu.memory_space<vmem>>
        %dma_wait3A_448 = arith.constant 0 : i32
        %dma_wait3A_449 = tpu.memref_slice %arg6[%add3A_434, %dma_wait3A_448] : memref<65536x128xf32, #tpu.memory_space<hbm>> -> memref<64x128xf32, #tpu.memory_space<hbm>>
        %dma_wait3A_450 = arith.constant 0 : i32
        %dma_wait3A_451 = tpu.memref_slice %arg6[%add3A_434, %dma_wait3A_450] : memref<65536x128xf32, #tpu.memory_space<hbm>> -> memref<64x128xf32, #tpu.memory_space<hbm>>
        %dma_wait3A_452 = arith.constant 64 : i32
        %dma_wait3A_453 = arith.constant 0 : i32
        %dma_wait3A_454 = tpu.memref_slice %arg13[%dma_wait3A_452, %dma_wait3A_453] : memref<128x128xf32, #tpu.memory_space<vmem>> -> memref<64x128xf32, #tpu.memory_space<vmem>>
        tpu.wait_dma2 semaphore(%arg20 : memref<!tpu.dma_semaphore, #tpu.memory_space<semaphore_mem>>) src(%dma_wait3A_454 : memref<64x128xf32, #tpu.memory_space<vmem>>) dst(%dma_wait3A_451 : memref<64x128xf32, #tpu.memory_space<hbm>>)
      } else {
      }
      %mul3A_317 = arith.constant 128 : i32
      %mul3A_318 = arith.muli %add3A_291, %mul3A_317 : i32
      %add3A_319 = arith.addi %mul3A_32, %mul3A_318 : i32
      %scan3A_320 = arith.constant 0 : i32
      %scan3A_321 = arith.constant 0 : i32
      %scan3A_322 = arith.constant 65 : i32
      %scan3A_323 = arith.addi %scan3A_321, %scan3A_322 : i32
      %scan3A_324 = arith.constant 1 : i32
      scf.for %scan3A_423 = %scan3A_321 to %scan3A_323 step %scan3A_324  : i32 {
        %mul3A_424 = arith.constant 2 : i32
        %mul3A_425 = arith.muli %mul3A_424, %scan3A_423 : i32
        %mul3A_426 = arith.constant 2 : i32
        %mul3A_427 = arith.muli %mul3A_426, %scan3A_423 : i32
        %add3A_428 = arith.constant 1 : i32
        %add3A_429 = arith.addi %mul3A_427, %add3A_428 : i32
        %get3A_430 = arith.index_cast %mul3A_425 : i32 to index
        %get3A_431 = arith.constant 0 : index
        %get3A_432 = tpu.vector_load %arg11[%get3A_430, %get3A_431] {strides = array<i32>} : memref<136x128xf32, #tpu.memory_space<vmem>>, vector<16xf32>,
        %get3A_433 = arith.index_cast %mul3A_425 : i32 to index
        %get3A_434 = arith.constant 16 : index
        %get3A_435 = tpu.vector_load %arg11[%get3A_433, %get3A_434] {strides = array<i32>} : memref<136x128xf32, #tpu.memory_space<vmem>>, vector<16xf32>,
        %get3A_436 = arith.index_cast %mul3A_425 : i32 to index
        %get3A_437 = arith.constant 32 : index
        %get3A_438 = tpu.vector_load %arg11[%get3A_436, %get3A_437] {strides = array<i32>} : memref<136x128xf32, #tpu.memory_space<vmem>>, vector<16xf32>,
        %get3A_439 = arith.index_cast %mul3A_425 : i32 to index
        %get3A_440 = arith.constant 48 : index
        %get3A_441 = tpu.vector_load %arg11[%get3A_439, %get3A_440] {strides = array<i32>} : memref<136x128xf32, #tpu.memory_space<vmem>>, vector<16xf32>,
        %get3A_442 = arith.index_cast %mul3A_425 : i32 to index
        %get3A_443 = arith.constant 64 : index
        %get3A_444 = tpu.vector_load %arg11[%get3A_442, %get3A_443] {strides = array<i32>} : memref<136x128xf32, #tpu.memory_space<vmem>>, vector<16xf32>,
        %get3A_445 = arith.index_cast %mul3A_425 : i32 to index
        %get3A_446 = arith.constant 80 : index
        %get3A_447 = tpu.vector_load %arg11[%get3A_445, %get3A_446] {strides = array<i32>} : memref<136x128xf32, #tpu.memory_space<vmem>>, vector<16xf32>,
        %get3A_448 = arith.index_cast %mul3A_425 : i32 to index
        %get3A_449 = arith.constant 96 : index
        %get3A_450 = tpu.vector_load %arg11[%get3A_448, %get3A_449] {strides = array<i32>} : memref<136x128xf32, #tpu.memory_space<vmem>>, vector<16xf32>,
        %get3A_451 = arith.index_cast %mul3A_425 : i32 to index
        %get3A_452 = arith.constant 112 : index
        %get3A_453 = tpu.vector_load %arg11[%get3A_451, %get3A_452] {strides = array<i32>} : memref<136x128xf32, #tpu.memory_space<vmem>>, vector<16xf32>,
        %mul3A_454 = arith.mulf %get3A_432, %get3A_38 : vector<16xf32>
        %mul3A_455 = arith.mulf %get3A_435, %get3A_40 : vector<16xf32>
        %add3A_456 = arith.addf %mul3A_454, %mul3A_455 : vector<16xf32>
        %mul3A_457 = arith.mulf %get3A_438, %get3A_42 : vector<16xf32>
        %add3A_458 = arith.addf %add3A_456, %mul3A_457 : vector<16xf32>
        %mul3A_459 = arith.mulf %get3A_441, %get3A_44 : vector<16xf32>
        %add3A_460 = arith.addf %add3A_458, %mul3A_459 : vector<16xf32>
        %mul3A_461 = arith.mulf %get3A_444, %get3A_46 : vector<16xf32>
        %add3A_462 = arith.addf %add3A_460, %mul3A_461 : vector<16xf32>
        %mul3A_463 = arith.mulf %get3A_447, %get3A_48 : vector<16xf32>
        %add3A_464 = arith.addf %add3A_462, %mul3A_463 : vector<16xf32>
        %mul3A_465 = arith.mulf %get3A_450, %get3A_50 : vector<16xf32>
        %add3A_466 = arith.addf %add3A_464, %mul3A_465 : vector<16xf32>
        %mul3A_467 = arith.mulf %get3A_453, %get3A_52 : vector<16xf32>
        %add3A_468 = arith.addf %add3A_466, %mul3A_467 : vector<16xf32>
        %reduce_sum3A_469 = arith.constant true
        %reduce_sum3A_470 = vector.broadcast %reduce_sum3A_469 : i1 to vector<16xi1>
        %reduce_sum3A_471 = tpu.scan <sum>, %add3A_468 masked %reduce_sum3A_470 : vector<16xf32>, vector<16xi1> -> vector<16xf32>
        %reduce_sum3A_472 = vector.extract %reduce_sum3A_471[15] : f32 from vector<16xf32>
        %broadcast_in_dim3A_473 = vector.broadcast %reduce_sum3A_472 : f32 to vector<16xf32>
        %swap3A = arith.index_cast %mul3A_425 : i32 to index
        %swap3A_474 = arith.constant 0 : index
        %swap3A_475 = tpu.vector_load %arg14[%swap3A, %swap3A_474] {strides = array<i32>} : memref<136x16xf32, #tpu.memory_space<vmem>>, vector<16xf32>,
        tpu.vector_store %arg14[%swap3A, %swap3A_474], %broadcast_in_dim3A_473 {strides = array<i32>} : memref<136x16xf32, #tpu.memory_space<vmem>>, vector<16xf32>,
        %get3A_476 = arith.index_cast %add3A_429 : i32 to index
        %get3A_477 = arith.constant 0 : index
        %get3A_478 = tpu.vector_load %arg11[%get3A_476, %get3A_477] {strides = array<i32>} : memref<136x128xf32, #tpu.memory_space<vmem>>, vector<16xf32>,
        %get3A_479 = arith.index_cast %add3A_429 : i32 to index
        %get3A_480 = arith.constant 16 : index
        %get3A_481 = tpu.vector_load %arg11[%get3A_479, %get3A_480] {strides = array<i32>} : memref<136x128xf32, #tpu.memory_space<vmem>>, vector<16xf32>,
        %get3A_482 = arith.index_cast %add3A_429 : i32 to index
        %get3A_483 = arith.constant 32 : index
        %get3A_484 = tpu.vector_load %arg11[%get3A_482, %get3A_483] {strides = array<i32>} : memref<136x128xf32, #tpu.memory_space<vmem>>, vector<16xf32>,
        %get3A_485 = arith.index_cast %add3A_429 : i32 to index
        %get3A_486 = arith.constant 48 : index
        %get3A_487 = tpu.vector_load %arg11[%get3A_485, %get3A_486] {strides = array<i32>} : memref<136x128xf32, #tpu.memory_space<vmem>>, vector<16xf32>,
        %get3A_488 = arith.index_cast %add3A_429 : i32 to index
        %get3A_489 = arith.constant 64 : index
        %get3A_490 = tpu.vector_load %arg11[%get3A_488, %get3A_489] {strides = array<i32>} : memref<136x128xf32, #tpu.memory_space<vmem>>, vector<16xf32>,
        %get3A_491 = arith.index_cast %add3A_429 : i32 to index
        %get3A_492 = arith.constant 80 : index
        %get3A_493 = tpu.vector_load %arg11[%get3A_491, %get3A_492] {strides = array<i32>} : memref<136x128xf32, #tpu.memory_space<vmem>>, vector<16xf32>,
        %get3A_494 = arith.index_cast %add3A_429 : i32 to index
        %get3A_495 = arith.constant 96 : index
        %get3A_496 = tpu.vector_load %arg11[%get3A_494, %get3A_495] {strides = array<i32>} : memref<136x128xf32, #tpu.memory_space<vmem>>, vector<16xf32>,
        %get3A_497 = arith.index_cast %add3A_429 : i32 to index
        %get3A_498 = arith.constant 112 : index
        %get3A_499 = tpu.vector_load %arg11[%get3A_497, %get3A_498] {strides = array<i32>} : memref<136x128xf32, #tpu.memory_space<vmem>>, vector<16xf32>,
        %mul3A_500 = arith.mulf %get3A_478, %get3A_38 : vector<16xf32>
        %mul3A_501 = arith.mulf %get3A_481, %get3A_40 : vector<16xf32>
        %add3A_502 = arith.addf %mul3A_500, %mul3A_501 : vector<16xf32>
        %mul3A_503 = arith.mulf %get3A_484, %get3A_42 : vector<16xf32>
        %add3A_504 = arith.addf %add3A_502, %mul3A_503 : vector<16xf32>
        %mul3A_505 = arith.mulf %get3A_487, %get3A_44 : vector<16xf32>
        %add3A_506 = arith.addf %add3A_504, %mul3A_505 : vector<16xf32>
        %mul3A_507 = arith.mulf %get3A_490, %get3A_46 : vector<16xf32>
        %add3A_508 = arith.addf %add3A_506, %mul3A_507 : vector<16xf32>
        %mul3A_509 = arith.mulf %get3A_493, %get3A_48 : vector<16xf32>
        %add3A_510 = arith.addf %add3A_508, %mul3A_509 : vector<16xf32>
        %mul3A_511 = arith.mulf %get3A_496, %get3A_50 : vector<16xf32>
        %add3A_512 = arith.addf %add3A_510, %mul3A_511 : vector<16xf32>
        %mul3A_513 = arith.mulf %get3A_499, %get3A_52 : vector<16xf32>
        %add3A_514 = arith.addf %add3A_512, %mul3A_513 : vector<16xf32>
        %reduce_sum3A_515 = arith.constant true
        %reduce_sum3A_516 = vector.broadcast %reduce_sum3A_515 : i1 to vector<16xi1>
        %reduce_sum3A_517 = tpu.scan <sum>, %add3A_514 masked %reduce_sum3A_516 : vector<16xf32>, vector<16xi1> -> vector<16xf32>
        %reduce_sum3A_518 = vector.extract %reduce_sum3A_517[15] : f32 from vector<16xf32>
        %broadcast_in_dim3A_519 = vector.broadcast %reduce_sum3A_518 : f32 to vector<16xf32>
        %swap3A_520 = arith.index_cast %add3A_429 : i32 to index
        %swap3A_521 = arith.constant 0 : index
        %swap3A_522 = tpu.vector_load %arg14[%swap3A_520, %swap3A_521] {strides = array<i32>} : memref<136x16xf32, #tpu.memory_space<vmem>>, vector<16xf32>,
        tpu.vector_store %arg14[%swap3A_520, %swap3A_521], %broadcast_in_dim3A_519 {strides = array<i32>} : memref<136x16xf32, #tpu.memory_space<vmem>>, vector<16xf32>,
      }
      %scan3A_325 = arith.constant 65 : i32
      %scan3A_326 = arith.constant 0 : i32
      %scan3A_327 = arith.constant 0 : i32
      %scan3A_328 = arith.constant 8 : i32
      %scan3A_329 = arith.addi %scan3A_327, %scan3A_328 : i32
      %scan3A_330 = arith.constant 1 : i32
      scf.for %scan3A_423 = %scan3A_327 to %scan3A_329 step %scan3A_330  : i32 {
        %mul3A_424 = arith.constant 16 : i32
        %mul3A_425 = arith.muli %scan3A_423, %mul3A_424 : i32
        %add3A_426 = vector.broadcast %mul3A_425 : i32 to vector<16xi32>
        %add3A_427 = arith.addi %iota3A, %add3A_426 : vector<16xi32>
        %gather3A_428 = tpu.vector_load_idx %arg14[%add3A_427, %iota3A] : memref<136x16xf32, #tpu.memory_space<vmem>>[vector<16xi32>, vector<16xi32>], vector<16xf32>,
        %add3A_429 = arith.constant 1 : i32
        %add3A_430 = vector.broadcast %add3A_429 : i32 to vector<16xi32>
        %add3A_431 = arith.addi %add3A_427, %add3A_430 : vector<16xi32>
        %gather3A_432 = tpu.vector_load_idx %arg14[%add3A_431, %iota3A] : memref<136x16xf32, #tpu.memory_space<vmem>>[vector<16xi32>, vector<16xi32>], vector<16xf32>,
        %sub3A_433 = arith.subf %gather3A_428, %gather3A_432 : vector<16xf32>
        %add3A_434 = arith.addf %sub3A_433, %broadcast_in_dim3A : vector<16xf32>
        %neg3A = arith.constant 0.000000e+00 : f32
        %neg3A_435 = vector.broadcast %neg3A : f32 to vector<16xf32>
        %neg3A_436 = arith.subf %neg3A_435, %add3A_434 : vector<16xf32>
        %exp3A = math.exp %neg3A_436 : vector<16xf32>
        %add3A_437 = arith.constant 1.000000e+00 : f32
        %add3A_438 = vector.broadcast %add3A_437 : f32 to vector<16xf32>
        %add3A_439 = arith.addf %add3A_438, %exp3A : vector<16xf32>
        %div3A_440 = arith.constant 1.000000e+00 : f32
        %div3A_441 = vector.broadcast %div3A_440 : f32 to vector<16xf32>
        %div3A_442 = arith.divf %div3A_441, %add3A_439 : vector<16xf32>
        %add3A_443 = vector.broadcast %add3A_319 : i32 to vector<16xi32>
        %add3A_444 = arith.addi %add3A_427, %add3A_443 : vector<16xi32>
        %convert_element_type3A_445 = arith.sitofp %add3A_444 : vector<16xi32> to vector<16xf32>
        %sub3A_446 = arith.subf %gather3A, %convert_element_type3A_445 : vector<16xf32>
        %sub3A_447 = arith.constant 1.000000e+00 : f32
        %sub3A_448 = vector.broadcast %sub3A_447 : f32 to vector<16xf32>
        %sub3A_449 = arith.subf %sub3A_446, %sub3A_448 : vector<16xf32>
        %add3A_450 = arith.constant 1.000000e+00 : f32
        %add3A_451 = vector.broadcast %add3A_450 : f32 to vector<16xf32>
        %add3A_452 = arith.addf %convert_element_type3A_445, %add3A_451 : vector<16xf32>
        %lt3A_453 = arith.cmpf olt, %add3A_452, %gather3A : vector<16xf32>
        %jit3A_454 = arith.constant 1.000000e+00 : f32
        %broadcast_in_dim3A_455 = vector.broadcast %jit3A_454 : f32 to vector<16xf32>
        %select_n3A_456 = arith.select %lt3A_453, %div3A_442, %broadcast_in_dim3A_455 : vector<16xi1>, vector<16xf32>
        %swap3A = arith.index_cast %mul3A_425 : i32 to index
        %swap3A_457 = tpu.vector_load %arg15[%swap3A] {strides = array<i32>} : memref<128xf32, #tpu.memory_space<vmem>>, vector<16xf32>,
        tpu.vector_store %arg15[%swap3A], %select_n3A_456 {strides = array<i32>} : memref<128xf32, #tpu.memory_space<vmem>>, vector<16xf32>,
        %add3A_458 = arith.addf %sub3A_449, %div3A_442 : vector<16xf32>
        %jit3A_459 = arith.constant 0.000000e+00 : f32
        %broadcast_in_dim3A_460 = vector.broadcast %jit3A_459 : f32 to vector<16xf32>
        %select_n3A_461 = arith.select %lt3A_453, %add3A_458, %broadcast_in_dim3A_460 : vector<16xi1>, vector<16xf32>
        %swap3A_462 = arith.index_cast %mul3A_425 : i32 to index
        %swap3A_463 = tpu.vector_load %arg16[%swap3A_462] {strides = array<i32>} : memref<128xf32, #tpu.memory_space<vmem>>, vector<16xf32>,
        tpu.vector_store %arg16[%swap3A_462], %select_n3A_461 {strides = array<i32>} : memref<128xf32, #tpu.memory_space<vmem>>, vector<16xf32>,
      }
      %scan3A_331 = arith.constant 8 : i32
      %get3A_332 = arith.constant 0 : i32
      %get3A_333 = arith.index_cast %get3A_332 : i32 to index
      %get3A_334 = arith.constant 0 : index
      %get3A_335 = tpu.vector_load %arg11[%get3A_333, %get3A_334] {strides = array<i32>} : memref<136x128xf32, #tpu.memory_space<vmem>>, vector<16xf32>,
      %get3A_336 = arith.constant 0 : i32
      %get3A_337 = arith.index_cast %get3A_336 : i32 to index
      %get3A_338 = arith.constant 16 : index
      %get3A_339 = tpu.vector_load %arg11[%get3A_337, %get3A_338] {strides = array<i32>} : memref<136x128xf32, #tpu.memory_space<vmem>>, vector<16xf32>,
      %get3A_340 = arith.constant 0 : i32
      %get3A_341 = arith.index_cast %get3A_340 : i32 to index
      %get3A_342 = arith.constant 32 : index
      %get3A_343 = tpu.vector_load %arg11[%get3A_341, %get3A_342] {strides = array<i32>} : memref<136x128xf32, #tpu.memory_space<vmem>>, vector<16xf32>,
      %get3A_344 = arith.constant 0 : i32
      %get3A_345 = arith.index_cast %get3A_344 : i32 to index
      %get3A_346 = arith.constant 48 : index
      %get3A_347 = tpu.vector_load %arg11[%get3A_345, %get3A_346] {strides = array<i32>} : memref<136x128xf32, #tpu.memory_space<vmem>>, vector<16xf32>,
      %get3A_348 = arith.constant 0 : i32
      %get3A_349 = arith.index_cast %get3A_348 : i32 to index
      %get3A_350 = arith.constant 64 : index
      %get3A_351 = tpu.vector_load %arg11[%get3A_349, %get3A_350] {strides = array<i32>} : memref<136x128xf32, #tpu.memory_space<vmem>>, vector<16xf32>,
      %get3A_352 = arith.constant 0 : i32
      %get3A_353 = arith.index_cast %get3A_352 : i32 to index
      %get3A_354 = arith.constant 80 : index
      %get3A_355 = tpu.vector_load %arg11[%get3A_353, %get3A_354] {strides = array<i32>} : memref<136x128xf32, #tpu.memory_space<vmem>>, vector<16xf32>,
      %get3A_356 = arith.constant 0 : i32
      %get3A_357 = arith.index_cast %get3A_356 : i32 to index
      %get3A_358 = arith.constant 96 : index
      %get3A_359 = tpu.vector_load %arg11[%get3A_357, %get3A_358] {strides = array<i32>} : memref<136x128xf32, #tpu.memory_space<vmem>>, vector<16xf32>,
      %get3A_360 = arith.constant 0 : i32
      %get3A_361 = arith.index_cast %get3A_360 : i32 to index
      %get3A_362 = arith.constant 112 : index
      %get3A_363 = tpu.vector_load %arg11[%get3A_361, %get3A_362] {strides = array<i32>} : memref<136x128xf32, #tpu.memory_space<vmem>>, vector<16xf32>,
      %scan3A_364 = arith.constant 0 : i32
      %scan3A_365 = arith.constant 32 : i32
      %scan3A_366 = arith.addi %scan3A_364, %scan3A_365 : i32
      %scan3A_367 = arith.constant 1 : i32
      %scan3A_368:8 = scf.for %scan3A_423 = %scan3A_364 to %scan3A_366 step %scan3A_367 iter_args(%scan3A_424 = %get3A_335, %scan3A_425 = %get3A_339, %scan3A_426 = %get3A_343, %scan3A_427 = %get3A_347, %scan3A_428 = %get3A_351, %scan3A_429 = %get3A_355, %scan3A_430 = %get3A_359, %scan3A_431 = %get3A_363) -> (vector<16xf32>, vector<16xf32>, vector<16xf32>, vector<16xf32>, vector<16xf32>, vector<16xf32>, vector<16xf32>, vector<16xf32>)  : i32 {
        %mul3A_432 = arith.constant 2 : i32
        %mul3A_433 = arith.muli %mul3A_432, %scan3A_423 : i32
        %add3A_434 = arith.constant 1 : i32
        %add3A_435 = arith.addi %mul3A_433, %add3A_434 : i32
        %get3A_436 = arith.index_cast %add3A_435 : i32 to index
        %get3A_437 = arith.constant 0 : index
        %get3A_438 = tpu.vector_load %arg11[%get3A_436, %get3A_437] {strides = array<i32>} : memref<136x128xf32, #tpu.memory_space<vmem>>, vector<16xf32>,
        %add3A_439 = arith.constant 1 : i32
        %add3A_440 = arith.addi %mul3A_433, %add3A_439 : i32
        %get3A_441 = arith.index_cast %add3A_440 : i32 to index
        %get3A_442 = arith.constant 16 : index
        %get3A_443 = tpu.vector_load %arg11[%get3A_441, %get3A_442] {strides = array<i32>} : memref<136x128xf32, #tpu.memory_space<vmem>>, vector<16xf32>,
        %add3A_444 = arith.constant 1 : i32
        %add3A_445 = arith.addi %mul3A_433, %add3A_444 : i32
        %get3A_446 = arith.index_cast %add3A_445 : i32 to index
        %get3A_447 = arith.constant 32 : index
        %get3A_448 = tpu.vector_load %arg11[%get3A_446, %get3A_447] {strides = array<i32>} : memref<136x128xf32, #tpu.memory_space<vmem>>, vector<16xf32>,
        %add3A_449 = arith.constant 1 : i32
        %add3A_450 = arith.addi %mul3A_433, %add3A_449 : i32
        %get3A_451 = arith.index_cast %add3A_450 : i32 to index
        %get3A_452 = arith.constant 48 : index
        %get3A_453 = tpu.vector_load %arg11[%get3A_451, %get3A_452] {strides = array<i32>} : memref<136x128xf32, #tpu.memory_space<vmem>>, vector<16xf32>,
        %add3A_454 = arith.constant 1 : i32
        %add3A_455 = arith.addi %mul3A_433, %add3A_454 : i32
        %get3A_456 = arith.index_cast %add3A_455 : i32 to index
        %get3A_457 = arith.constant 64 : index
        %get3A_458 = tpu.vector_load %arg11[%get3A_456, %get3A_457] {strides = array<i32>} : memref<136x128xf32, #tpu.memory_space<vmem>>, vector<16xf32>,
        %add3A_459 = arith.constant 1 : i32
        %add3A_460 = arith.addi %mul3A_433, %add3A_459 : i32
        %get3A_461 = arith.index_cast %add3A_460 : i32 to index
        %get3A_462 = arith.constant 80 : index
        %get3A_463 = tpu.vector_load %arg11[%get3A_461, %get3A_462] {strides = array<i32>} : memref<136x128xf32, #tpu.memory_space<vmem>>, vector<16xf32>,
        %add3A_464 = arith.constant 1 : i32
        %add3A_465 = arith.addi %mul3A_433, %add3A_464 : i32
        %get3A_466 = arith.index_cast %add3A_465 : i32 to index
        %get3A_467 = arith.constant 96 : index
        %get3A_468 = tpu.vector_load %arg11[%get3A_466, %get3A_467] {strides = array<i32>} : memref<136x128xf32, #tpu.memory_space<vmem>>, vector<16xf32>,
        %add3A_469 = arith.constant 1 : i32
        %add3A_470 = arith.addi %mul3A_433, %add3A_469 : i32
        %get3A_471 = arith.index_cast %add3A_470 : i32 to index
        %get3A_472 = arith.constant 112 : index
        %get3A_473 = tpu.vector_load %arg11[%get3A_471, %get3A_472] {strides = array<i32>} : memref<136x128xf32, #tpu.memory_space<vmem>>, vector<16xf32>,
        %add3A_474 = arith.constant 2 : i32
        %add3A_475 = arith.addi %mul3A_433, %add3A_474 : i32
        %get3A_476 = arith.index_cast %add3A_475 : i32 to index
        %get3A_477 = arith.constant 0 : index
        %get3A_478 = tpu.vector_load %arg11[%get3A_476, %get3A_477] {strides = array<i32>} : memref<136x128xf32, #tpu.memory_space<vmem>>, vector<16xf32>,
        %add3A_479 = arith.constant 2 : i32
        %add3A_480 = arith.addi %mul3A_433, %add3A_479 : i32
        %get3A_481 = arith.index_cast %add3A_480 : i32 to index
        %get3A_482 = arith.constant 16 : index
        %get3A_483 = tpu.vector_load %arg11[%get3A_481, %get3A_482] {strides = array<i32>} : memref<136x128xf32, #tpu.memory_space<vmem>>, vector<16xf32>,
        %add3A_484 = arith.constant 2 : i32
        %add3A_485 = arith.addi %mul3A_433, %add3A_484 : i32
        %get3A_486 = arith.index_cast %add3A_485 : i32 to index
        %get3A_487 = arith.constant 32 : index
        %get3A_488 = tpu.vector_load %arg11[%get3A_486, %get3A_487] {strides = array<i32>} : memref<136x128xf32, #tpu.memory_space<vmem>>, vector<16xf32>,
        %add3A_489 = arith.constant 2 : i32
        %add3A_490 = arith.addi %mul3A_433, %add3A_489 : i32
        %get3A_491 = arith.index_cast %add3A_490 : i32 to index
        %get3A_492 = arith.constant 48 : index
        %get3A_493 = tpu.vector_load %arg11[%get3A_491, %get3A_492] {strides = array<i32>} : memref<136x128xf32, #tpu.memory_space<vmem>>, vector<16xf32>,
        %add3A_494 = arith.constant 2 : i32
        %add3A_495 = arith.addi %mul3A_433, %add3A_494 : i32
        %get3A_496 = arith.index_cast %add3A_495 : i32 to index
        %get3A_497 = arith.constant 64 : index
        %get3A_498 = tpu.vector_load %arg11[%get3A_496, %get3A_497] {strides = array<i32>} : memref<136x128xf32, #tpu.memory_space<vmem>>, vector<16xf32>,
        %add3A_499 = arith.constant 2 : i32
        %add3A_500 = arith.addi %mul3A_433, %add3A_499 : i32
        %get3A_501 = arith.index_cast %add3A_500 : i32 to index
        %get3A_502 = arith.constant 80 : index
        %get3A_503 = tpu.vector_load %arg11[%get3A_501, %get3A_502] {strides = array<i32>} : memref<136x128xf32, #tpu.memory_space<vmem>>, vector<16xf32>,
        %add3A_504 = arith.constant 2 : i32
        %add3A_505 = arith.addi %mul3A_433, %add3A_504 : i32
        %get3A_506 = arith.index_cast %add3A_505 : i32 to index
        %get3A_507 = arith.constant 96 : index
        %get3A_508 = tpu.vector_load %arg11[%get3A_506, %get3A_507] {strides = array<i32>} : memref<136x128xf32, #tpu.memory_space<vmem>>, vector<16xf32>,
        %add3A_509 = arith.constant 2 : i32
        %add3A_510 = arith.addi %mul3A_433, %add3A_509 : i32
        %get3A_511 = arith.index_cast %add3A_510 : i32 to index
        %get3A_512 = arith.constant 112 : index
        %get3A_513 = tpu.vector_load %arg11[%get3A_511, %get3A_512] {strides = array<i32>} : memref<136x128xf32, #tpu.memory_space<vmem>>, vector<16xf32>,
        %add3A_514 = arith.constant 1 : i32
        %add3A_515 = arith.addi %mul3A_433, %add3A_514 : i32
        %broadcast_in_dim3A_516 = vector.broadcast %mul3A_433 : i32 to vector<16xi32>
        %gather3A_517 = tpu.vector_load_idx %arg15[%broadcast_in_dim3A_516] : memref<128xf32, #tpu.memory_space<vmem>>[vector<16xi32>], vector<16xf32>,
        %gather3A_518 = tpu.vector_load_idx %arg16[%broadcast_in_dim3A_516] : memref<128xf32, #tpu.memory_space<vmem>>[vector<16xi32>], vector<16xf32>,
        %add3A_519 = arith.addf %get3A_438, %gather3A_518 : vector<16xf32>
        %sub3A_520 = arith.subf %scan3A_424, %get3A_438 : vector<16xf32>
        %mul3A_521 = arith.mulf %gather3A_517, %sub3A_520 : vector<16xf32>
        %add3A_522 = arith.addf %add3A_519, %mul3A_521 : vector<16xf32>
        %swap3A = arith.index_cast %mul3A_433 : i32 to index
        %swap3A_523 = arith.constant 0 : index
        %swap3A_524 = tpu.vector_load %arg13[%swap3A, %swap3A_523] {strides = array<i32>} : memref<128x128xf32, #tpu.memory_space<vmem>>, vector<16xf32>,
        tpu.vector_store %arg13[%swap3A, %swap3A_523], %add3A_522 {strides = array<i32>} : memref<128x128xf32, #tpu.memory_space<vmem>>, vector<16xf32>,
        %add3A_525 = arith.addf %get3A_443, %gather3A_518 : vector<16xf32>
        %sub3A_526 = arith.subf %scan3A_425, %get3A_443 : vector<16xf32>
        %mul3A_527 = arith.mulf %gather3A_517, %sub3A_526 : vector<16xf32>
        %add3A_528 = arith.addf %add3A_525, %mul3A_527 : vector<16xf32>
        %swap3A_529 = arith.index_cast %mul3A_433 : i32 to index
        %swap3A_530 = arith.constant 16 : index
        %swap3A_531 = tpu.vector_load %arg13[%swap3A_529, %swap3A_530] {strides = array<i32>} : memref<128x128xf32, #tpu.memory_space<vmem>>, vector<16xf32>,
        tpu.vector_store %arg13[%swap3A_529, %swap3A_530], %add3A_528 {strides = array<i32>} : memref<128x128xf32, #tpu.memory_space<vmem>>, vector<16xf32>,
        %add3A_532 = arith.addf %get3A_448, %gather3A_518 : vector<16xf32>
        %sub3A_533 = arith.subf %scan3A_426, %get3A_448 : vector<16xf32>
        %mul3A_534 = arith.mulf %gather3A_517, %sub3A_533 : vector<16xf32>
        %add3A_535 = arith.addf %add3A_532, %mul3A_534 : vector<16xf32>
        %swap3A_536 = arith.index_cast %mul3A_433 : i32 to index
        %swap3A_537 = arith.constant 32 : index
        %swap3A_538 = tpu.vector_load %arg13[%swap3A_536, %swap3A_537] {strides = array<i32>} : memref<128x128xf32, #tpu.memory_space<vmem>>, vector<16xf32>,
        tpu.vector_store %arg13[%swap3A_536, %swap3A_537], %add3A_535 {strides = array<i32>} : memref<128x128xf32, #tpu.memory_space<vmem>>, vector<16xf32>,
        %add3A_539 = arith.addf %get3A_453, %gather3A_518 : vector<16xf32>
        %sub3A_540 = arith.subf %scan3A_427, %get3A_453 : vector<16xf32>
        %mul3A_541 = arith.mulf %gather3A_517, %sub3A_540 : vector<16xf32>
        %add3A_542 = arith.addf %add3A_539, %mul3A_541 : vector<16xf32>
        %swap3A_543 = arith.index_cast %mul3A_433 : i32 to index
        %swap3A_544 = arith.constant 48 : index
        %swap3A_545 = tpu.vector_load %arg13[%swap3A_543, %swap3A_544] {strides = array<i32>} : memref<128x128xf32, #tpu.memory_space<vmem>>, vector<16xf32>,
        tpu.vector_store %arg13[%swap3A_543, %swap3A_544], %add3A_542 {strides = array<i32>} : memref<128x128xf32, #tpu.memory_space<vmem>>, vector<16xf32>,
        %add3A_546 = arith.addf %get3A_458, %gather3A_518 : vector<16xf32>
        %sub3A_547 = arith.subf %scan3A_428, %get3A_458 : vector<16xf32>
        %mul3A_548 = arith.mulf %gather3A_517, %sub3A_547 : vector<16xf32>
        %add3A_549 = arith.addf %add3A_546, %mul3A_548 : vector<16xf32>
        %swap3A_550 = arith.index_cast %mul3A_433 : i32 to index
        %swap3A_551 = arith.constant 64 : index
        %swap3A_552 = tpu.vector_load %arg13[%swap3A_550, %swap3A_551] {strides = array<i32>} : memref<128x128xf32, #tpu.memory_space<vmem>>, vector<16xf32>,
        tpu.vector_store %arg13[%swap3A_550, %swap3A_551], %add3A_549 {strides = array<i32>} : memref<128x128xf32, #tpu.memory_space<vmem>>, vector<16xf32>,
        %add3A_553 = arith.addf %get3A_463, %gather3A_518 : vector<16xf32>
        %sub3A_554 = arith.subf %scan3A_429, %get3A_463 : vector<16xf32>
        %mul3A_555 = arith.mulf %gather3A_517, %sub3A_554 : vector<16xf32>
        %add3A_556 = arith.addf %add3A_553, %mul3A_555 : vector<16xf32>
        %swap3A_557 = arith.index_cast %mul3A_433 : i32 to index
        %swap3A_558 = arith.constant 80 : index
        %swap3A_559 = tpu.vector_load %arg13[%swap3A_557, %swap3A_558] {strides = array<i32>} : memref<128x128xf32, #tpu.memory_space<vmem>>, vector<16xf32>,
        tpu.vector_store %arg13[%swap3A_557, %swap3A_558], %add3A_556 {strides = array<i32>} : memref<128x128xf32, #tpu.memory_space<vmem>>, vector<16xf32>,
        %add3A_560 = arith.addf %get3A_468, %gather3A_518 : vector<16xf32>
        %sub3A_561 = arith.subf %scan3A_430, %get3A_468 : vector<16xf32>
        %mul3A_562 = arith.mulf %gather3A_517, %sub3A_561 : vector<16xf32>
        %add3A_563 = arith.addf %add3A_560, %mul3A_562 : vector<16xf32>
        %swap3A_564 = arith.index_cast %mul3A_433 : i32 to index
        %swap3A_565 = arith.constant 96 : index
        %swap3A_566 = tpu.vector_load %arg13[%swap3A_564, %swap3A_565] {strides = array<i32>} : memref<128x128xf32, #tpu.memory_space<vmem>>, vector<16xf32>,
        tpu.vector_store %arg13[%swap3A_564, %swap3A_565], %add3A_563 {strides = array<i32>} : memref<128x128xf32, #tpu.memory_space<vmem>>, vector<16xf32>,
        %add3A_567 = arith.addf %get3A_473, %gather3A_518 : vector<16xf32>
        %sub3A_568 = arith.subf %scan3A_431, %get3A_473 : vector<16xf32>
        %mul3A_569 = arith.mulf %gather3A_517, %sub3A_568 : vector<16xf32>
        %add3A_570 = arith.addf %add3A_567, %mul3A_569 : vector<16xf32>
        %swap3A_571 = arith.index_cast %mul3A_433 : i32 to index
        %swap3A_572 = arith.constant 112 : index
        %swap3A_573 = tpu.vector_load %arg13[%swap3A_571, %swap3A_572] {strides = array<i32>} : memref<128x128xf32, #tpu.memory_space<vmem>>, vector<16xf32>,
        tpu.vector_store %arg13[%swap3A_571, %swap3A_572], %add3A_570 {strides = array<i32>} : memref<128x128xf32, #tpu.memory_space<vmem>>, vector<16xf32>,
        %broadcast_in_dim3A_574 = vector.broadcast %add3A_515 : i32 to vector<16xi32>
        %gather3A_575 = tpu.vector_load_idx %arg15[%broadcast_in_dim3A_574] : memref<128xf32, #tpu.memory_space<vmem>>[vector<16xi32>], vector<16xf32>,
        %gather3A_576 = tpu.vector_load_idx %arg16[%broadcast_in_dim3A_574] : memref<128xf32, #tpu.memory_space<vmem>>[vector<16xi32>], vector<16xf32>,
        %add3A_577 = arith.addf %get3A_478, %gather3A_576 : vector<16xf32>
        %sub3A_578 = arith.subf %get3A_438, %get3A_478 : vector<16xf32>
        %mul3A_579 = arith.mulf %gather3A_575, %sub3A_578 : vector<16xf32>
        %add3A_580 = arith.addf %add3A_577, %mul3A_579 : vector<16xf32>
        %swap3A_581 = arith.index_cast %add3A_515 : i32 to index
        %swap3A_582 = arith.constant 0 : index
        %swap3A_583 = tpu.vector_load %arg13[%swap3A_581, %swap3A_582] {strides = array<i32>} : memref<128x128xf32, #tpu.memory_space<vmem>>, vector<16xf32>,
        tpu.vector_store %arg13[%swap3A_581, %swap3A_582], %add3A_580 {strides = array<i32>} : memref<128x128xf32, #tpu.memory_space<vmem>>, vector<16xf32>,
        %add3A_584 = arith.addf %get3A_483, %gather3A_576 : vector<16xf32>
        %sub3A_585 = arith.subf %get3A_443, %get3A_483 : vector<16xf32>
        %mul3A_586 = arith.mulf %gather3A_575, %sub3A_585 : vector<16xf32>
        %add3A_587 = arith.addf %add3A_584, %mul3A_586 : vector<16xf32>
        %swap3A_588 = arith.index_cast %add3A_515 : i32 to index
        %swap3A_589 = arith.constant 16 : index
        %swap3A_590 = tpu.vector_load %arg13[%swap3A_588, %swap3A_589] {strides = array<i32>} : memref<128x128xf32, #tpu.memory_space<vmem>>, vector<16xf32>,
        tpu.vector_store %arg13[%swap3A_588, %swap3A_589], %add3A_587 {strides = array<i32>} : memref<128x128xf32, #tpu.memory_space<vmem>>, vector<16xf32>,
        %add3A_591 = arith.addf %get3A_488, %gather3A_576 : vector<16xf32>
        %sub3A_592 = arith.subf %get3A_448, %get3A_488 : vector<16xf32>
        %mul3A_593 = arith.mulf %gather3A_575, %sub3A_592 : vector<16xf32>
        %add3A_594 = arith.addf %add3A_591, %mul3A_593 : vector<16xf32>
        %swap3A_595 = arith.index_cast %add3A_515 : i32 to index
        %swap3A_596 = arith.constant 32 : index
        %swap3A_597 = tpu.vector_load %arg13[%swap3A_595, %swap3A_596] {strides = array<i32>} : memref<128x128xf32, #tpu.memory_space<vmem>>, vector<16xf32>,
        tpu.vector_store %arg13[%swap3A_595, %swap3A_596], %add3A_594 {strides = array<i32>} : memref<128x128xf32, #tpu.memory_space<vmem>>, vector<16xf32>,
        %add3A_598 = arith.addf %get3A_493, %gather3A_576 : vector<16xf32>
        %sub3A_599 = arith.subf %get3A_453, %get3A_493 : vector<16xf32>
        %mul3A_600 = arith.mulf %gather3A_575, %sub3A_599 : vector<16xf32>
        %add3A_601 = arith.addf %add3A_598, %mul3A_600 : vector<16xf32>
        %swap3A_602 = arith.index_cast %add3A_515 : i32 to index
        %swap3A_603 = arith.constant 48 : index
        %swap3A_604 = tpu.vector_load %arg13[%swap3A_602, %swap3A_603] {strides = array<i32>} : memref<128x128xf32, #tpu.memory_space<vmem>>, vector<16xf32>,
        tpu.vector_store %arg13[%swap3A_602, %swap3A_603], %add3A_601 {strides = array<i32>} : memref<128x128xf32, #tpu.memory_space<vmem>>, vector<16xf32>,
        %add3A_605 = arith.addf %get3A_498, %gather3A_576 : vector<16xf32>
        %sub3A_606 = arith.subf %get3A_458, %get3A_498 : vector<16xf32>
        %mul3A_607 = arith.mulf %gather3A_575, %sub3A_606 : vector<16xf32>
        %add3A_608 = arith.addf %add3A_605, %mul3A_607 : vector<16xf32>
        %swap3A_609 = arith.index_cast %add3A_515 : i32 to index
        %swap3A_610 = arith.constant 64 : index
        %swap3A_611 = tpu.vector_load %arg13[%swap3A_609, %swap3A_610] {strides = array<i32>} : memref<128x128xf32, #tpu.memory_space<vmem>>, vector<16xf32>,
        tpu.vector_store %arg13[%swap3A_609, %swap3A_610], %add3A_608 {strides = array<i32>} : memref<128x128xf32, #tpu.memory_space<vmem>>, vector<16xf32>,
        %add3A_612 = arith.addf %get3A_503, %gather3A_576 : vector<16xf32>
        %sub3A_613 = arith.subf %get3A_463, %get3A_503 : vector<16xf32>
        %mul3A_614 = arith.mulf %gather3A_575, %sub3A_613 : vector<16xf32>
        %add3A_615 = arith.addf %add3A_612, %mul3A_614 : vector<16xf32>
        %swap3A_616 = arith.index_cast %add3A_515 : i32 to index
        %swap3A_617 = arith.constant 80 : index
        %swap3A_618 = tpu.vector_load %arg13[%swap3A_616, %swap3A_617] {strides = array<i32>} : memref<128x128xf32, #tpu.memory_space<vmem>>, vector<16xf32>,
        tpu.vector_store %arg13[%swap3A_616, %swap3A_617], %add3A_615 {strides = array<i32>} : memref<128x128xf32, #tpu.memory_space<vmem>>, vector<16xf32>,
        %add3A_619 = arith.addf %get3A_508, %gather3A_576 : vector<16xf32>
        %sub3A_620 = arith.subf %get3A_468, %get3A_508 : vector<16xf32>
        %mul3A_621 = arith.mulf %gather3A_575, %sub3A_620 : vector<16xf32>
        %add3A_622 = arith.addf %add3A_619, %mul3A_621 : vector<16xf32>
        %swap3A_623 = arith.index_cast %add3A_515 : i32 to index
        %swap3A_624 = arith.constant 96 : index
        %swap3A_625 = tpu.vector_load %arg13[%swap3A_623, %swap3A_624] {strides = array<i32>} : memref<128x128xf32, #tpu.memory_space<vmem>>, vector<16xf32>,
        tpu.vector_store %arg13[%swap3A_623, %swap3A_624], %add3A_622 {strides = array<i32>} : memref<128x128xf32, #tpu.memory_space<vmem>>, vector<16xf32>,
        %add3A_626 = arith.addf %get3A_513, %gather3A_576 : vector<16xf32>
        %sub3A_627 = arith.subf %get3A_473, %get3A_513 : vector<16xf32>
        %mul3A_628 = arith.mulf %gather3A_575, %sub3A_627 : vector<16xf32>
        %add3A_629 = arith.addf %add3A_626, %mul3A_628 : vector<16xf32>
        %swap3A_630 = arith.index_cast %add3A_515 : i32 to index
        %swap3A_631 = arith.constant 112 : index
        %swap3A_632 = tpu.vector_load %arg13[%swap3A_630, %swap3A_631] {strides = array<i32>} : memref<128x128xf32, #tpu.memory_space<vmem>>, vector<16xf32>,
        tpu.vector_store %arg13[%swap3A_630, %swap3A_631], %add3A_629 {strides = array<i32>} : memref<128x128xf32, #tpu.memory_space<vmem>>, vector<16xf32>,
        scf.yield %get3A_478, %get3A_483, %get3A_488, %get3A_493, %get3A_498, %get3A_503, %get3A_508, %get3A_513 : vector<16xf32>, vector<16xf32>, vector<16xf32>, vector<16xf32>, vector<16xf32>, vector<16xf32>, vector<16xf32>, vector<16xf32>
      }
      %scan3A_369 = arith.constant 32 : i32
      %mul3A_370 = arith.constant 128 : i32
      %mul3A_371 = arith.muli %add3A_291, %mul3A_370 : i32
      %add3A_372 = arith.addi %mul3A_34, %mul3A_371 : i32
      %add3A_373 = arith.constant 0 : i32
      %add3A_374 = arith.addi %add3A_372, %add3A_373 : i32
      %mul3A_375 = arith.constant 128 : i32
      %mul3A_376 = arith.muli %add3A_291, %mul3A_375 : i32
      %add3A_377 = arith.addi %mul3A_34, %mul3A_376 : i32
      %add3A_378 = arith.constant 64 : i32
      %add3A_379 = arith.addi %add3A_377, %add3A_378 : i32
      %dma_start3A_380 = arith.constant 0 : i32
      %dma_start3A_381 = arith.constant 0 : i32
      %dma_start3A_382 = tpu.memref_slice %arg13[%dma_start3A_380, %dma_start3A_381] : memref<128x128xf32, #tpu.memory_space<vmem>> -> memref<64x128xf32, #tpu.memory_space<vmem>>
      %dma_start3A_383 = arith.constant 0 : i32
      %dma_start3A_384 = tpu.memref_slice %arg6[%add3A_374, %dma_start3A_383] : memref<65536x128xf32, #tpu.memory_space<hbm>> -> memref<64x128xf32, #tpu.memory_space<hbm>>
      %dma_start3A_385 = arith.constant 0 : i32
      %dma_start3A_386 = tpu.memref_slice %arg6[%add3A_374, %dma_start3A_385] : memref<65536x128xf32, #tpu.memory_space<hbm>> -> memref<64x128xf32, #tpu.memory_space<hbm>>
      %dma_start3A_387 = arith.constant 0 : i32
      %dma_start3A_388 = arith.constant 0 : i32
      %dma_start3A_389 = tpu.memref_slice %arg13[%dma_start3A_387, %dma_start3A_388] : memref<128x128xf32, #tpu.memory_space<vmem>> -> memref<64x128xf32, #tpu.memory_space<vmem>>
      tpu.enqueue_dma source(%dma_start3A_389 : memref<64x128xf32, #tpu.memory_space<vmem>>) target(%dma_start3A_386 : memref<64x128xf32, #tpu.memory_space<hbm>>) target_semaphore(%arg20 : memref<!tpu.dma_semaphore, #tpu.memory_space<semaphore_mem>>)
      %scan3A_390 = arith.constant 32 : i32
      %scan3A_391 = arith.constant 32 : i32
      %scan3A_392 = arith.addi %scan3A_390, %scan3A_391 : i32
      %scan3A_393 = arith.constant 1 : i32
      %scan3A_394:8 = scf.for %scan3A_423 = %scan3A_390 to %scan3A_392 step %scan3A_393 iter_args(%scan3A_424 = %scan3A_368#0, %scan3A_425 = %scan3A_368#1, %scan3A_426 = %scan3A_368#2, %scan3A_427 = %scan3A_368#3, %scan3A_428 = %scan3A_368#4, %scan3A_429 = %scan3A_368#5, %scan3A_430 = %scan3A_368#6, %scan3A_431 = %scan3A_368#7) -> (vector<16xf32>, vector<16xf32>, vector<16xf32>, vector<16xf32>, vector<16xf32>, vector<16xf32>, vector<16xf32>, vector<16xf32>)  : i32 {
        %mul3A_432 = arith.constant 2 : i32
        %mul3A_433 = arith.muli %mul3A_432, %scan3A_423 : i32
        %add3A_434 = arith.constant 1 : i32
        %add3A_435 = arith.addi %mul3A_433, %add3A_434 : i32
        %get3A_436 = arith.index_cast %add3A_435 : i32 to index
        %get3A_437 = arith.constant 0 : index
        %get3A_438 = tpu.vector_load %arg11[%get3A_436, %get3A_437] {strides = array<i32>} : memref<136x128xf32, #tpu.memory_space<vmem>>, vector<16xf32>,
        %add3A_439 = arith.constant 1 : i32
        %add3A_440 = arith.addi %mul3A_433, %add3A_439 : i32
        %get3A_441 = arith.index_cast %add3A_440 : i32 to index
        %get3A_442 = arith.constant 16 : index
        %get3A_443 = tpu.vector_load %arg11[%get3A_441, %get3A_442] {strides = array<i32>} : memref<136x128xf32, #tpu.memory_space<vmem>>, vector<16xf32>,
        %add3A_444 = arith.constant 1 : i32
        %add3A_445 = arith.addi %mul3A_433, %add3A_444 : i32
        %get3A_446 = arith.index_cast %add3A_445 : i32 to index
        %get3A_447 = arith.constant 32 : index
        %get3A_448 = tpu.vector_load %arg11[%get3A_446, %get3A_447] {strides = array<i32>} : memref<136x128xf32, #tpu.memory_space<vmem>>, vector<16xf32>,
        %add3A_449 = arith.constant 1 : i32
        %add3A_450 = arith.addi %mul3A_433, %add3A_449 : i32
        %get3A_451 = arith.index_cast %add3A_450 : i32 to index
        %get3A_452 = arith.constant 48 : index
        %get3A_453 = tpu.vector_load %arg11[%get3A_451, %get3A_452] {strides = array<i32>} : memref<136x128xf32, #tpu.memory_space<vmem>>, vector<16xf32>,
        %add3A_454 = arith.constant 1 : i32
        %add3A_455 = arith.addi %mul3A_433, %add3A_454 : i32
        %get3A_456 = arith.index_cast %add3A_455 : i32 to index
        %get3A_457 = arith.constant 64 : index
        %get3A_458 = tpu.vector_load %arg11[%get3A_456, %get3A_457] {strides = array<i32>} : memref<136x128xf32, #tpu.memory_space<vmem>>, vector<16xf32>,
        %add3A_459 = arith.constant 1 : i32
        %add3A_460 = arith.addi %mul3A_433, %add3A_459 : i32
        %get3A_461 = arith.index_cast %add3A_460 : i32 to index
        %get3A_462 = arith.constant 80 : index
        %get3A_463 = tpu.vector_load %arg11[%get3A_461, %get3A_462] {strides = array<i32>} : memref<136x128xf32, #tpu.memory_space<vmem>>, vector<16xf32>,
        %add3A_464 = arith.constant 1 : i32
        %add3A_465 = arith.addi %mul3A_433, %add3A_464 : i32
        %get3A_466 = arith.index_cast %add3A_465 : i32 to index
        %get3A_467 = arith.constant 96 : index
        %get3A_468 = tpu.vector_load %arg11[%get3A_466, %get3A_467] {strides = array<i32>} : memref<136x128xf32, #tpu.memory_space<vmem>>, vector<16xf32>,
        %add3A_469 = arith.constant 1 : i32
        %add3A_470 = arith.addi %mul3A_433, %add3A_469 : i32
        %get3A_471 = arith.index_cast %add3A_470 : i32 to index
        %get3A_472 = arith.constant 112 : index
        %get3A_473 = tpu.vector_load %arg11[%get3A_471, %get3A_472] {strides = array<i32>} : memref<136x128xf32, #tpu.memory_space<vmem>>, vector<16xf32>,
        %add3A_474 = arith.constant 2 : i32
        %add3A_475 = arith.addi %mul3A_433, %add3A_474 : i32
        %get3A_476 = arith.index_cast %add3A_475 : i32 to index
        %get3A_477 = arith.constant 0 : index
        %get3A_478 = tpu.vector_load %arg11[%get3A_476, %get3A_477] {strides = array<i32>} : memref<136x128xf32, #tpu.memory_space<vmem>>, vector<16xf32>,
        %add3A_479 = arith.constant 2 : i32
        %add3A_480 = arith.addi %mul3A_433, %add3A_479 : i32
        %get3A_481 = arith.index_cast %add3A_480 : i32 to index
        %get3A_482 = arith.constant 16 : index
        %get3A_483 = tpu.vector_load %arg11[%get3A_481, %get3A_482] {strides = array<i32>} : memref<136x128xf32, #tpu.memory_space<vmem>>, vector<16xf32>,
        %add3A_484 = arith.constant 2 : i32
        %add3A_485 = arith.addi %mul3A_433, %add3A_484 : i32
        %get3A_486 = arith.index_cast %add3A_485 : i32 to index
        %get3A_487 = arith.constant 32 : index
        %get3A_488 = tpu.vector_load %arg11[%get3A_486, %get3A_487] {strides = array<i32>} : memref<136x128xf32, #tpu.memory_space<vmem>>, vector<16xf32>,
        %add3A_489 = arith.constant 2 : i32
        %add3A_490 = arith.addi %mul3A_433, %add3A_489 : i32
        %get3A_491 = arith.index_cast %add3A_490 : i32 to index
        %get3A_492 = arith.constant 48 : index
        %get3A_493 = tpu.vector_load %arg11[%get3A_491, %get3A_492] {strides = array<i32>} : memref<136x128xf32, #tpu.memory_space<vmem>>, vector<16xf32>,
        %add3A_494 = arith.constant 2 : i32
        %add3A_495 = arith.addi %mul3A_433, %add3A_494 : i32
        %get3A_496 = arith.index_cast %add3A_495 : i32 to index
        %get3A_497 = arith.constant 64 : index
        %get3A_498 = tpu.vector_load %arg11[%get3A_496, %get3A_497] {strides = array<i32>} : memref<136x128xf32, #tpu.memory_space<vmem>>, vector<16xf32>,
        %add3A_499 = arith.constant 2 : i32
        %add3A_500 = arith.addi %mul3A_433, %add3A_499 : i32
        %get3A_501 = arith.index_cast %add3A_500 : i32 to index
        %get3A_502 = arith.constant 80 : index
        %get3A_503 = tpu.vector_load %arg11[%get3A_501, %get3A_502] {strides = array<i32>} : memref<136x128xf32, #tpu.memory_space<vmem>>, vector<16xf32>,
        %add3A_504 = arith.constant 2 : i32
        %add3A_505 = arith.addi %mul3A_433, %add3A_504 : i32
        %get3A_506 = arith.index_cast %add3A_505 : i32 to index
        %get3A_507 = arith.constant 96 : index
        %get3A_508 = tpu.vector_load %arg11[%get3A_506, %get3A_507] {strides = array<i32>} : memref<136x128xf32, #tpu.memory_space<vmem>>, vector<16xf32>,
        %add3A_509 = arith.constant 2 : i32
        %add3A_510 = arith.addi %mul3A_433, %add3A_509 : i32
        %get3A_511 = arith.index_cast %add3A_510 : i32 to index
        %get3A_512 = arith.constant 112 : index
        %get3A_513 = tpu.vector_load %arg11[%get3A_511, %get3A_512] {strides = array<i32>} : memref<136x128xf32, #tpu.memory_space<vmem>>, vector<16xf32>,
        %add3A_514 = arith.constant 1 : i32
        %add3A_515 = arith.addi %mul3A_433, %add3A_514 : i32
        %broadcast_in_dim3A_516 = vector.broadcast %mul3A_433 : i32 to vector<16xi32>
        %gather3A_517 = tpu.vector_load_idx %arg15[%broadcast_in_dim3A_516] : memref<128xf32, #tpu.memory_space<vmem>>[vector<16xi32>], vector<16xf32>,
        %gather3A_518 = tpu.vector_load_idx %arg16[%broadcast_in_dim3A_516] : memref<128xf32, #tpu.memory_space<vmem>>[vector<16xi32>], vector<16xf32>,
        %add3A_519 = arith.addf %get3A_438, %gather3A_518 : vector<16xf32>
        %sub3A_520 = arith.subf %scan3A_424, %get3A_438 : vector<16xf32>
        %mul3A_521 = arith.mulf %gather3A_517, %sub3A_520 : vector<16xf32>
        %add3A_522 = arith.addf %add3A_519, %mul3A_521 : vector<16xf32>
        %swap3A = arith.index_cast %mul3A_433 : i32 to index
        %swap3A_523 = arith.constant 0 : index
        %swap3A_524 = tpu.vector_load %arg13[%swap3A, %swap3A_523] {strides = array<i32>} : memref<128x128xf32, #tpu.memory_space<vmem>>, vector<16xf32>,
        tpu.vector_store %arg13[%swap3A, %swap3A_523], %add3A_522 {strides = array<i32>} : memref<128x128xf32, #tpu.memory_space<vmem>>, vector<16xf32>,
        %add3A_525 = arith.addf %get3A_443, %gather3A_518 : vector<16xf32>
        %sub3A_526 = arith.subf %scan3A_425, %get3A_443 : vector<16xf32>
        %mul3A_527 = arith.mulf %gather3A_517, %sub3A_526 : vector<16xf32>
        %add3A_528 = arith.addf %add3A_525, %mul3A_527 : vector<16xf32>
        %swap3A_529 = arith.index_cast %mul3A_433 : i32 to index
        %swap3A_530 = arith.constant 16 : index
        %swap3A_531 = tpu.vector_load %arg13[%swap3A_529, %swap3A_530] {strides = array<i32>} : memref<128x128xf32, #tpu.memory_space<vmem>>, vector<16xf32>,
        tpu.vector_store %arg13[%swap3A_529, %swap3A_530], %add3A_528 {strides = array<i32>} : memref<128x128xf32, #tpu.memory_space<vmem>>, vector<16xf32>,
        %add3A_532 = arith.addf %get3A_448, %gather3A_518 : vector<16xf32>
        %sub3A_533 = arith.subf %scan3A_426, %get3A_448 : vector<16xf32>
        %mul3A_534 = arith.mulf %gather3A_517, %sub3A_533 : vector<16xf32>
        %add3A_535 = arith.addf %add3A_532, %mul3A_534 : vector<16xf32>
        %swap3A_536 = arith.index_cast %mul3A_433 : i32 to index
        %swap3A_537 = arith.constant 32 : index
        %swap3A_538 = tpu.vector_load %arg13[%swap3A_536, %swap3A_537] {strides = array<i32>} : memref<128x128xf32, #tpu.memory_space<vmem>>, vector<16xf32>,
        tpu.vector_store %arg13[%swap3A_536, %swap3A_537], %add3A_535 {strides = array<i32>} : memref<128x128xf32, #tpu.memory_space<vmem>>, vector<16xf32>,
        %add3A_539 = arith.addf %get3A_453, %gather3A_518 : vector<16xf32>
        %sub3A_540 = arith.subf %scan3A_427, %get3A_453 : vector<16xf32>
        %mul3A_541 = arith.mulf %gather3A_517, %sub3A_540 : vector<16xf32>
        %add3A_542 = arith.addf %add3A_539, %mul3A_541 : vector<16xf32>
        %swap3A_543 = arith.index_cast %mul3A_433 : i32 to index
        %swap3A_544 = arith.constant 48 : index
        %swap3A_545 = tpu.vector_load %arg13[%swap3A_543, %swap3A_544] {strides = array<i32>} : memref<128x128xf32, #tpu.memory_space<vmem>>, vector<16xf32>,
        tpu.vector_store %arg13[%swap3A_543, %swap3A_544], %add3A_542 {strides = array<i32>} : memref<128x128xf32, #tpu.memory_space<vmem>>, vector<16xf32>,
        %add3A_546 = arith.addf %get3A_458, %gather3A_518 : vector<16xf32>
        %sub3A_547 = arith.subf %scan3A_428, %get3A_458 : vector<16xf32>
        %mul3A_548 = arith.mulf %gather3A_517, %sub3A_547 : vector<16xf32>
        %add3A_549 = arith.addf %add3A_546, %mul3A_548 : vector<16xf32>
        %swap3A_550 = arith.index_cast %mul3A_433 : i32 to index
        %swap3A_551 = arith.constant 64 : index
        %swap3A_552 = tpu.vector_load %arg13[%swap3A_550, %swap3A_551] {strides = array<i32>} : memref<128x128xf32, #tpu.memory_space<vmem>>, vector<16xf32>,
        tpu.vector_store %arg13[%swap3A_550, %swap3A_551], %add3A_549 {strides = array<i32>} : memref<128x128xf32, #tpu.memory_space<vmem>>, vector<16xf32>,
        %add3A_553 = arith.addf %get3A_463, %gather3A_518 : vector<16xf32>
        %sub3A_554 = arith.subf %scan3A_429, %get3A_463 : vector<16xf32>
        %mul3A_555 = arith.mulf %gather3A_517, %sub3A_554 : vector<16xf32>
        %add3A_556 = arith.addf %add3A_553, %mul3A_555 : vector<16xf32>
        %swap3A_557 = arith.index_cast %mul3A_433 : i32 to index
        %swap3A_558 = arith.constant 80 : index
        %swap3A_559 = tpu.vector_load %arg13[%swap3A_557, %swap3A_558] {strides = array<i32>} : memref<128x128xf32, #tpu.memory_space<vmem>>, vector<16xf32>,
        tpu.vector_store %arg13[%swap3A_557, %swap3A_558], %add3A_556 {strides = array<i32>} : memref<128x128xf32, #tpu.memory_space<vmem>>, vector<16xf32>,
        %add3A_560 = arith.addf %get3A_468, %gather3A_518 : vector<16xf32>
        %sub3A_561 = arith.subf %scan3A_430, %get3A_468 : vector<16xf32>
        %mul3A_562 = arith.mulf %gather3A_517, %sub3A_561 : vector<16xf32>
        %add3A_563 = arith.addf %add3A_560, %mul3A_562 : vector<16xf32>
        %swap3A_564 = arith.index_cast %mul3A_433 : i32 to index
        %swap3A_565 = arith.constant 96 : index
        %swap3A_566 = tpu.vector_load %arg13[%swap3A_564, %swap3A_565] {strides = array<i32>} : memref<128x128xf32, #tpu.memory_space<vmem>>, vector<16xf32>,
        tpu.vector_store %arg13[%swap3A_564, %swap3A_565], %add3A_563 {strides = array<i32>} : memref<128x128xf32, #tpu.memory_space<vmem>>, vector<16xf32>,
        %add3A_567 = arith.addf %get3A_473, %gather3A_518 : vector<16xf32>
        %sub3A_568 = arith.subf %scan3A_431, %get3A_473 : vector<16xf32>
        %mul3A_569 = arith.mulf %gather3A_517, %sub3A_568 : vector<16xf32>
        %add3A_570 = arith.addf %add3A_567, %mul3A_569 : vector<16xf32>
        %swap3A_571 = arith.index_cast %mul3A_433 : i32 to index
        %swap3A_572 = arith.constant 112 : index
        %swap3A_573 = tpu.vector_load %arg13[%swap3A_571, %swap3A_572] {strides = array<i32>} : memref<128x128xf32, #tpu.memory_space<vmem>>, vector<16xf32>,
        tpu.vector_store %arg13[%swap3A_571, %swap3A_572], %add3A_570 {strides = array<i32>} : memref<128x128xf32, #tpu.memory_space<vmem>>, vector<16xf32>,
        %broadcast_in_dim3A_574 = vector.broadcast %add3A_515 : i32 to vector<16xi32>
        %gather3A_575 = tpu.vector_load_idx %arg15[%broadcast_in_dim3A_574] : memref<128xf32, #tpu.memory_space<vmem>>[vector<16xi32>], vector<16xf32>,
        %gather3A_576 = tpu.vector_load_idx %arg16[%broadcast_in_dim3A_574] : memref<128xf32, #tpu.memory_space<vmem>>[vector<16xi32>], vector<16xf32>,
        %add3A_577 = arith.addf %get3A_478, %gather3A_576 : vector<16xf32>
        %sub3A_578 = arith.subf %get3A_438, %get3A_478 : vector<16xf32>
        %mul3A_579 = arith.mulf %gather3A_575, %sub3A_578 : vector<16xf32>
        %add3A_580 = arith.addf %add3A_577, %mul3A_579 : vector<16xf32>
        %swap3A_581 = arith.index_cast %add3A_515 : i32 to index
        %swap3A_582 = arith.constant 0 : index
        %swap3A_583 = tpu.vector_load %arg13[%swap3A_581, %swap3A_582] {strides = array<i32>} : memref<128x128xf32, #tpu.memory_space<vmem>>, vector<16xf32>,
        tpu.vector_store %arg13[%swap3A_581, %swap3A_582], %add3A_580 {strides = array<i32>} : memref<128x128xf32, #tpu.memory_space<vmem>>, vector<16xf32>,
        %add3A_584 = arith.addf %get3A_483, %gather3A_576 : vector<16xf32>
        %sub3A_585 = arith.subf %get3A_443, %get3A_483 : vector<16xf32>
        %mul3A_586 = arith.mulf %gather3A_575, %sub3A_585 : vector<16xf32>
        %add3A_587 = arith.addf %add3A_584, %mul3A_586 : vector<16xf32>
        %swap3A_588 = arith.index_cast %add3A_515 : i32 to index
        %swap3A_589 = arith.constant 16 : index
        %swap3A_590 = tpu.vector_load %arg13[%swap3A_588, %swap3A_589] {strides = array<i32>} : memref<128x128xf32, #tpu.memory_space<vmem>>, vector<16xf32>,
        tpu.vector_store %arg13[%swap3A_588, %swap3A_589], %add3A_587 {strides = array<i32>} : memref<128x128xf32, #tpu.memory_space<vmem>>, vector<16xf32>,
        %add3A_591 = arith.addf %get3A_488, %gather3A_576 : vector<16xf32>
        %sub3A_592 = arith.subf %get3A_448, %get3A_488 : vector<16xf32>
        %mul3A_593 = arith.mulf %gather3A_575, %sub3A_592 : vector<16xf32>
        %add3A_594 = arith.addf %add3A_591, %mul3A_593 : vector<16xf32>
        %swap3A_595 = arith.index_cast %add3A_515 : i32 to index
        %swap3A_596 = arith.constant 32 : index
        %swap3A_597 = tpu.vector_load %arg13[%swap3A_595, %swap3A_596] {strides = array<i32>} : memref<128x128xf32, #tpu.memory_space<vmem>>, vector<16xf32>,
        tpu.vector_store %arg13[%swap3A_595, %swap3A_596], %add3A_594 {strides = array<i32>} : memref<128x128xf32, #tpu.memory_space<vmem>>, vector<16xf32>,
        %add3A_598 = arith.addf %get3A_493, %gather3A_576 : vector<16xf32>
        %sub3A_599 = arith.subf %get3A_453, %get3A_493 : vector<16xf32>
        %mul3A_600 = arith.mulf %gather3A_575, %sub3A_599 : vector<16xf32>
        %add3A_601 = arith.addf %add3A_598, %mul3A_600 : vector<16xf32>
        %swap3A_602 = arith.index_cast %add3A_515 : i32 to index
        %swap3A_603 = arith.constant 48 : index
        %swap3A_604 = tpu.vector_load %arg13[%swap3A_602, %swap3A_603] {strides = array<i32>} : memref<128x128xf32, #tpu.memory_space<vmem>>, vector<16xf32>,
        tpu.vector_store %arg13[%swap3A_602, %swap3A_603], %add3A_601 {strides = array<i32>} : memref<128x128xf32, #tpu.memory_space<vmem>>, vector<16xf32>,
        %add3A_605 = arith.addf %get3A_498, %gather3A_576 : vector<16xf32>
        %sub3A_606 = arith.subf %get3A_458, %get3A_498 : vector<16xf32>
        %mul3A_607 = arith.mulf %gather3A_575, %sub3A_606 : vector<16xf32>
        %add3A_608 = arith.addf %add3A_605, %mul3A_607 : vector<16xf32>
        %swap3A_609 = arith.index_cast %add3A_515 : i32 to index
        %swap3A_610 = arith.constant 64 : index
        %swap3A_611 = tpu.vector_load %arg13[%swap3A_609, %swap3A_610] {strides = array<i32>} : memref<128x128xf32, #tpu.memory_space<vmem>>, vector<16xf32>,
        tpu.vector_store %arg13[%swap3A_609, %swap3A_610], %add3A_608 {strides = array<i32>} : memref<128x128xf32, #tpu.memory_space<vmem>>, vector<16xf32>,
        %add3A_612 = arith.addf %get3A_503, %gather3A_576 : vector<16xf32>
        %sub3A_613 = arith.subf %get3A_463, %get3A_503 : vector<16xf32>
        %mul3A_614 = arith.mulf %gather3A_575, %sub3A_613 : vector<16xf32>
        %add3A_615 = arith.addf %add3A_612, %mul3A_614 : vector<16xf32>
        %swap3A_616 = arith.index_cast %add3A_515 : i32 to index
        %swap3A_617 = arith.constant 80 : index
        %swap3A_618 = tpu.vector_load %arg13[%swap3A_616, %swap3A_617] {strides = array<i32>} : memref<128x128xf32, #tpu.memory_space<vmem>>, vector<16xf32>,
        tpu.vector_store %arg13[%swap3A_616, %swap3A_617], %add3A_615 {strides = array<i32>} : memref<128x128xf32, #tpu.memory_space<vmem>>, vector<16xf32>,
        %add3A_619 = arith.addf %get3A_508, %gather3A_576 : vector<16xf32>
        %sub3A_620 = arith.subf %get3A_468, %get3A_508 : vector<16xf32>
        %mul3A_621 = arith.mulf %gather3A_575, %sub3A_620 : vector<16xf32>
        %add3A_622 = arith.addf %add3A_619, %mul3A_621 : vector<16xf32>
        %swap3A_623 = arith.index_cast %add3A_515 : i32 to index
        %swap3A_624 = arith.constant 96 : index
        %swap3A_625 = tpu.vector_load %arg13[%swap3A_623, %swap3A_624] {strides = array<i32>} : memref<128x128xf32, #tpu.memory_space<vmem>>, vector<16xf32>,
        tpu.vector_store %arg13[%swap3A_623, %swap3A_624], %add3A_622 {strides = array<i32>} : memref<128x128xf32, #tpu.memory_space<vmem>>, vector<16xf32>,
        %add3A_626 = arith.addf %get3A_513, %gather3A_576 : vector<16xf32>
        %sub3A_627 = arith.subf %get3A_473, %get3A_513 : vector<16xf32>
        %mul3A_628 = arith.mulf %gather3A_575, %sub3A_627 : vector<16xf32>
        %add3A_629 = arith.addf %add3A_626, %mul3A_628 : vector<16xf32>
        %swap3A_630 = arith.index_cast %add3A_515 : i32 to index
        %swap3A_631 = arith.constant 112 : index
        %swap3A_632 = tpu.vector_load %arg13[%swap3A_630, %swap3A_631] {strides = array<i32>} : memref<128x128xf32, #tpu.memory_space<vmem>>, vector<16xf32>,
        tpu.vector_store %arg13[%swap3A_630, %swap3A_631], %add3A_629 {strides = array<i32>} : memref<128x128xf32, #tpu.memory_space<vmem>>, vector<16xf32>,
        scf.yield %get3A_478, %get3A_483, %get3A_488, %get3A_493, %get3A_498, %get3A_503, %get3A_508, %get3A_513 : vector<16xf32>, vector<16xf32>, vector<16xf32>, vector<16xf32>, vector<16xf32>, vector<16xf32>, vector<16xf32>, vector<16xf32>
      }
      %scan3A_395 = arith.constant 32 : i32
      %mul3A_396 = arith.constant 128 : i32
      %mul3A_397 = arith.muli %add3A_291, %mul3A_396 : i32
      %add3A_398 = arith.addi %mul3A_34, %mul3A_397 : i32
      %add3A_399 = arith.constant 0 : i32
      %add3A_400 = arith.addi %add3A_398, %add3A_399 : i32
      %mul3A_401 = arith.constant 128 : i32
      %mul3A_402 = arith.muli %add3A_291, %mul3A_401 : i32
      %add3A_403 = arith.addi %mul3A_34, %mul3A_402 : i32
      %add3A_404 = arith.constant 64 : i32
      %add3A_405 = arith.addi %add3A_403, %add3A_404 : i32
      %dma_start3A_406 = arith.constant 64 : i32
      %dma_start3A_407 = arith.constant 0 : i32
      %dma_start3A_408 = tpu.memref_slice %arg13[%dma_start3A_406, %dma_start3A_407] : memref<128x128xf32, #tpu.memory_space<vmem>> -> memref<64x128xf32, #tpu.memory_space<vmem>>
      %dma_start3A_409 = arith.constant 0 : i32
      %dma_start3A_410 = tpu.memref_slice %arg6[%add3A_405, %dma_start3A_409] : memref<65536x128xf32, #tpu.memory_space<hbm>> -> memref<64x128xf32, #tpu.memory_space<hbm>>
      %dma_start3A_411 = arith.constant 0 : i32
      %dma_start3A_412 = tpu.memref_slice %arg6[%add3A_405, %dma_start3A_411] : memref<65536x128xf32, #tpu.memory_space<hbm>> -> memref<64x128xf32, #tpu.memory_space<hbm>>
      %dma_start3A_413 = arith.constant 64 : i32
      %dma_start3A_414 = arith.constant 0 : i32
      %dma_start3A_415 = tpu.memref_slice %arg13[%dma_start3A_413, %dma_start3A_414] : memref<128x128xf32, #tpu.memory_space<vmem>> -> memref<64x128xf32, #tpu.memory_space<vmem>>
      tpu.enqueue_dma source(%dma_start3A_415 : memref<64x128xf32, #tpu.memory_space<vmem>>) target(%dma_start3A_412 : memref<64x128xf32, #tpu.memory_space<hbm>>) target_semaphore(%arg20 : memref<!tpu.dma_semaphore, #tpu.memory_space<semaphore_mem>>)
      %add3A_416 = arith.constant 2 : i32
      %add3A_417 = arith.addi %add3A_291, %add3A_416 : i32
      %lt3A_418 = arith.constant 16 : i32
      %lt3A_419 = arith.cmpi slt, %add3A_417, %lt3A_418 : i32
      %convert_element_type3A_420 = arith.extui %lt3A_419 : i1 to i32
      %cond3A_421 = arith.constant 0 : i32
      %cond3A_422 = arith.cmpi ne, %convert_element_type3A_420, %cond3A_421 : i32
      scf.if %cond3A_422 {
        %add3A_423 = arith.constant 2 : i32
        %add3A_424 = arith.addi %add3A_291, %add3A_423 : i32
        %mul3A_425 = arith.constant 128 : i32
        %mul3A_426 = arith.muli %add3A_424, %mul3A_425 : i32
        %mul3A_427 = arith.constant 128 : i32
        %mul3A_428 = arith.muli %add3A_424, %mul3A_427 : i32
        %add3A_429 = arith.constant 128 : i32
        %add3A_430 = arith.addi %mul3A_428, %add3A_429 : i32
        %dma_start3A_431 = arith.constant 0 : i32
        %dma_start3A_432 = arith.constant 0 : i32
        %dma_start3A_433 = tpu.memref_slice %arg11[%dma_start3A_431, %dma_start3A_432] : memref<136x128xf32, #tpu.memory_space<vmem>> -> memref<128x128xf32, #tpu.memory_space<vmem>>
        %dma_start3A_434 = tpu.memref_slice %arg9[%mul3A_426] : memref<2056xi32, #tpu.memory_space<vmem>> -> memref<128xi32, #tpu.memory_space<vmem>>
        %dma_start3A_435 = arith.constant 0 : i32
        %dma_start3A_436 = arith.constant 0 : i32
        %dma_start3A_437 = tpu.memref_slice %arg2[%dma_start3A_435, %dma_start3A_436] : memref<100000x128xf32, #tpu.memory_space<hbm>> -> memref<100000x128xf32, #tpu.memory_space<hbm>>
        tpu.enqueue_indirect_dma source(%dma_start3A_437 : memref<100000x128xf32, #tpu.memory_space<hbm>>) target(%dma_start3A_433 : memref<128x128xf32, #tpu.memory_space<vmem>>) offsets(%dma_start3A_434 : memref<128xi32, #tpu.memory_space<vmem>>) semaphore(%arg18 : memref<!tpu.dma_semaphore, #tpu.memory_space<semaphore_mem>>)
        %dma_start3A_438 = arith.constant 128 : i32
        %dma_start3A_439 = arith.constant 0 : i32
        %dma_start3A_440 = tpu.memref_slice %arg11[%dma_start3A_438, %dma_start3A_439] : memref<136x128xf32, #tpu.memory_space<vmem>> -> memref<8x128xf32, #tpu.memory_space<vmem>>
        %dma_start3A_441 = tpu.memref_slice %arg9[%add3A_430] : memref<2056xi32, #tpu.memory_space<vmem>> -> memref<8xi32, #tpu.memory_space<vmem>>
        %dma_start3A_442 = arith.constant 0 : i32
        %dma_start3A_443 = arith.constant 0 : i32
        %dma_start3A_444 = tpu.memref_slice %arg2[%dma_start3A_442, %dma_start3A_443] : memref<100000x128xf32, #tpu.memory_space<hbm>> -> memref<100000x128xf32, #tpu.memory_space<hbm>>
        tpu.enqueue_indirect_dma source(%dma_start3A_444 : memref<100000x128xf32, #tpu.memory_space<hbm>>) target(%dma_start3A_440 : memref<8x128xf32, #tpu.memory_space<vmem>>) offsets(%dma_start3A_441 : memref<8xi32, #tpu.memory_space<vmem>>) semaphore(%arg18 : memref<!tpu.dma_semaphore, #tpu.memory_space<semaphore_mem>>)
      } else {
      }
    }
    %scan3A_99 = arith.constant 8 : i32
    %add3A_100 = arith.constant 1792 : i32
    %add3A_101 = arith.addi %mul3A_34, %add3A_100 : i32
    %add3A_102 = arith.constant 0 : i32
    %add3A_103 = arith.addi %add3A_101, %add3A_102 : i32
    %add3A_104 = arith.constant 1792 : i32
    %add3A_105 = arith.addi %mul3A_34, %add3A_104 : i32
    %add3A_106 = arith.constant 64 : i32
    %add3A_107 = arith.addi %add3A_105, %add3A_106 : i32
    %dma_wait3A = arith.constant 0 : i32
    %dma_wait3A_108 = arith.constant 0 : i32
    %dma_wait3A_109 = tpu.memref_slice %arg12[%dma_wait3A, %dma_wait3A_108] : memref<128x128xf32, #tpu.memory_space<vmem>> -> memref<64x128xf32, #tpu.memory_space<vmem>>
    %dma_wait3A_110 = arith.constant 0 : i32
    %dma_wait3A_111 = tpu.memref_slice %arg6[%add3A_103, %dma_wait3A_110] : memref<65536x128xf32, #tpu.memory_space<hbm>> -> memref<64x128xf32, #tpu.memory_space<hbm>>
    %dma_wait3A_112 = arith.constant 0 : i32
    %dma_wait3A_113 = tpu.memref_slice %arg6[%add3A_103, %dma_wait3A_112] : memref<65536x128xf32, #tpu.memory_space<hbm>> -> memref<64x128xf32, #tpu.memory_space<hbm>>
    %dma_wait3A_114 = arith.constant 0 : i32
    %dma_wait3A_115 = arith.constant 0 : i32
    %dma_wait3A_116 = tpu.memref_slice %arg12[%dma_wait3A_114, %dma_wait3A_115] : memref<128x128xf32, #tpu.memory_space<vmem>> -> memref<64x128xf32, #tpu.memory_space<vmem>>
    tpu.wait_dma2 semaphore(%arg19 : memref<!tpu.dma_semaphore, #tpu.memory_space<semaphore_mem>>) src(%dma_wait3A_116 : memref<64x128xf32, #tpu.memory_space<vmem>>) dst(%dma_wait3A_113 : memref<64x128xf32, #tpu.memory_space<hbm>>)
    %dma_wait3A_117 = arith.constant 64 : i32
    %dma_wait3A_118 = arith.constant 0 : i32
    %dma_wait3A_119 = tpu.memref_slice %arg12[%dma_wait3A_117, %dma_wait3A_118] : memref<128x128xf32, #tpu.memory_space<vmem>> -> memref<64x128xf32, #tpu.memory_space<vmem>>
    %dma_wait3A_120 = arith.constant 0 : i32
    %dma_wait3A_121 = tpu.memref_slice %arg6[%add3A_107, %dma_wait3A_120] : memref<65536x128xf32, #tpu.memory_space<hbm>> -> memref<64x128xf32, #tpu.memory_space<hbm>>
    %dma_wait3A_122 = arith.constant 0 : i32
    %dma_wait3A_123 = tpu.memref_slice %arg6[%add3A_107, %dma_wait3A_122] : memref<65536x128xf32, #tpu.memory_space<hbm>> -> memref<64x128xf32, #tpu.memory_space<hbm>>
    %dma_wait3A_124 = arith.constant 64 : i32
    %dma_wait3A_125 = arith.constant 0 : i32
    %dma_wait3A_126 = tpu.memref_slice %arg12[%dma_wait3A_124, %dma_wait3A_125] : memref<128x128xf32, #tpu.memory_space<vmem>> -> memref<64x128xf32, #tpu.memory_space<vmem>>
    tpu.wait_dma2 semaphore(%arg19 : memref<!tpu.dma_semaphore, #tpu.memory_space<semaphore_mem>>) src(%dma_wait3A_126 : memref<64x128xf32, #tpu.memory_space<vmem>>) dst(%dma_wait3A_123 : memref<64x128xf32, #tpu.memory_space<hbm>>)
    %add3A_127 = arith.constant 1920 : i32
    %add3A_128 = arith.addi %mul3A_34, %add3A_127 : i32
    %add3A_129 = arith.constant 0 : i32
    %add3A_130 = arith.addi %add3A_128, %add3A_129 : i32
    %add3A_131 = arith.constant 1920 : i32
    %add3A_132 = arith.addi %mul3A_34, %add3A_131 : i32
    %add3A_133 = arith.constant 64 : i32
    %add3A_134 = arith.addi %add3A_132, %add3A_133 : i32
    %dma_wait3A_135 = arith.constant 0 : i32
    %dma_wait3A_136 = arith.constant 0 : i32
    %dma_wait3A_137 = tpu.memref_slice %arg13[%dma_wait3A_135, %dma_wait3A_136] : memref<128x128xf32, #tpu.memory_space<vmem>> -> memref<64x128xf32, #tpu.memory_space<vmem>>
    %dma_wait3A_138 = arith.constant 0 : i32
    %dma_wait3A_139 = tpu.memref_slice %arg6[%add3A_130, %dma_wait3A_138] : memref<65536x128xf32, #tpu.memory_space<hbm>> -> memref<64x128xf32, #tpu.memory_space<hbm>>
    %dma_wait3A_140 = arith.constant 0 : i32
    %dma_wait3A_141 = tpu.memref_slice %arg6[%add3A_130, %dma_wait3A_140] : memref<65536x128xf32, #tpu.memory_space<hbm>> -> memref<64x128xf32, #tpu.memory_space<hbm>>
    %dma_wait3A_142 = arith.constant 0 : i32
    %dma_wait3A_143 = arith.constant 0 : i32
    %dma_wait3A_144 = tpu.memref_slice %arg13[%dma_wait3A_142, %dma_wait3A_143] : memref<128x128xf32, #tpu.memory_space<vmem>> -> memref<64x128xf32, #tpu.memory_space<vmem>>
    tpu.wait_dma2 semaphore(%arg20 : memref<!tpu.dma_semaphore, #tpu.memory_space<semaphore_mem>>) src(%dma_wait3A_144 : memref<64x128xf32, #tpu.memory_space<vmem>>) dst(%dma_wait3A_141 : memref<64x128xf32, #tpu.memory_space<hbm>>)
    %dma_wait3A_145 = arith.constant 64 : i32
    %dma_wait3A_146 = arith.constant 0 : i32
    %dma_wait3A_147 = tpu.memref_slice %arg13[%dma_wait3A_145, %dma_wait3A_146] : memref<128x128xf32, #tpu.memory_space<vmem>> -> memref<64x128xf32, #tpu.memory_space<vmem>>
    %dma_wait3A_148 = arith.constant 0 : i32
    %dma_wait3A_149 = tpu.memref_slice %arg6[%add3A_134, %dma_wait3A_148] : memref<65536x128xf32, #tpu.memory_space<hbm>> -> memref<64x128xf32, #tpu.memory_space<hbm>>
    %dma_wait3A_150 = arith.constant 0 : i32
    %dma_wait3A_151 = tpu.memref_slice %arg6[%add3A_134, %dma_wait3A_150] : memref<65536x128xf32, #tpu.memory_space<hbm>> -> memref<64x128xf32, #tpu.memory_space<hbm>>
    %dma_wait3A_152 = arith.constant 64 : i32
    %dma_wait3A_153 = arith.constant 0 : i32
    %dma_wait3A_154 = tpu.memref_slice %arg13[%dma_wait3A_152, %dma_wait3A_153] : memref<128x128xf32, #tpu.memory_space<vmem>> -> memref<64x128xf32, #tpu.memory_space<vmem>>
    tpu.wait_dma2 semaphore(%arg20 : memref<!tpu.dma_semaphore, #tpu.memory_space<semaphore_mem>>) src(%dma_wait3A_154 : memref<64x128xf32, #tpu.memory_space<vmem>>) dst(%dma_wait3A_151 : memref<64x128xf32, #tpu.memory_space<hbm>>)
    return
  }
}

</mosaic_0001>

<sc_bundles>
// kernel: kernel.3.cloned.1.call-start
scs
__scs_entry_jumppad:
0x0: {  	(pc) =	sbr.rel $0x88, $3  }
0x1: {  	(tag) =	ssettag $0x0;
	lr =	simm.s32 $0x1  }
0x2: {  	[smem:$0x3F9D] =	sst lr;
	_ =	strace $0xD0000000  }
0x3: {  	_ = 	snop  }
0x4: {  	_ = 	snop  }
0x5: {  	_ = 	snop  }
0x6: {  	_ = 	snop  }
0x7: {  	_ = 	snop  }
__scs_overlays_trampoline_lowered:
0x8: {  	[smem:$0x3FAC] =	sst s0  }
0x9: {  	[smem:$0x3FAD] =	sst s1  }
0xa: {  	[smem:$0x3FAE] =	sst s2  }
0xb: {  	[smem:$0x3FAF] =	sst s3  }
0xc: {  	[smem:$0x3FB0] =	sst s4  }
0xd: {  	[smem:$0x3FB1] =	sst s5  }
0xe: {  	[smem:$0x3FB2] =	sst s6  }
0xf: {  	[smem:$0x3FB3] =	sst s7  }
0x10: {  	[smem:$0x3FB4] =	sst s8  }
0x11: {  	[smem:$0x3FB5] =	sst s9;
	s0 =	simm.s32 @!p0 $0x0  }
0x12: {  	s1 =	sld [smem:$0x3F9B];
	s0 =	simm.s32 @p0 $0x1  }
0x13: {  	[smem:$0x3FB6] =	sst s0;
	s0 =	simm.s32 @!p1 $0x0  }
0x14: {  	s2 =	sld [smem:$0x3F9A];
	s0 =	simm.s32 @p1 $0x1  }
0x15: {  	[smem:$0x3FB7] =	sst s0;
	s0 =	simm.s32 @!p2 $0x0  }
0x16: {  	s3 =	sld [smem:$0x3FDB];
	s0 =	simm.s32 @p2 $0x1  }
0x17: {  	s4 =	simm.s32 $0x1BF5;
	[smem:$0x3FB9] =	sst s0  }
0x18: {  	s0 =	sld [smem:$0x3F9C];
	_ =	swait.ge [sflag:s4], $0x0  }
0x19: {  	s7 =	sld [smem:$0x3F9D]  }
0x1a: {  	s8 =	sadd.s32 $0xFFFFE003, lr  }
0x1b: {  	s9 =	sadd.s32 $0xFFFFFEF7, lr;
	s5 =	simm.s32 $0xFFFFFFFF;
	p2 =	slt.u32 s8, $0xFFFFF086  }
0x1c: {  	p1 =	slt.u32 s9, $0xF7A;
	s5 =	simm.s32 @!p2 $0x0  }
0x1d: {  	s5 =	simm.s32 @p1 $0x1;
	p0 =	seq.s32 s7, s2  }
0x1e: {  	s7 =	smul.u32 @!p0 $0xF7A, s2;
	p2 =	seq.s32 @!p0 s5, $0x0  }
0x1f: {  	s9 =	smul.u32 $0xF7A, s1;
	s8 =	simm.s32 @!p0 $0x1BF5;
	p2 =	por !p2, p0  }
0x20: {  	[sflag:s8] =	ssyncset.s32 @!p0 $0xFFFFF086;
	s6 =	sadd.s32 @!p0 s3, s7;
	s7 =	simm.s32 @!p0 $0x108  }
0x21: {  	s3 =	sadd.s32 s3, s9;
	s6 =	sadd.s32 @!p0 $0x88, s6;
	s7 =	simm.s32 @p2 $0x1082  }
0x22: {  	[simem:s7], [sflag:s8] =	dma.local @!p0 [hbm:s6], $0xF7A  }
0x23: {  	s9 =	sor.u32 $0xD0000000, s2;
	s6 =	simm.s32 $0x108;
	_ =	swait.ge @!p0 [sflag:s8], $0x0  }
0x24: {  	s3 =	sadd.s32 $0x88, s3;
	s6 =	simm.s32 @!p1 $0x1082;
	[sflag:s4] =	ssyncset.s32 $0xFFFFF086  }
0x25: {  	[simem:s6], [sflag:s4] =	dma.local [hbm:s3], $0xF7A  }
0x26: {  	[smem:$0x3F9D] =	sst s1;
	(tag) =	ssettag s2;
	_ =	strace s9  }
0x27: {  	s1 =	sld [smem:$0x3FAD]  }
0x28: {  	s2 =	sld [smem:$0x3FAE]  }
0x29: {  	s4 =	sld [smem:$0x3FB0]  }
0x2a: {  	p0 =	seq.s32 s5, $0x0;
	s5 =	sld [smem:$0x3FB1]  }
0x2b: {  	s6 =	sld [smem:$0x3FB2]  }
0x2c: {  	s7 =	sld [smem:$0x3FB3]  }
0x2d: {  	s3 =	simm.s32 $0x108;
	s8 =	sld [smem:$0x3FB4]  }
0x2e: {  	s3 =	simm.s32 @!p0 $0x1082;
	s9 =	sld [smem:$0x3FB5]  }
0x2f: {  	lr =	sadd.s32 s0, s3;
	s0 =	sld [smem:$0x3FAC]  }
0x30: {  	s3 =	sld [smem:$0x3FAF]  }
0x31: {  	[smem:$0x3FB8] =	sst s10  }
0x32: {  	s10 =	sld [smem:$0x3FB6];
	_ =	sdelay $0x3  }
0x33: {  	p0 =	seq.s32 s10, $0x1;
	s10 =	sld [smem:$0x3FB8];
	_ =	sdelay $0x3  }
0x34: {  	[smem:$0x3FB8] =	sst s10  }
0x35: {  	s10 =	sld [smem:$0x3FB7];
	_ =	sdelay $0x3  }
0x36: {  	p1 =	seq.s32 s10, $0x1;
	s10 =	sld [smem:$0x3FB8];
	_ =	sdelay $0x3  }
0x37: {  	[smem:$0x3FB8] =	sst s10  }
0x38: {  	s10 =	sld [smem:$0x3FB9]  }
0x39: {  	_ = 	snop;
	(pc) =	sbr.ind lr, $3  }
0x3a: {  	_ = 	snop  }
0x3b: {  	_ = 	snop  }
0x3c: {  	p2 =	seq.s32 s10, $0x1;
	s10 =	sld [smem:$0x3FB8]  }
0x3d: {  	_ =	shalt  }
0x3e: {  	_ =	shalt  }
0x3f: {  	_ =	shalt  }
0x40: {  	_ =	shalt  }
0x41: {  	_ =	shalt  }
0x42: {  	_ =	shalt  }
0x43: {  	_ =	shalt  }
0x44: {  	_ =	shalt  }
0x45: {  	_ =	shalt  }
0x46: {  	_ =	shalt  }
0x47: {  	_ =	shalt  }
0x48: {  	_ =	shalt  }
0x49: {  	_ =	shalt  }
0x4a: {  	_ =	shalt  }
0x4b: {  	_ =	shalt  }
0x4c: {  	_ =	shalt  }
0x4d: {  	_ =	shalt  }
0x4e: {  	_ =	shalt  }
0x4f: {  	_ =	shalt  }
0x50: {  	_ =	shalt  }
0x51: {  	_ =	shalt  }
0x52: {  	_ =	shalt  }
0x53: {  	_ =	shalt  }
0x54: {  	_ =	shalt  }
0x55: {  	_ =	shalt  }
0x56: {  	_ =	shalt  }
0x57: {  	_ =	shalt  }
0x58: {  	_ =	shalt  }
0x59: {  	_ =	shalt  }
0x5a: {  	_ =	shalt  }
0x5b: {  	_ =	shalt  }
0x5c: {  	_ =	shalt  }
0x5d: {  	_ =	shalt  }
0x5e: {  	_ =	shalt  }
0x5f: {  	_ =	shalt  }
0x60: {  	_ =	shalt  }
0x61: {  	_ =	shalt  }
0x62: {  	_ =	shalt  }
0x63: {  	_ =	shalt  }
0x64: {  	_ =	shalt  }
0x65: {  	_ =	shalt  }
0x66: {  	_ =	shalt  }
0x67: {  	_ =	shalt  }
0x68: {  	_ =	shalt  }
0x69: {  	_ =	shalt  }
0x6a: {  	_ =	shalt  }
0x6b: {  	_ =	shalt  }
0x6c: {  	_ =	shalt  }
0x6d: {  	_ =	shalt  }
0x6e: {  	_ =	shalt  }
0x6f: {  	_ =	shalt  }
0x70: {  	_ =	shalt  }
0x71: {  	_ =	shalt  }
0x72: {  	_ =	shalt  }
0x73: {  	_ =	shalt  }
0x74: {  	_ =	shalt  }
0x75: {  	_ =	shalt  }
0x76: {  	_ =	shalt  }
0x77: {  	_ =	shalt  }
0x78: {  	_ =	shalt  }
0x79: {  	_ =	shalt  }
0x7a: {  	_ =	shalt  }
0x7b: {  	_ =	shalt  }
0x7c: {  	_ =	shalt  }
0x7d: {  	_ =	shalt  }
0x7e: {  	_ =	shalt  }
0x7f: {  	_ =	shalt  }
0x80: {  	_ =	shalt  }
0x81: {  	_ =	shalt  }
0x82: {  	_ =	shalt  }
0x83: {  	_ =	shalt  }
0x84: {  	_ =	shalt  }
0x85: {  	_ =	shalt  }
0x86: {  	_ =	shalt  }
0x87: {  	_ =	shalt  }
.Lfunc_end0:
.L_simem_size_0:
called_computation_lowered:
.L_overlay_start_0:
0x88: {  	s2 =	sld [smem:$0x3FD9]  }
0x89: {  	s3 =	sld [smem:$0x3FFE];
	_ =	sdelay $0x1  }
0x8a: {  	s1 =	srdreg.scid  }
0x8b: {  	s0 =	sand.u32 $0x1, s1  }
0x8c: {  	s17 =	sshll.u32 s0, $0xA;
	s2 =	sadd.s32 s3, s2  }
0x8d: {  	s2 =	sadd.s32 s2, s17  }
0x8e: {  	[smem:$0x3FC4] =	sst s2  }
0x8f: {  	_ = 	snop  }
0x90: {  	s2 =	sld [smem:$0x3FC9]  }
0x91: {  	s18 =	sld [smem:$0x3FC8]  }
0x92: {  	s4 =	sld [smem:$0x3FD0];
	(tm) =	ssettm $0x1  }
0x93: {  	s5 =	sld [smem:$0x3FFB];
	_ =	sdelay $0x3  }
0x94: {  	_ =	strace s5  }
0x95: {  	s5 =	sld [smem:$0x3FFC];
	_ =	sdelay $0x3  }
0x96: {  	_ =	strace s5  }
0x97: {  	s5 =	sld [smem:$0x3FFD];
	_ =	sdelay $0x3  }
0x98: {  	_ =	strace s5  }
0x99: {  	_ =	strace $0x8FFFFFFF  }
0x9a: {  	s19 =	sld [smem:$0x3FDB];
	_ =	sdelay $0x1  }
0x9b: {  	s6 =	simm.s32 $_scs_section_size  }
0x9c: {  	s7 =	simm.s32 $_size__tile_overlayer_lowered;
	s8 =	simm.s32 $_tile_overlayer_lowered  }
0x9d: {  	s22 =	simm.s32 $0x1BFF;
	s21 =	sshll.u32 s8, $0x1;
	s5 =	sadd.s32 s6, s19  }
0x9e: {  	s9 =	simm.s32 $0x0;
	s20 =	sshll.u32 s7, $0x1;
	s7 =	sadd.s32 s21, s5  }
0x9f: {  	[timem:s9], [sflag:s22] =	dma.local [hbm:s7], s20  }
0xa0: {  	_ =	swait.ge [sflag:s22], s20  }
0xa1: {  	s6 =	ssub.s32 $0x0, s20;
	[sflag:s22] =	ssyncset.done $0x0  }
0xa2: {  	[sflag:s22] =	ssyncadd.s32 s6;
	_ =	sdelay $0x1  }
0xa3: {  	s23 =	simm.s32 $0x1B8B  }
0xa4: {  	_ =	swait.ge [sflag:s23], $0x1  }
0xa5: {  	[sflag:s23] =	ssyncset.done $0x0  }
0xa6: {  	s25 =	simm.s32 $0x1B8E;
	s24 =	sld [smem:$0x3FFE];
	[sflag:s23] =	ssyncadd.s32 $0xFFFFFFFF  }
0xa7: {  	s26 =	simm.s32 $execute0_lowered;
	[smem:$0x3FD2] =	sst s25  }
0xa8: {  	s7 =	sshll.u32 s26, $0x1;
	_ =	strace $0x80000046;
	[dreg:$0x1] =	wrdreg $0xFFFFFFFF  }
0xa9: {  	s28 =	simm.s32 $_size_execute0_lowered;
	s5 =	sadd.s32 s5, s7;
	[dreg:$0x0] =	wrdreg $0x0  }
0xaa: {  	s7 =	sshll.u32 s28, $0x1;
	[dreg:$0x2] =	wrdreg s5  }
0xab: {  	[dreg:$0x3] =	wrdreg s7  }
0xac: {  	[dreg:$0x4] =	wrdreg $0xC0  }
0xad: {  	_ =	task [dreg:s9], $0x5FFFF  }
0xae: {  	[dreg:$0x1] =	wrdreg $0xFFFFFFFF  }
0xaf: {  	[dreg:$0x0] =	wrdreg $0x60  }
0xb0: {  	[dreg:$0x2] =	wrdreg s2  }
0xb1: {  	[dreg:$0x3] =	wrdreg s18  }
0xb2: {  	[dreg:$0x4] =	wrdreg s24  }
0xb3: {  	[dreg:$0x5] =	wrdreg s4  }
0xb4: {  	[dreg:$0x6] =	wrdreg $0x9  }
0xb5: {  	_ =	task.clear_ibuf [dreg:s9], $0x7FFFF;
	_ =	strace $0x90000046  }
0xb6: {  	s29 =	simm.s32 $0x9;
	_ =	strace $0x80000048  }
0xb7: {  	_ =	swait.ge [sflag:s29], $0x1  }
0xb8: {  	[sflag:s29] =	ssyncadd.s32 $0xFFFFFFFF  }
0xb9: {  	_ =	strace $0x90000048  }
0xba: {  	_ =	sfence  }
0xbb: {  	s30 =	sld [smem:$0x0];
	_ =	sdelay $0x2  }
0xbc: {  	s31 =	sshll.u32 s1, $0xD;
	s1 =	sshrl.u32 s1, $0x2  }
0xbd: {  	s3 =	sand.u32 $0x4000, s31;
	s1 =	sadd.s32 s1, s30  }
0xbe: {  	s0 =	sor.u32 s3, s0;
	s1 =	sshll.u32 s1, $0x11  }
0xbf: {  	s0 =	sor.u32 s1, s0  }
0xc0: {  	s0 =	sadd.s32 $0x8F2B, s0  }
0xc1: {  	[sflag:s0] =	ssyncadd.remote.s32 $0x1  }
0xc2: {  	_ =	sfence.sel $0xFFFF  }
0xc3: {  	[dreg:$0x0] =	wrdreg $0xFFFFFFFF;
	(pc) =	sbr.abs _section_cstart, $3  }
0xc4: {  	[dreg:$0x1] =	wrdreg $0xFFFFFFFF  }
0xc5: {  	_ =	task.clear_ibuf [dreg:s9], $0x2FFFF;
	_ =	strace $0x9FFFFFFF  }
0xc6: {  	(tm) =	ssettm $0x7FFFFFFF  }
0xc7: {  	_ =	shalt  }
tec
execute0_lowered:
.L_overlay_start_1:
0x0: {  	(tag) =	ssettag $0x1  }
0x1: {  	s1 =	rddreg [dreg:$0x0]  }
0x2: {  	s0 =	rddreg [dreg:$0x2]  }
0x3: {  	s4 =	rddreg [dreg:$0x3];
	s5 =	simm.s32 $0x0  }
0x4: {  	s2 =	srdreg.scid;
	s11 =	stileid.u32;
	s9 =	simm.s32 $0x1  }
0x5: {  	s18 =	simm.s32 $0x80;
	s20 =	simm.s32 $0x8;
	s28 =	simm.s32 $0x15600  }
0x6: {  	s29 =	simm.s32 $0x15680;
	s30 =	simm.s32 $0x9200;
	s31 =	simm.s32 $0xB200  }
0x7: {  	[smem:$0x7FF] =	sst s5;
	s2 =	sand.u32 $0x1, s2;
	s3 =	sshll.u32 s11, $0x1  }
0x8: {  	s6 =	sadd.s32 $0x400, s0;
	s0 =	sadd.s32 $0x600, s0;
	s12 =	sadd.s32 $0x400, s4  }
0x9: {  	_ =	strace $0x80000047;
	[dreg:$0x5] =	wrdreg s6;
	s3 =	sor.u32 s2, s3  }
0xa: {  	s22 =	ssub.s32 $0x2, s2;
	p1 =	seq.s32 s2, $0x1;
	p0 =	seq.s32 s3, $0x0  }
0xb: {  	s8 =	sshrl.u32 s22, $0x1;
	s7 =	sshll.u32 s3, $0xB;
	s23 =	sshll.u32 s3, $0x8  }
0xc: {  	s3 =	simm.s32 $0xD200;
	p0 =	por !p0, !p1;
	s6 =	ssub.s32 s22, s8  }
0xd: {  	s10 =	smin.u32 s7, $0xF7F8;
	s8 =	simm.s32 $0x1;
	s22 =	simm.s32 $0x0  }
0xe: {  	p0 =	por !p0, !p0;
	s10 =	sshrl.u32 s10, $0x3;
	s26 =	smax.u32 s6, $0x1  }
.Ltmp0:
0xf: {  	s9 =	simm.s32 @!p0 $0x0;
	s24 =	sadd.s32 s0, s10;
	(pc) =	sbr.rel .LBB2_1-.Ltmp0, $4  }
0x10: {  	v0 =	vlaneseq.u32;
	s0 =	sadd.s32 s0, s23;
	[dreg:$0x8] =	wrdreg s26;
	s23 =	simm.s32 $0x4E00  }
0x11: {  	v1 =	vmul.u32 $0x80, v0;
	s26 =	simm.s32 $0x11200;
	s11 =	ssub.s32 s11, s9;
	s9 =	sshll.u32 s2, $0xB  }
0x12: {  	[dreg:$0x6] =	wrdreg s0;
	s25 =	sadd.s32 $0x100, s24;
	s0 =	simm.s32 $0x2  }
0x13: {  	v3 =	vadd.s32 $0x80, v1;
	s2 =	simm.s32 $0xF200;
	[dreg:$0x7] =	wrdreg s25;
	s25 =	simm.s32 $0x8E00;
	v2 =	vmov s11  }
.LBB2_20:
0x14: {  	s6 =	simm.s32 $0x3  }
0x15: {  	_ =	swait.ge [sflag:s6], $0x2000  }
0x16: {  	[sflag:s6] =	ssyncset.done $0x0  }
0x17: {  	[sflag:s6] =	ssyncadd.s32 $0xFFFFE000  }
0x18: {  	_ =	swait.ge [sflag:s6], $0x2000  }
0x19: {  	[sflag:s6] =	ssyncset.done $0x0  }
0x1a: {  	s10 =	simm.s32 $0x4;
	[sflag:s6] =	ssyncadd.s32 $0xFFFFE000  }
0x1b: {  	_ =	swait.ge [sflag:s10], $0x2000  }
0x1c: {  	[sflag:s10] =	ssyncset.done $0x0  }
0x1d: {  	[sflag:s10] =	ssyncadd.s32 $0xFFFFE000  }
0x1e: {  	_ =	swait.ge [sflag:s10], $0x2000  }
0x1f: {  	s22 =	sadd.s32 $0x1, s22;
	s24 =	rddreg [dreg:$0x8]  }
0x20: {  	p0 =	sne.s32 s22, s24  }
.Ltmp1:
0x21: {  	_ = 	snop;
	(pc) =	sbr.rel @!p0 .LBB2_21-.Ltmp1, $3  }
0x22: {  	_ =	sdelay $0x1  }
0x23: {  	[sflag:s10] =	ssyncset.done $0x0  }
0x24: {  	[sflag:s10] =	ssyncadd.s32 $0xFFFFE000  }
.LBB2_1:
0x25: {  	s6 =	rddreg [dreg:$0x1];
	s10 =	simm.s32 $0x5  }
0x26: {  	[tilespmem:s5], [sflag:$0x5] =	stream.linear.gather [hbm4b:s6+s5], $0x100, $0x38;
	[tilespmem:$0x15700] =	vst v63  }
0x27: {  	_ =	swait.ge [sflag:s10], $0x100  }
0x28: {  	[sflag:s10] =	ssyncset.done $0x0  }
0x29: {  	s11 =	simm.s32 $0x100;
	s14 =	rddreg [dreg:$0x5];
	[sflag:s10] =	ssyncadd.s32 $0xFFFFFF00  }
0x2a: {  	[tilespmem:s11], [sflag:$0x5] =	stream.linear.gather [hbm4b:s14+s5], $0x80, $0x38;
	[tilespmem:$0x15700] =	vst v63  }
0x2b: {  	_ =	swait.ge [sflag:s10], $0x80  }
0x2c: {  	[sflag:s10] =	ssyncset.done $0x0  }
0x2d: {  	s13 =	simm.s32 $0x180;
	s15 =	rddreg [dreg:$0x6];
	[sflag:s10] =	ssyncadd.s32 $0xFFFFFF80  }
0x2e: {  	[tilespmem:s13], [sflag:$0x5] =	stream.linear.gather [hbm4b:s15+s5], $0x800, $0x38;
	[tilespmem:$0x15700] =	vst v63  }
0x2f: {  	_ =	swait.ge [sflag:s10], $0x800  }
0x30: {  	[sflag:s10] =	ssyncset.done $0x0  }
0x31: {  	s14 =	simm.s32 $0x980;
	s16 =	rddreg [dreg:$0x7];
	[sflag:s10] =	ssyncadd.s32 $0xFFFFF800  }
0x32: {  	[tilespmem:s14], [sflag:$0x5] =	stream.linear.gather [hbm4b:s16+s5], $0x8, $0x38;
	[tilespmem:$0x15700] =	vst v63  }
0x33: {  	_ =	swait.ge [sflag:s10], $0x8  }
0x34: {  	[sflag:s10] =	ssyncset.done $0x0  }
0x35: {  	[sflag:s10] =	ssyncadd.s32 $0xFFFFFFF8  }
0x36: {  	v4 =	vld [tilespmem:$0x80]  }
0x37: {  	v5 =	vld [tilespmem:$0x90];
	_ =	sdelay $0x1  }
0x38: {  	v6 =	vld [tilespmem:$0xA0];
	_ =	sdelay $0x1  }
0x39: {  	v7 =	vld [tilespmem:$0xB0]  }
0x3a: {  	v9 =	vadd.f32 v5, v4  }
0x3b: {  	v8 =	vld [tilespmem:$0xC0]  }
0x3c: {  	v10 =	vadd.f32 v6, v9  }
0x3d: {  	v9 =	vld [tilespmem:$0xD0]  }
0x3e: {  	v11 =	vadd.f32 v7, v10  }
0x3f: {  	v10 =	vld [tilespmem:$0xE0]  }
0x40: {  	v12 =	vadd.f32 v8, v11  }
0x41: {  	v11 =	vld [tilespmem:$0xF0]  }
0x42: {  	v12 =	vadd.f32 v9, v12;
	_ =	sdelay $0x1  }
0x43: {  	v12 =	vadd.f32 v10, v12;
	_ =	sdelay $0x1  }
0x44: {  	v12 =	vadd.f32 v11, v12;
	_ =	sdelay $0x1  }
0x45: {  	(xrf2) =	vadd.scan.msk.f32 $0xffff, v12;
	_ =	sdelay $0x2  }
0x46: {  	s17 =	simm.s32 $0xA00  }
0x47: {  	v12 =	vld.idx.msk [tilespmem:v2+s11+$0x0], $0xffff;
	[tilespmem:s17], [sflag:$0x1] =	stream.indirect.gather [hbm4b:s1+s18], $0x80, s13, s18, $0xb8  }
0x48: {  	s19 =	simm.s32 $0x200;
	s21 =	simm.s32 $0x4A00  }
0x49: {  	[tilespmem:s21], [sflag:$0x1] =	stream.indirect.gather [hbm4b:s1+s20], $0x80, s19, s20, $0xb8;
	[tilespmem:$0x15700] =	vst v63  }
0x4a: {  	_ = 	snop  }
0x4b: {  	[tilespmem:s23], [sflag:$0x2] =	stream.indirect.gather [hbm4b:s1+s18], $0x80, s19, s18, $0xb8;
	[tilespmem:$0x15700] =	vst v63  }
0x4c: {  	s24 =	simm.s32 $0x280  }
0x4d: {  	[tilespmem:s25], [sflag:$0x2] =	stream.indirect.gather [hbm4b:s1+s20], $0x80, s24, s20, $0xb8;
	v13, _, _ =	vpop (xrf2);
	[tilespmem:$0x15700] =	vst v63  }
0x4e: {  	s24 =	simm.s32 $0x0;
	v13 =	vbroadcast v13, $0xF  }
.LBB2_2:
0x4f: {  	_ =	swait.ge [sflag:s8], $0x4000  }
0x50: {  	[sflag:s8] =	ssyncset.done $0x0  }
0x51: {  	[sflag:s8] =	ssyncadd.s32 $0xFFFFC000  }
0x52: {  	_ =	swait.ge [sflag:s8], $0x400  }
0x53: {  	p0 =	sne.s32 s24, $0x0;
	[sflag:s8] =	ssyncset.done $0x0  }
0x54: {  	s6 =	simm.s32 @p0 $0x3;
	[sflag:s8] =	ssyncadd.s32 $0xFFFFFC00  }
0x55: {  	_ =	swait.ge @p0 [sflag:s6], $0x2000  }
0x56: {  	[sflag:s6] =	ssyncset.done @p0 $0x0  }
0x57: {  	[sflag:s6] =	ssyncadd.s32 @p0 $0xFFFFE000  }
0x58: {  	_ =	swait.ge @p0 [sflag:s6], $0x2000  }
0x59: {  	[sflag:s6] =	ssyncset.done @p0 $0x0  }
0x5a: {  	s10 =	simm.s32 $0x0;
	[sflag:s6] =	ssyncadd.s32 @p0 $0xFFFFE000  }
0x5b: {  	v14 =	vld [tilespmem:s10+$0xA80]  }
0x5c: {  	v15 =	vld [tilespmem:s10+$0xA90];
	_ =	sdelay $0x1  }
0x5d: {  	v17 =	vld [tilespmem:s10+$0xAA0];
	_ =	sdelay $0x1  }
0x5e: {  	v19 =	vld [tilespmem:s10+$0xAB0]  }
0x5f: {  	v16 =	vld [tilespmem:s10+$0xA00];
	v14 =	vmul.f32 v14, v4;
	v15 =	vmul.f32 v15, v5  }
0x60: {  	v21 =	vld [tilespmem:s10+$0xAC0]  }
0x61: {  	v18 =	vld [tilespmem:s10+$0xA10];
	v14 =	vadd.f32 v15, v14;
	v15 =	vmul.f32 v17, v6  }
0x62: {  	v17 =	vld [tilespmem:s10+$0xAD0]  }
0x63: {  	v14 =	vadd.f32 v15, v14;
	v15 =	vmul.f32 v19, v7  }
0x64: {  	v20 =	vld [tilespmem:s10+$0xA20]  }
0x65: {  	v14 =	vadd.f32 v15, v14;
	v15 =	vmul.f32 v21, v8  }
0x66: {  	v22 =	vld [tilespmem:s10+$0xA30];
	v16 =	vmul.f32 v16, v4  }
0x67: {  	v23 =	vld [tilespmem:s10+$0xA40];
	v14 =	vadd.f32 v15, v14;
	v15 =	vmul.f32 v17, v9;
	v17 =	vmul.f32 v18, v5  }
0x68: {  	v24 =	vld [tilespmem:s10+$0xA50]  }
0x69: {  	v19 =	vld [tilespmem:s10+$0xAE0];
	v16 =	vadd.f32 v17, v16;
	v17 =	vmul.f32 v20, v6  }
0x6a: {  	v25 =	vld [tilespmem:s10+$0xA60]  }
0x6b: {  	s6 =	simm.s32 $0x100;
	v21 =	vld [tilespmem:s10+$0xAF0];
	v16 =	vadd.f32 v17, v16;
	v17 =	vmul.f32 v22, v7  }
0x6c: {  	v14 =	vadd.f32 v15, v14;
	v15 =	vld [tilespmem:s6+$0xA80]  }
0x6d: {  	v20 =	vld [tilespmem:s6+$0xA90];
	v16 =	vadd.f32 v17, v16;
	v17 =	vmul.f32 v23, v8  }
0x6e: {  	v18 =	vld [tilespmem:s10+$0xA70];
	v19 =	vmul.f32 v19, v10  }
0x6f: {  	v22 =	vld [tilespmem:s6+$0xAA0];
	v16 =	vadd.f32 v17, v16;
	v17 =	vmul.f32 v24, v9  }
0x70: {  	v21 =	vmul.f32 v21, v11;
	v14 =	vadd.f32 v19, v14;
	v19 =	vld [tilespmem:s6+$0xA00]  }
0x71: {  	v25 =	vmul.f32 v25, v10;
	v23 =	vld [tilespmem:s6+$0xAB0];
	v16 =	vadd.f32 v17, v16  }
0x72: {  	v14 =	vadd.f32 v21, v14;
	v21 =	vld [tilespmem:s6+$0xA10];
	v15 =	vmul.f32 v15, v4;
	v20 =	vmul.f32 v20, v5  }
0x73: {  	v61 =	vld [tilespmem:s6+$0xAC0];
	v18 =	vmul.f32 v18, v11;
	v16 =	vadd.f32 v25, v16  }
0x74: {  	(xrf2) =	vadd.scan.msk.f32 $0xffff, v14;
	v14 =	vld [tilespmem:s6+$0xA20];
	v15 =	vadd.f32 v20, v15;
	v22 =	vmul.f32 v22, v6  }
0x75: {  	v18 =	vadd.f32 v18, v16  }
0x76: {  	v20 =	vld [tilespmem:s6+$0xA30];
	v15 =	vadd.f32 v22, v15;
	v23 =	vmul.f32 v23, v7  }
0x77: {  	v17 =	vmul.f32 v19, v4;
	v19 =	vmul.f32 v21, v5;
	v21 =	vld [tilespmem:s6+$0xAD0];
	(xrf2) =	vadd.scan.msk.f32 $0xffff, v18  }
0x78: {  	v22 =	vld [tilespmem:s6+$0xA40];
	v15 =	vadd.f32 v23, v15;
	v23 =	vmul.f32 v61, v8  }
0x79: {  	v62 =	vld [tilespmem:s6+$0xAE0];
	v19 =	vadd.f32 v19, v17;
	v14 =	vmul.f32 v14, v6  }
0x7a: {  	v17 =	vld [tilespmem:s6+$0xA50];
	v23 =	vadd.f32 v23, v15  }
0x7b: {  	v20 =	vmul.f32 v20, v7;
	v19 =	vadd.f32 v14, v19;
	v14 =	vld [tilespmem:s6+$0xAF0]  }
0x7c: {  	v16 =	vld [tilespmem:s6+$0xA60];
	v63 =	vmul.f32 v21, v9  }
0x7d: {  	s11 =	simm.s32 $0x200;
	v15 =	vld [tilespmem:s6+$0xA70];
	v22 =	vmul.f32 v22, v8;
	v21 =	vadd.f32 v20, v19  }
0x7e: {  	s15 =	sshll.u32 s24, $0xA;
	s13 =	simm.s32 $0xC00;
	v20 =	vld [tilespmem:s11+$0xA80];
	v19 =	vmul.f32 v62, v10;
	v18 =	vadd.f32 v63, v23;
	v23, _, _ =	vpop (xrf2)  }
.LBB2_3:
0x7f: {  	p1 =	seq.s32 s13, $0x10000;
	v24 =	vld [tilespmem:s11+$0xA90];
	v25 =	vadd.f32 v22, v21;
	v17 =	vmul.f32 v17, v9;
	v22 =	vbroadcast v23, $0xF  }
0x80: {  	v23 =	vld [tilespmem:s11+$0xA00];
	v18 =	vadd.f32 v19, v18;
	v14 =	vmul.f32 v14, v11  }
0x81: {  	v19 =	vld [tilespmem:s11+$0xAA0];
	v17 =	vadd.f32 v17, v25;
	v16 =	vmul.f32 v16, v10;
	[tilespmem:s10+$0x11280] =	vst v22;
	v21, _, _ =	vpop (xrf2)  }
0x82: {  	v22 =	vld [tilespmem:s11+$0xA10];
	v15 =	vmul.f32 v15, v11;
	v14 =	vadd.f32 v14, v18;
	v18 =	vbroadcast v21, $0xF  }
0x83: {  	v21 =	vld [tilespmem:s11+$0xAB0];
	v16 =	vadd.f32 v16, v17  }
0x84: {  	v20 =	vmul.f32 v20, v4;
	v17 =	vld [tilespmem:s11+$0xA20];
	v24 =	vmul.f32 v24, v5;
	(xrf2) =	vadd.scan.msk.f32 $0xffff, v14;
	[tilespmem:s10+$0x11200] =	vst v18;
	s10 =	smov.u32 s6;
	s6 =	smov.u32 s11  }
0x85: {  	v14 =	vmul.f32 v23, v4;
	v18 =	vld [tilespmem:s6+$0xAC0];
	v15 =	vadd.f32 v15, v16  }
0x86: {  	v16 =	vld [tilespmem:s6+$0xA30];
	v20 =	vadd.f32 v24, v20;
	v19 =	vmul.f32 v19, v6  }
0x87: {  	v22 =	vmul.f32 v22, v5;
	v23 =	vld [tilespmem:s6+$0xAD0];
	(xrf2) =	vadd.scan.msk.f32 $0xffff, v15  }
0x88: {  	v24 =	vld [tilespmem:s6+$0xA40];
	v15 =	vadd.f32 v19, v20;
	v19 =	vmul.f32 v21, v7  }
0x89: {  	v14 =	vadd.f32 v22, v14;
	v20 =	vmul.f32 v17, v6;
	v25 =	vld [tilespmem:s6+$0xAE0]  }
.Ltmp2:
0x8a: {  	v17 =	vld [tilespmem:s6+$0xA50];
	v15 =	vadd.f32 v19, v15;
	v18 =	vmul.f32 v18, v8;
	(pc) =	sbr.rel @!p1 .LBB2_3-.Ltmp2, $4  }
0x8b: {  	v19 =	vadd.f32 v20, v14;
	v20 =	vmul.f32 v16, v7;
	v14 =	vld [tilespmem:s6+$0xAF0]  }
0x8c: {  	v16 =	vld [tilespmem:s6+$0xA60];
	v18 =	vadd.f32 v18, v15;
	v26 =	vmul.f32 v23, v9  }
0x8d: {  	s11 =	sshra.s32 s13, $0x2;
	v15 =	vld [tilespmem:s6+$0xA70];
	v21 =	vadd.f32 v20, v19;
	v22 =	vmul.f32 v24, v8  }
0x8e: {  	s13 =	sadd.s32 $0x400, s13;
	v20 =	vld [tilespmem:s11+$0xA80];
	v18 =	vadd.f32 v26, v18;
	v19 =	vmul.f32 v25, v10;
	v23, _, _ =	vpop (xrf2)  }
0x8f: {  	v24 =	vld [tilespmem:s11+$0xA90];
	v23 =	vbroadcast v23, $0xF  }
0x90: {  	v25 =	vld [tilespmem:s11+$0xA00]  }
0x91: {  	v26 =	vld [tilespmem:s11+$0xAA0];
	[tilespmem:s10+$0x11280] =	vst v23  }
0x92: {  	v44, _, _ =	vpop (xrf2);
	v27 =	vld [tilespmem:s11+$0xA10]  }
0x93: {  	v23 =	vbroadcast v44, $0xF  }
0x94: {  	v29 =	vld [tilespmem:s11+$0xA20]  }
0x95: {  	v28 =	vld [tilespmem:s11+$0xAB0];
	[tilespmem:s10+$0x11200] =	vst v23  }
0x96: {  	v20 =	vmul.f32 v20, v4;
	v45 =	vmul.f32 v24, v5;
	v46 =	vld [tilespmem:s11+$0xA30]  }
0x97: {  	v25 =	vmul.f32 v25, v4;
	v30 =	vld [tilespmem:s11+$0xAC0];
	v27 =	vmul.f32 v27, v5  }
0x98: {  	v47 =	vmul.f32 v26, v6;
	v48 =	vld [tilespmem:s11+$0xA40];
	v20 =	vadd.f32 v45, v20  }
0x99: {  	v21 =	vadd.f32 v22, v21;
	v50 =	vld [tilespmem:s11+$0xAD0];
	v51 =	vmul.f32 v29, v6;
	v49 =	vadd.f32 v27, v25  }
0x9a: {  	v17 =	vmul.f32 v17, v9;
	v53 =	vld [tilespmem:s11+$0xA50];
	v52 =	vmul.f32 v28, v7;
	v20 =	vadd.f32 v47, v20  }
0x9b: {  	v54 =	vld [tilespmem:s11+$0xAE0];
	v24 =	vmul.f32 v46, v7;
	v22 =	vadd.f32 v51, v49  }
0x9c: {  	v17 =	vadd.f32 v17, v21;
	v56 =	vld [tilespmem:s11+$0xA60];
	v20 =	vadd.f32 v52, v20;
	v55 =	vmul.f32 v30, v8  }
0x9d: {  	v16 =	vmul.f32 v16, v10;
	v57 =	vld [tilespmem:s11+$0xAF0];
	v26 =	vmul.f32 v48, v8;
	v22 =	vadd.f32 v24, v22  }
0x9e: {  	v18 =	vadd.f32 v19, v18;
	v59 =	vld [tilespmem:s11+$0xA70];
	v58 =	vmul.f32 v50, v9;
	v19 =	vadd.f32 v55, v20  }
0x9f: {  	v16 =	vadd.f32 v16, v17;
	v60 =	vmul.f32 v53, v9;
	v17 =	vadd.f32 v26, v22  }
0xa0: {  	v14 =	vmul.f32 v14, v11;
	v61 =	vmul.f32 v54, v10;
	v19 =	vadd.f32 v58, v19  }
0xa1: {  	v15 =	vmul.f32 v15, v11;
	v62 =	vmul.f32 v56, v10;
	v17 =	vadd.f32 v60, v17  }
0xa2: {  	v14 =	vadd.f32 v14, v18;
	v18 =	vadd.f32 v61, v19;
	v19 =	vmul.f32 v57, v11  }
0xa3: {  	v15 =	vadd.f32 v15, v16;
	v16 =	vmul.f32 v59, v11;
	v17 =	vadd.f32 v62, v17  }
0xa4: {  	(xrf2) =	vadd.scan.msk.f32 $0xffff, v14;
	v14 =	vadd.f32 v19, v18  }
0xa5: {  	(xrf2) =	vadd.scan.msk.f32 $0xffff, v15;
	v15 =	vadd.f32 v16, v17  }
0xa6: {  	(xrf2) =	vadd.scan.msk.f32 $0xffff, v14  }
0xa7: {  	(xrf2) =	vadd.scan.msk.f32 $0xffff, v15;
	_ =	sdelay $0x6  }
0xa8: {  	v14, _, _ =	vpop (xrf2)  }
0xa9: {  	v14 =	vbroadcast v14, $0xF;
	v15, _, _ =	vpop (xrf2)  }
0xaa: {  	v15 =	vbroadcast v15, $0xF;
	v16, _, _ =	vpop (xrf2)  }
0xab: {  	[tilespmem:s6+$0x11280] =	vst v14;
	v14 =	vbroadcast v16, $0xF;
	v16, _, _ =	vpop (xrf2)  }
0xac: {  	[tilespmem:s6+$0x11200] =	vst v15;
	v15 =	vbroadcast v16, $0xF  }
0xad: {  	s21 =	simm.s32 $0x0  }
0xae: {  	[tilespmem:s11+$0x11200] =	vst v15;
	v15 =	vmov s21  }
0xaf: {  	v15 =	vshll.u32 v15, $0x7  }
0xb0: {  	v16 =	vor.u32 v1, v15  }
0xb1: {  	v15 =	vadd.s32 v3, v15;
	v16 =	vor.u32 v0, v16  }
0xb2: {  	v15 =	vor.u32 v0, v15;
	_ =	sdelay $0x2  }
0xb3: {  	[tilespmem:s11+$0x11280] =	vst v14  }
0xb4: {  	v16 =	vld.idx.msk [tilespmem:v16+s26+$0x0], $0xffff  }
0xb5: {  	v15 =	vld.idx.msk [tilespmem:v15+s26+$0x0], $0xffff;
	_ =	sdelay $0x4  }
0xb6: {  	v15 =	vsub.f32 v16, v15;
	_ =	sdelay $0x1  }
0xb7: {  	v15 =	vadd.f32 v15, v13;
	_ =	sdelay $0x1  }
0xb8: {  	v15 =	vsub.f32 $0.0e+00, v15;
	_ =	sdelay $0x1  }
0xb9: {  	v15 =	vmul.f32 $1.442695020e+00, v15;
	_ =	sdelay $0x1  }
0xba: {  	(erf) = vpow2.f32 v15;
	_ =	sdelay $0x8  }
0xbb: {  	v15 =	vpop (erf)  }
0xbc: {  	v15 =	vadd.f32 $1.000000000e+00, v15;
	_ =	sdelay $0x1  }
0xbd: {  	(erf) = vrcp.f32 v15  }
0xbe: {  	s16 =	sshll.u32 s24, $0x8  }
0xbf: {  	s19 =	sor.u32 s9, s16  }
0xc0: {  	v14 =	vor.u32 s19, v0  }
0xc1: {  	v15 =	vor.u32 s21, v14  }
0xc2: {  	v15 =	vcvt.s32.f32 v15  }
0xc3: {  	s11 =	simm.s32 $0x10  }
0xc4: {  	v17 =	vmov s11;
	v16 =	vsub.f32 v12, v15;
	v15 =	vadd.f32 $1.000000000e+00, v15  }
0xc5: {  	v17 =	vshll.u32 v17, $0x7  }
0xc6: {  	v18 =	vadd.f32 $-1.000000000e+00, v16;
	vm0 =	vlt.f32 v15, v12;
	v15 =	vor.u32 v1, v17;
	v19 =	vpop (erf)  }
0xc7: {  	s10 =	simm.s32 $0x15600;
	v17 =	vadd.s32 v3, v17;
	v16 =	vor.u32 v0, v15;
	v63 =	vnsel vm0, $0x3F800000, v19  }
0xc8: {  	s13 =	simm.s32 $0x15680;
	s6 =	simm.s32 $0x15680;
	s19 =	simm.s32 $0x20;
	v15 =	vor.u32 v0, v17;
	v17 =	vadd.f32 v19, v18;
	[tilespmem:s10+$0x0] =	vst v63  }
.LBB2_5:
0xc9: {  	s10 =	sadd.s32 $0x10, s10  }
0xca: {  	v17 =	vnsel vm0, $0x0, v17;
	s6 =	sadd.s32 $0x10, s6;
	s21 =	smov.u32 s19;
	s17 =	sadd.s32 $0x10, s19  }
0xcb: {  	p1 =	sne.s32 s19, $0x70;
	[tilespmem:s13+$0x0] =	vst v17;
	s13 =	smov.u32 s6  }
0xcc: {  	v16 =	vld.idx.msk [tilespmem:v16+s26+$0x0], $0xffff  }
0xcd: {  	v15 =	vld.idx.msk [tilespmem:v15+s26+$0x0], $0xffff;
	_ =	sdelay $0x5  }
0xce: {  	v15 =	vsub.f32 v16, v15;
	_ =	sdelay $0x1  }
0xcf: {  	v15 =	vadd.f32 v15, v13;
	_ =	sdelay $0x1  }
0xd0: {  	v15 =	vsub.f32 $0.0e+00, v15;
	_ =	sdelay $0x1  }
0xd1: {  	v15 =	vmul.f32 $1.442695020e+00, v15;
	_ =	sdelay $0x1  }
0xd2: {  	(erf) = vpow2.f32 v15;
	_ =	sdelay $0x8  }
0xd3: {  	v15 =	vpop (erf)  }
0xd4: {  	v15 =	vadd.f32 $1.000000000e+00, v15;
	_ =	sdelay $0x1  }
0xd5: {  	(erf) = vrcp.f32 v15;
	_ =	sdelay $0x1  }
0xd6: {  	v15 =	vor.u32 s11, v14;
	s11 =	smov.u32 s21  }
0xd7: {  	v15 =	vcvt.s32.f32 v15;
	_ =	sdelay $0x1  }
0xd8: {  	v16 =	vsub.f32 v12, v15;
	v17 =	vadd.f32 $1.000000000e+00, v15  }
0xd9: {  	v15 =	vmov s11  }
.Ltmp3:
0xda: {  	v15 =	vshll.u32 v15, $0x7;
	v18 =	vadd.f32 $-1.000000000e+00, v16;
	(pc) =	sbr.rel @p1 .LBB2_5-.Ltmp3, $4  }
0xdb: {  	v16 =	vor.u32 v1, v15;
	v15 =	vadd.s32 v3, v15  }
0xdc: {  	vm0 =	vlt.f32 v17, v12;
	v16 =	vor.u32 v0, v16;
	v15 =	vor.u32 v0, v15;
	v17 =	vpop (erf)  }
0xdd: {  	v19 =	vnsel vm0, $0x3F800000, v17;
	v17 =	vadd.f32 v17, v18  }
0xde: {  	s19 =	smov.u32 s17;
	[tilespmem:s10+$0x0] =	vst v19  }
0xdf: {  	_ =	sdelay $0x1  }
0xe0: {  	v17 =	vnsel vm0, $0x0, v17  }
0xe1: {  	[tilespmem:s13+$0x0] =	vst v17  }
0xe2: {  	v16 =	vld.idx.msk [tilespmem:v16+s26+$0x0], $0xffff  }
0xe3: {  	v15 =	vld.idx.msk [tilespmem:v15+s26+$0x0], $0xffff;
	_ =	sdelay $0x4  }
0xe4: {  	v15 =	vsub.f32 v16, v15;
	_ =	sdelay $0x1  }
0xe5: {  	v15 =	vadd.f32 v15, v13;
	_ =	sdelay $0x1  }
0xe6: {  	v15 =	vsub.f32 $0.0e+00, v15;
	_ =	sdelay $0x1  }
0xe7: {  	v15 =	vmul.f32 $1.442695020e+00, v15;
	_ =	sdelay $0x1  }
0xe8: {  	(erf) = vpow2.f32 v15;
	_ =	sdelay $0x8  }
0xe9: {  	v15 =	vpop (erf)  }
0xea: {  	v15 =	vadd.f32 $1.000000000e+00, v15;
	_ =	sdelay $0x1  }
0xeb: {  	(erf) = vrcp.f32 v15;
	_ =	sdelay $0x2  }
0xec: {  	v14 =	vor.u32 s11, v14  }
0xed: {  	v14 =	vcvt.s32.f32 v14;
	_ =	sdelay $0x1  }
0xee: {  	v15 =	vsub.f32 v12, v14;
	_ =	sdelay $0x1  }
0xef: {  	v14 =	vadd.f32 $1.000000000e+00, v14;
	v15 =	vadd.f32 $-1.000000000e+00, v15  }
0xf0: {  	v16 =	vpop (erf)  }
0xf1: {  	vm15 =	vlt.f32 v14, v12;
	v14 =	vadd.f32 v16, v15  }
0xf2: {  	s10 =	sadd.s32 $0x10, s10;
	v15 =	vnsel vm15, $0x3F800000, v16  }
0xf3: {  	s6 =	sadd.s32 $0x10, s6;
	[tilespmem:s10+$0x0] =	vst v15;
	v14 =	vnsel vm15, $0x0, v14  }
0xf4: {  	[tilespmem:s6+$0x0] =	vst v14  }
0xf5: {  	v14 =	vld [tilespmem:$0xA00]  }
0xf6: {  	v15 =	vld [tilespmem:$0xA10]  }
0xf7: {  	v16 =	vld [tilespmem:$0xA20]  }
0xf8: {  	v18 =	vld [tilespmem:$0xA30]  }
0xf9: {  	s17 =	simm.s32 $0x0;
	v20 =	vld [tilespmem:$0xA40]  }
0xfa: {  	v19 =	vmov s17;
	v17 =	vld [tilespmem:$0xA50]  }
0xfb: {  	s21 =	simm.s32 $0xAC0;
	v19 =	vand.u32 $0xFFFFFFFE, v19;
	v21 =	vld [tilespmem:$0xA60]  }
0xfc: {  	v19 =	vbroadcast v19, $0x0;
	v33 =	vld [tilespmem:s21+$0x10]  }
0xfd: {  	v27 =	vld [tilespmem:s21+$0xFFFFFFD0]  }
0xfe: {  	v23 =	vld [tilespmem:s21+$0xFFFFFFF0]  }
0xff: {  	v28 =	vld [tilespmem:s21+$0xFFFFFFC0]  }
0x100: {  	v22 =	vld [tilespmem:s21+$0x20]  }
0x101: {  	v31 =	vld [tilespmem:s21+$0xFFFFFFE0]  }
0x102: {  	v30 =	vld.idx.msk [tilespmem:v19+s29+$0x0], $0xffff  }
0x103: {  	v26 =	vld [tilespmem:s21+$0x0]  }
0x104: {  	v29 =	vld.idx.msk [tilespmem:v19+s28+$0x0], $0xffff;
	v32 =	vsub.f32 v14, v28  }
0x105: {  	v24 =	vld [tilespmem:s21+$0x30];
	v34 =	vsub.f32 v21, v22;
	v14 =	vsub.f32 v15, v27  }
0x106: {  	v25 =	vld [tilespmem:$0xA70];
	v15 =	vsub.f32 v17, v33;
	v21 =	vsub.f32 v16, v31  }
0x107: {  	v19 =	vld [tilespmem:s21+$0xB0];
	v35 =	vsub.f32 v18, v23;
	v38 =	vadd.f32 v30, v28  }
0x108: {  	v17 =	vld [tilespmem:s21+$0xA0];
	v39 =	vadd.f32 v30, v26;
	v40 =	vadd.f32 v30, v31  }
0x109: {  	v18 =	vld [tilespmem:s21+$0x90];
	v42 =	vadd.f32 v30, v33;
	v43 =	vadd.f32 v30, v27  }
0x10a: {  	v16 =	vld [tilespmem:s21+$0x80];
	v45 =	vadd.f32 v30, v24;
	v36 =	vmul.f32 v29, v14;
	v14 =	vsub.f32 v20, v26  }
0x10b: {  	v25 =	vsub.f32 v25, v24;
	v61 =	vadd.f32 v30, v22;
	v20 =	vld [tilespmem:s21+$0x60];
	v32 =	vmul.f32 v29, v32  }
0x10c: {  	v34 =	vmul.f32 v29, v34;
	v41 =	vmul.f32 v29, v14;
	v14 =	vld [tilespmem:s21+$0x50];
	v36 =	vadd.f32 v43, v36  }
0x10d: {  	s6 =	simm.s32 $0x9280;
	v44 =	vmul.f32 v29, v21;
	v21 =	vld [tilespmem:s21+$0x40];
	v25 =	vmul.f32 v29, v25;
	v32 =	vadd.f32 v38, v32  }
0x10e: {  	v30 =	vadd.f32 v30, v23;
	v37 =	vmul.f32 v29, v15;
	v15 =	vld [tilespmem:s21+$0x70];
	v34 =	vadd.f32 v61, v34;
	[tilespmem:s6+$0xFFFFFF90] =	vst v36  }
0x10f: {  	v62 =	vadd.f32 v40, v44;
	v63 =	vadd.f32 v45, v25;
	[tilespmem:s6+$0xFFFFFF80] =	vst v32  }
0x110: {  	s19 =	simm.s32 $0x1;
	v29 =	vmul.f32 v29, v35;
	v39 =	vadd.f32 v39, v41;
	v32 =	vadd.f32 v42, v37;
	[tilespmem:s6+$0xFFFFFFE0] =	vst v34  }
0x111: {  	[tilespmem:s6+$0xFFFFFFA0] =	vst v62;
	v25 =	vsub.f32 v27, v14;
	v27 =	vsub.f32 v31, v20;
	v31 =	vmov s19  }
0x112: {  	v30 =	vadd.f32 v30, v29;
	[tilespmem:s6+$0xFFFFFFF0] =	vst v63;
	v29 =	vsub.f32 v28, v21  }
0x113: {  	s11 =	simm.s32 $0x9280;
	s10 =	simm.s32 $0x2;
	v28 =	vsub.f32 v26, v16;
	v26 =	vsub.f32 v33, v18;
	[tilespmem:s6+$0xFFFFFFC0] =	vst v39  }
.LBB2_7:
0x114: {  	p1 =	sne.s32 s10, $0x3E;
	[tilespmem:s6+$0xFFFFFFD0] =	vst v32;
	v23 =	vsub.f32 v23, v15;
	v24 =	vsub.f32 v24, v19;
	s21 =	sadd.s32 $0x100, s21;
	s11 =	sadd.s32 $0x100, s11;
	v32 =	vmov v19  }
0x115: {  	v22 =	vsub.f32 v22, v17;
	s13 =	smov.u32 s10;
	s10 =	sadd.s32 $0x2, s10;
	[tilespmem:s6+$0xFFFFFFB0] =	vst v30  }
0x116: {  	v30 =	vld.idx.msk [tilespmem:v31+s28+$0x0], $0xffff  }
0x117: {  	v31 =	vld.idx.msk [tilespmem:v31+s29+$0x0], $0xffff;
	_ =	sdelay $0x4  }
0x118: {  	v29 =	vmul.f32 v30, v29  }
0x119: {  	v27 =	vmul.f32 v30, v27;
	v33 =	vadd.f32 v31, v21;
	v34 =	vadd.f32 v31, v16  }
0x11a: {  	v28 =	vmul.f32 v30, v28;
	v35 =	vadd.f32 v31, v20;
	v36 =	vadd.f32 v31, v18  }
0x11b: {  	v26 =	vmul.f32 v30, v26;
	v29 =	vadd.f32 v33, v29;
	v33 =	vadd.f32 v31, v14  }
0x11c: {  	v25 =	vmul.f32 v30, v25;
	v27 =	vadd.f32 v35, v27;
	v28 =	vadd.f32 v34, v28  }
0x11d: {  	v23 =	vmul.f32 v30, v23;
	v26 =	vadd.f32 v36, v26;
	[tilespmem:s6+$0x0] =	vst v29;
	v29 =	vadd.f32 v31, v15  }
0x11e: {  	v22 =	vmul.f32 v30, v22;
	v25 =	vadd.f32 v33, v25;
	[tilespmem:s6+$0x40] =	vst v28;
	v28 =	vadd.f32 v31, v17  }
0x11f: {  	v24 =	vmul.f32 v30, v24;
	v19 =	vadd.f32 v31, v19;
	v23 =	vadd.f32 v29, v23;
	[tilespmem:s6+$0x50] =	vst v26  }
0x120: {  	[tilespmem:s6+$0x20] =	vst v27;
	v22 =	vadd.f32 v28, v22  }
0x121: {  	v19 =	vadd.f32 v19, v24;
	v26 =	vmov s13;
	[tilespmem:s6+$0x30] =	vst v23  }
0x122: {  	v23 =	vand.u32 $0xFFFFFFFE, v26;
	[tilespmem:s6+$0x60] =	vst v22  }
0x123: {  	v24 =	vbroadcast v23, $0x0;
	[tilespmem:s6+$0x70] =	vst v19  }
0x124: {  	[tilespmem:s6+$0x10] =	vst v25;
	s6 =	smov.u32 s11  }
0x125: {  	v26 =	vld [tilespmem:s21+$0x0]  }
0x126: {  	v33 =	vld [tilespmem:s21+$0x10]  }
0x127: {  	v25 =	vld [tilespmem:s21+$0xFFFFFFD0]  }
0x128: {  	v23 =	vld [tilespmem:s21+$0xFFFFFFF0]  }
0x129: {  	v27 =	vld [tilespmem:s21+$0xFFFFFFC0]  }
0x12a: {  	v22 =	vld [tilespmem:s21+$0x20]  }
0x12b: {  	v28 =	vld [tilespmem:s21+$0xFFFFFFE0]  }
0x12c: {  	v29 =	vld.idx.msk [tilespmem:v24+s28+$0x0], $0xffff  }
0x12d: {  	v30 =	vld.idx.msk [tilespmem:v24+s29+$0x0], $0xffff;
	_ =	sdelay $0x1  }
0x12e: {  	v21 =	vsub.f32 v21, v27;
	v19 =	vld [tilespmem:s21+$0xB0];
	v31 =	vsub.f32 v17, v22  }
0x12f: {  	v34 =	vsub.f32 v18, v33;
	v14 =	vsub.f32 v14, v25;
	v24 =	vld [tilespmem:s21+$0x30]  }
0x130: {  	v15 =	vsub.f32 v15, v23;
	v35 =	vsub.f32 v20, v28;
	v17 =	vld [tilespmem:s21+$0xA0]  }
0x131: {  	v36 =	vmul.f32 v29, v14;
	v14 =	vsub.f32 v16, v26;
	v34 =	vmul.f32 v29, v34;
	v18 =	vld [tilespmem:s21+$0x90]  }
0x132: {  	v38 =	vmul.f32 v29, v15;
	v37 =	vadd.f32 v30, v27;
	v39 =	vadd.f32 v30, v26;
	v16 =	vld [tilespmem:s21+$0x80]  }
0x133: {  	v40 =	vadd.f32 v30, v28;
	v42 =	vadd.f32 v30, v33;
	v41 =	vmul.f32 v29, v14;
	v15 =	vld [tilespmem:s21+$0x70]  }
0x134: {  	v43 =	vadd.f32 v30, v25;
	v35 =	vmul.f32 v29, v35;
	v20 =	vld [tilespmem:s21+$0x60];
	v44 =	vadd.f32 v30, v24  }
0x135: {  	v45 =	vmul.f32 v29, v21;
	v39 =	vadd.f32 v39, v41;
	v32 =	vsub.f32 v32, v24;
	v14 =	vld [tilespmem:s21+$0x50]  }
0x136: {  	v31 =	vmul.f32 v29, v31;
	v36 =	vadd.f32 v43, v36;
	v41 =	vadd.f32 v30, v22;
	v21 =	vld [tilespmem:s21+$0x40]  }
0x137: {  	v37 =	vadd.f32 v37, v45;
	v35 =	vadd.f32 v40, v35;
	v29 =	vmul.f32 v29, v32;
	[tilespmem:s11+$0xFFFFFFC0] =	vst v39  }
.Ltmp4:
0x138: {  	v30 =	vadd.f32 v30, v23;
	v31 =	vadd.f32 v41, v31;
	[tilespmem:s11+$0xFFFFFF90] =	vst v36;
	(pc) =	sbr.rel @p1 .LBB2_7-.Ltmp4, $4  }
0x139: {  	s13 =	sadd.s32 $0x1, s13;
	v32 =	vadd.f32 v42, v34;
	v34 =	vadd.f32 v44, v29;
	[tilespmem:s11+$0xFFFFFF80] =	vst v37  }
0x13a: {  	v30 =	vadd.f32 v30, v38;
	[tilespmem:s11+$0xFFFFFFE0] =	vst v31;
	v31 =	vmov s13;
	v25 =	vsub.f32 v25, v14  }
0x13b: {  	[tilespmem:s11+$0xFFFFFFA0] =	vst v35;
	v29 =	vsub.f32 v27, v21;
	v27 =	vsub.f32 v28, v20  }
0x13c: {  	v28 =	vsub.f32 v26, v16;
	v26 =	vsub.f32 v33, v18;
	[tilespmem:s11+$0xFFFFFFF0] =	vst v34  }
0x13d: {  	_ =	sdelay $0x1  }
0x13e: {  	[tilespmem:s6+$0xFFFFFFD0] =	vst v32  }
0x13f: {  	[tilespmem:s6+$0xFFFFFFB0] =	vst v30  }
0x140: {  	v30 =	vld.idx.msk [tilespmem:v31+s28+$0x0], $0xffff  }
0x141: {  	v31 =	vld.idx.msk [tilespmem:v31+s29+$0x0], $0xffff;
	_ =	sdelay $0x3  }
0x142: {  	v23 =	vsub.f32 v23, v15  }
0x143: {  	v24 =	vsub.f32 v24, v19;
	v29 =	vmul.f32 v30, v29;
	v60 =	vadd.f32 v31, v21  }
0x144: {  	v22 =	vsub.f32 v22, v17;
	v33 =	vadd.f32 v31, v16;
	v28 =	vmul.f32 v30, v28  }
0x145: {  	v35 =	vadd.f32 v31, v18;
	v26 =	vmul.f32 v30, v26;
	v29 =	vadd.f32 v60, v29  }
0x146: {  	v27 =	vmul.f32 v30, v27;
	v34 =	vadd.f32 v31, v20;
	v28 =	vadd.f32 v33, v28  }
0x147: {  	v62 =	vadd.f32 v31, v15;
	v23 =	vmul.f32 v30, v23;
	v26 =	vadd.f32 v35, v26;
	[tilespmem:s6+$0x0] =	vst v29  }
0x148: {  	v22 =	vmul.f32 v30, v22;
	v27 =	vadd.f32 v34, v27;
	v29 =	vadd.f32 v31, v17;
	[tilespmem:s6+$0x40] =	vst v28  }
0x149: {  	v24 =	vmul.f32 v30, v24;
	v23 =	vadd.f32 v62, v23;
	[tilespmem:s6+$0x50] =	vst v26;
	v26 =	vadd.f32 v31, v19  }
0x14a: {  	v61 =	vadd.f32 v31, v14;
	v25 =	vmul.f32 v30, v25;
	[tilespmem:s6+$0x20] =	vst v27;
	v22 =	vadd.f32 v29, v22  }
0x14b: {  	[tilespmem:s6+$0x30] =	vst v23;
	v23 =	vadd.f32 v26, v24  }
0x14c: {  	s17 =	sor.u32 s7, s16;
	v24 =	vadd.f32 v61, v25;
	[tilespmem:s6+$0x60] =	vst v22  }
0x14d: {  	s10 =	simm.s32 $0x40;
	s21 =	sshll.u32 s17, $0x4;
	[tilespmem:s6+$0x70] =	vst v23  }
0x14e: {  	s19 =	sadd.s32 s4, s21;
	v28 =	vmov s10;
	s10 =	simm.s32 $0x2B70;
	[tilespmem:s6+$0x10] =	vst v24  }
0x14f: {  	v28 =	vand.u32 $0xFFFFFFFE, v28;
	[hbm4b:s19+s5] =	stream.linear.scatter [tilespmem:s30], [sflag:$0x3], $0x2000, $0x38;
	[tilespmem:$0x15700] =	vst v63  }
0x150: {  	v27 =	vbroadcast v28, $0x0;
	v22 =	vld [tilespmem:s10+$0xFFFFFF70]  }
0x151: {  	v26 =	vld [tilespmem:s10+$0xFFFFFF60]  }
0x152: {  	v24 =	vld [tilespmem:s10+$0xFFFFFF30]  }
0x153: {  	v30 =	vld [tilespmem:s10+$0xFFFFFF10]  }
0x154: {  	v23 =	vld [tilespmem:s10+$0xFFFFFF80]  }
0x155: {  	v29 =	vld [tilespmem:s10+$0xFFFFFF40]  }
0x156: {  	v28 =	vld.idx.msk [tilespmem:v27+s29+$0x0], $0xffff  }
0x157: {  	v32 =	vld.idx.msk [tilespmem:v27+s28+$0x0], $0xffff  }
0x158: {  	v27 =	vld [tilespmem:s10+$0xFFFFFF50];
	_ =	sdelay $0x1  }
0x159: {  	v17 =	vsub.f32 v17, v22  }
0x15a: {  	v18 =	vsub.f32 v18, v26;
	v41 =	vsub.f32 v20, v24  }
0x15b: {  	v25 =	vld [tilespmem:s10+$0xFFFFFF20];
	v21 =	vsub.f32 v21, v30;
	v40 =	vsub.f32 v19, v23  }
0x15c: {  	v20 =	vld [tilespmem:s10+$0x0];
	v15 =	vsub.f32 v15, v29;
	v31 =	vadd.f32 v28, v27  }
0x15d: {  	v63 =	vsub.f32 v16, v27;
	v33 =	vmul.f32 v32, v17;
	v16 =	vld [tilespmem:s10+$0xFFFFFFD0];
	v35 =	vadd.f32 v28, v26  }
0x15e: {  	s11 =	simm.s32 $0x41;
	s13 =	simm.s32 $0xB2F0;
	v36 =	vmul.f32 v32, v18;
	v38 =	vadd.f32 v28, v30;
	v17 =	vld [tilespmem:s10+$0xFFFFFFB0];
	v39 =	vmul.f32 v32, v21  }
0x15f: {  	s17 =	simm.s32 $0x43;
	s6 =	simm.s32 $0xB2F0;
	s19 =	simm.s32 $0x2B70;
	v37 =	vadd.f32 v28, v23;
	v18 =	vld [tilespmem:s10+$0xFFFFFF90];
	v19 =	vmul.f32 v32, v41;
	v34 =	vmul.f32 v32, v63  }
.LBB2_9:
0x160: {  	p1 =	sne.s32 s17, $0x7F;
	v21 =	vld [tilespmem:s10+$0xFFFFFFF0];
	v14 =	vsub.f32 v14, v25;
	v41 =	vadd.f32 v28, v24;
	v40 =	vmul.f32 v32, v40;
	s19 =	sadd.s32 $0x100, s19;
	s13 =	sadd.s32 $0x100, s13  }
0x161: {  	v43 =	vadd.f32 v28, v25;
	v44 =	vadd.f32 v28, v29;
	s14 =	smov.u32 s17;
	s17 =	sadd.s32 $0x2, s17;
	v42 =	vld [tilespmem:s10+$0xFFFFFFE0];
	v45 =	vmul.f32 v32, v15  }
0x162: {  	v38 =	vadd.f32 v38, v39;
	v15 =	vld [tilespmem:s10+$0xFFFFFFC0];
	v32 =	vmul.f32 v32, v14;
	v39 =	vadd.f32 v41, v19;
	v19 =	vmovc v20  }
0x163: {  	v35 =	vadd.f32 v35, v36;
	v14 =	vld [tilespmem:s10+$0xFFFFFFA0];
	v41 =	vadd.f32 v44, v45;
	s10 =	smov.u32 s19  }
0x164: {  	[tilespmem:s6+$0xFFFFFF10] =	vst v38;
	v32 =	vadd.f32 v43, v32;
	v30 =	vsub.f32 v30, v18  }
0x165: {  	v28 =	vadd.f32 v28, v22;
	v36 =	vadd.f32 v37, v40;
	[tilespmem:s6+$0xFFFFFF40] =	vst v41  }
0x166: {  	v27 =	vsub.f32 v27, v16;
	[tilespmem:s6+$0xFFFFFF20] =	vst v32;
	v26 =	vsub.f32 v26, v42  }
0x167: {  	v28 =	vadd.f32 v28, v33;
	v32 =	vmov s11;
	s11 =	smov.u32 s14;
	[tilespmem:s6+$0xFFFFFF80] =	vst v36;
	v29 =	vsub.f32 v29, v15  }
0x168: {  	v24 =	vsub.f32 v24, v17;
	v22 =	vsub.f32 v22, v21;
	[tilespmem:s6+$0xFFFFFF60] =	vst v35  }
0x169: {  	v31 =	vadd.f32 v31, v34;
	v23 =	vsub.f32 v23, v20;
	[tilespmem:s6+$0xFFFFFF70] =	vst v28  }
0x16a: {  	[tilespmem:s6+$0xFFFFFF30] =	vst v39  }
0x16b: {  	v25 =	vsub.f32 v25, v14;
	[tilespmem:s6+$0xFFFFFF50] =	vst v31  }
0x16c: {  	v28 =	vld.idx.msk [tilespmem:v32+s28+$0x0], $0xffff  }
0x16d: {  	v31 =	vld.idx.msk [tilespmem:v32+s29+$0x0], $0xffff;
	_ =	sdelay $0x1  }
0x16e: {  	s14 =	sadd.s32 $0xFFFFFFFF, s11  }
0x16f: {  	v32 =	vmov s14  }
0x170: {  	v32 =	vand.u32 $0xFFFFFFFE, v32  }
0x171: {  	v32 =	vbroadcast v32, $0x0;
	v30 =	vmul.f32 v28, v30  }
0x172: {  	v27 =	vmul.f32 v28, v27;
	v33 =	vadd.f32 v31, v18;
	v34 =	vadd.f32 v31, v16  }
0x173: {  	v26 =	vmul.f32 v28, v26;
	v35 =	vadd.f32 v31, v42;
	v20 =	vadd.f32 v31, v20  }
0x174: {  	v29 =	vmul.f32 v28, v29;
	v30 =	vadd.f32 v33, v30;
	v27 =	vadd.f32 v34, v27  }
0x175: {  	v24 =	vmul.f32 v28, v24;
	v33 =	vadd.f32 v31, v17;
	v26 =	vadd.f32 v35, v26  }
0x176: {  	v23 =	vmul.f32 v28, v23;
	v34 =	vadd.f32 v31, v15;
	[tilespmem:s6+$0xFFFFFFD0] =	vst v27;
	v27 =	vadd.f32 v31, v21  }
0x177: {  	v25 =	vmul.f32 v28, v25;
	v22 =	vmul.f32 v28, v22;
	v24 =	vadd.f32 v33, v24;
	[tilespmem:s6+$0xFFFFFFE0] =	vst v26  }
0x178: {  	v20 =	vadd.f32 v20, v23;
	v26 =	vadd.f32 v34, v29;
	[tilespmem:s6+$0xFFFFFF90] =	vst v30  }
0x179: {  	v23 =	vadd.f32 v31, v14;
	v22 =	vadd.f32 v27, v22;
	[tilespmem:s6+$0xFFFFFFB0] =	vst v24  }
0x17a: {  	[tilespmem:s6+$0x0] =	vst v20  }
0x17b: {  	v20 =	vadd.f32 v23, v25;
	[tilespmem:s6+$0xFFFFFFC0] =	vst v26  }
0x17c: {  	[tilespmem:s6+$0xFFFFFFF0] =	vst v22  }
0x17d: {  	[tilespmem:s6+$0xFFFFFFA0] =	vst v20;
	s6 =	smov.u32 s13  }
0x17e: {  	v28 =	vld.idx.msk [tilespmem:v32+s29+$0x0], $0xffff  }
0x17f: {  	v32 =	vld.idx.msk [tilespmem:v32+s28+$0x0], $0xffff  }
0x180: {  	v22 =	vld [tilespmem:s19+$0xFFFFFF70]  }
0x181: {  	v26 =	vld [tilespmem:s19+$0xFFFFFF60]  }
0x182: {  	v27 =	vld [tilespmem:s19+$0xFFFFFF50]  }
0x183: {  	v24 =	vld [tilespmem:s19+$0xFFFFFF30]  }
0x184: {  	v30 =	vld [tilespmem:s19+$0xFFFFFF10]  }
0x185: {  	v23 =	vld [tilespmem:s19+$0xFFFFFF80];
	v20 =	vsub.f32 v21, v22  }
0x186: {  	v29 =	vld [tilespmem:s19+$0xFFFFFF40];
	v21 =	vsub.f32 v42, v26  }
.Ltmp5:
0x187: {  	v25 =	vld [tilespmem:s19+$0xFFFFFF20];
	v31 =	vadd.f32 v28, v27;
	v34 =	vsub.f32 v16, v27;
	v33 =	vmul.f32 v32, v20;
	(pc) =	sbr.rel @p1 .LBB2_9-.Ltmp5, $4  }
0x188: {  	v35 =	vadd.f32 v28, v26;
	v16 =	vld [tilespmem:s19+$0xFFFFFFD0];
	v41 =	vsub.f32 v17, v24;
	v36 =	vmul.f32 v32, v21  }
0x189: {  	v20 =	vld [tilespmem:s19+$0x0];
	v38 =	vadd.f32 v28, v30;
	v21 =	vsub.f32 v18, v30;
	v34 =	vmul.f32 v32, v34  }
0x18a: {  	v17 =	vld [tilespmem:s19+$0xFFFFFFB0];
	v37 =	vadd.f32 v28, v23;
	v40 =	vsub.f32 v19, v23  }
0x18b: {  	v19 =	vmul.f32 v32, v41;
	v18 =	vld [tilespmem:s19+$0xFFFFFF90];
	v39 =	vmul.f32 v32, v21;
	v15 =	vsub.f32 v15, v29  }
0x18c: {  	_ = 	snop  }
0x18d: {  	v21 =	vld [tilespmem:s10+$0xFFFFFFF0];
	v14 =	vsub.f32 v14, v25;
	v42 =	vadd.f32 v28, v29;
	v15 =	vmul.f32 v32, v15  }
0x18e: {  	v41 =	vld [tilespmem:s10+$0xFFFFFFE0];
	v35 =	vadd.f32 v35, v36  }
0x18f: {  	v43 =	vadd.f32 v28, v25;
	v44 =	vld [tilespmem:s10+$0xFFFFFFC0];
	v14 =	vmul.f32 v32, v14;
	v15 =	vadd.f32 v42, v15  }
0x190: {  	v52 =	vld [tilespmem:s10+$0xFFFFFFA0];
	v54 =	vadd.f32 v31, v34;
	[tilespmem:s6+$0xFFFFFF60] =	vst v35  }
0x191: {  	v51 =	vmul.f32 v32, v40;
	v14 =	vadd.f32 v43, v14;
	[tilespmem:s6+$0xFFFFFF40] =	vst v15;
	v15 =	vadd.f32 v28, v22  }
0x192: {  	v53 =	vadd.f32 v28, v24;
	v38 =	vadd.f32 v38, v39;
	[tilespmem:s6+$0xFFFFFF50] =	vst v54  }
0x193: {  	v32 =	vadd.f32 v37, v51;
	[tilespmem:s6+$0xFFFFFF20] =	vst v14;
	v14 =	vadd.f32 v15, v33;
	v15 =	vmov s11  }
0x194: {  	v19 =	vadd.f32 v53, v19;
	[tilespmem:s6+$0xFFFFFF10] =	vst v38  }
0x195: {  	[tilespmem:s6+$0xFFFFFF80] =	vst v32  }
0x196: {  	[tilespmem:s6+$0xFFFFFF30] =	vst v19  }
0x197: {  	[tilespmem:s6+$0xFFFFFF70] =	vst v14  }
0x198: {  	v14 =	vld.idx.msk [tilespmem:v15+s28+$0x0], $0xffff  }
0x199: {  	v15 =	vld.idx.msk [tilespmem:v15+s29+$0x0], $0xffff;
	_ =	sdelay $0x1  }
0x19a: {  	v27 =	vsub.f32 v27, v16;
	v23 =	vsub.f32 v23, v20  }
0x19b: {  	v56 =	vsub.f32 v24, v17;
	v19 =	vsub.f32 v30, v18  }
0x19c: {  	v26 =	vsub.f32 v26, v41;
	v55 =	vsub.f32 v29, v44  }
0x19d: {  	v22 =	vsub.f32 v22, v21;
	v16 =	vadd.f32 v15, v16;
	v27 =	vmul.f32 v14, v27  }
0x19e: {  	v57 =	vsub.f32 v25, v52;
	v58 =	vadd.f32 v15, v41;
	v26 =	vmul.f32 v14, v26  }
0x19f: {  	v17 =	vadd.f32 v15, v17;
	v24 =	vmul.f32 v14, v56;
	v16 =	vadd.f32 v16, v27  }
0x1a0: {  	v19 =	vmul.f32 v14, v19;
	v18 =	vadd.f32 v15, v18;
	v26 =	vadd.f32 v58, v26  }
0x1a1: {  	v21 =	vadd.f32 v15, v21;
	v22 =	vmul.f32 v14, v22;
	v17 =	vadd.f32 v17, v24;
	[tilespmem:s6+$0xFFFFFFD0] =	vst v16  }
0x1a2: {  	v20 =	vadd.f32 v15, v20;
	v18 =	vadd.f32 v18, v19;
	v16 =	vmul.f32 v14, v23;
	[tilespmem:s6+$0xFFFFFFE0] =	vst v26  }
0x1a3: {  	v19 =	vmul.f32 v14, v55;
	v23 =	vadd.f32 v15, v44;
	[tilespmem:s6+$0xFFFFFFB0] =	vst v17;
	v17 =	vadd.f32 v21, v22  }
0x1a4: {  	[tilespmem:s6+$0xFFFFFF90] =	vst v18;
	v14 =	vmul.f32 v14, v57;
	v15 =	vadd.f32 v15, v52;
	v16 =	vadd.f32 v20, v16  }
0x1a5: {  	v18 =	vadd.f32 v23, v19;
	[tilespmem:s6+$0xFFFFFFF0] =	vst v17  }
0x1a6: {  	v14 =	vadd.f32 v15, v14;
	[tilespmem:s6+$0x0] =	vst v16  }
0x1a7: {  	p1 =	seq.s32 s24, $0x7;
	[tilespmem:s6+$0xFFFFFFC0] =	vst v18  }
0x1a8: {  	s21 =	sadd.s32 s21, s12;
	[tilespmem:s6+$0xFFFFFFA0] =	vst v14;
	s6 =	sshrl.u32 @!p1 s15, $0x2  }
0x1a9: {  	[hbm4b:s21+s5] =	stream.linear.scatter [tilespmem:s31], [sflag:$0x3], $0x2000, $0x38;
	[tilespmem:$0x15700] =	vst v63  }
0x1aa: {  	s13 =	simm.s32 @!p1 $0xA00;
	s11 =	simm.s32 @!p1 $0x80;
	s10 =	sadd.s32 @!p1 $0x280, s6  }
0x1ab: {  	[tilespmem:s13], [sflag:$0x1] =	stream.indirect.gather @!p1 [hbm4b:s1+s11], $0x80, s10, s11, $0xb8;
	[tilespmem:$0x15700] =	vst v63  }
0x1ac: {  	s6 =	sadd.s32 @!p1 $0x300, s6;
	s10 =	simm.s32 @!p1 $0x8;
	s11 =	simm.s32 @!p1 $0x4A00  }
0x1ad: {  	[tilespmem:s11], [sflag:$0x1] =	stream.indirect.gather @!p1 [hbm4b:s1+s10], $0x80, s6, s10, $0xb8;
	[tilespmem:$0x15700] =	vst v63  }
0x1ae: {  	_ =	swait.ge [sflag:s0], $0x4000  }
0x1af: {  	[sflag:s0] =	ssyncset.done $0x0  }
0x1b0: {  	[sflag:s0] =	ssyncadd.s32 $0xFFFFC000  }
0x1b1: {  	_ =	swait.ge [sflag:s0], $0x400  }
0x1b2: {  	[sflag:s0] =	ssyncset.done $0x0  }
0x1b3: {  	s6 =	simm.s32 @p0 $0x4;
	[sflag:s0] =	ssyncadd.s32 $0xFFFFFC00  }
0x1b4: {  	_ =	swait.ge @p0 [sflag:s6], $0x2000  }
0x1b5: {  	[sflag:s6] =	ssyncset.done @p0 $0x0  }
0x1b6: {  	[sflag:s6] =	ssyncadd.s32 @p0 $0xFFFFE000  }
0x1b7: {  	_ =	swait.ge @p0 [sflag:s6], $0x2000  }
0x1b8: {  	[sflag:s6] =	ssyncset.done @p0 $0x0  }
0x1b9: {  	s10 =	simm.s32 $0x0;
	[sflag:s6] =	ssyncadd.s32 @p0 $0xFFFFE000  }
0x1ba: {  	v14 =	vld [tilespmem:s10+$0x4E80]  }
0x1bb: {  	v15 =	vld [tilespmem:s10+$0x4E90];
	_ =	sdelay $0x1  }
0x1bc: {  	v17 =	vld [tilespmem:s10+$0x4EA0];
	_ =	sdelay $0x1  }
0x1bd: {  	v19 =	vld [tilespmem:s10+$0x4EB0]  }
0x1be: {  	v16 =	vld [tilespmem:s10+$0x4E00];
	v14 =	vmul.f32 v14, v4;
	v15 =	vmul.f32 v15, v5  }
0x1bf: {  	v21 =	vld [tilespmem:s10+$0x4EC0]  }
0x1c0: {  	v18 =	vld [tilespmem:s10+$0x4E10];
	v14 =	vadd.f32 v15, v14;
	v15 =	vmul.f32 v17, v6  }
0x1c1: {  	v17 =	vld [tilespmem:s10+$0x4ED0]  }
0x1c2: {  	v14 =	vadd.f32 v15, v14;
	v15 =	vmul.f32 v19, v7  }
0x1c3: {  	v20 =	vld [tilespmem:s10+$0x4E20]  }
0x1c4: {  	v14 =	vadd.f32 v15, v14;
	v15 =	vmul.f32 v21, v8  }
0x1c5: {  	v22 =	vld [tilespmem:s10+$0x4E30];
	v16 =	vmul.f32 v16, v4  }
0x1c6: {  	v23 =	vld [tilespmem:s10+$0x4E40];
	v14 =	vadd.f32 v15, v14;
	v15 =	vmul.f32 v17, v9;
	v17 =	vmul.f32 v18, v5  }
0x1c7: {  	v59 =	vld [tilespmem:s10+$0x4E50]  }
0x1c8: {  	v19 =	vld [tilespmem:s10+$0x4EE0];
	v16 =	vadd.f32 v17, v16;
	v17 =	vmul.f32 v20, v6  }
0x1c9: {  	v60 =	vld [tilespmem:s10+$0x4E60]  }
0x1ca: {  	s6 =	simm.s32 $0x100;
	v21 =	vld [tilespmem:s10+$0x4EF0];
	v16 =	vadd.f32 v17, v16;
	v17 =	vmul.f32 v22, v7  }
0x1cb: {  	v14 =	vadd.f32 v15, v14;
	v15 =	vld [tilespmem:s6+$0x4E80]  }
0x1cc: {  	v20 =	vld [tilespmem:s6+$0x4E90];
	v16 =	vadd.f32 v17, v16;
	v17 =	vmul.f32 v23, v8  }
0x1cd: {  	v18 =	vld [tilespmem:s10+$0x4E70];
	v19 =	vmul.f32 v19, v10  }
0x1ce: {  	v22 =	vld [tilespmem:s6+$0x4EA0];
	v16 =	vadd.f32 v17, v16;
	v17 =	vmul.f32 v59, v9  }
0x1cf: {  	v21 =	vmul.f32 v21, v11;
	v14 =	vadd.f32 v19, v14;
	v19 =	vld [tilespmem:s6+$0x4E00]  }
0x1d0: {  	v25 =	vmul.f32 v60, v10;
	v23 =	vld [tilespmem:s6+$0x4EB0];
	v16 =	vadd.f32 v17, v16  }
0x1d1: {  	v14 =	vadd.f32 v21, v14;
	v21 =	vld [tilespmem:s6+$0x4E10];
	v15 =	vmul.f32 v15, v4;
	v20 =	vmul.f32 v20, v5  }
0x1d2: {  	v61 =	vld [tilespmem:s6+$0x4EC0];
	v18 =	vmul.f32 v18, v11;
	v16 =	vadd.f32 v25, v16  }
0x1d3: {  	(xrf2) =	vadd.scan.msk.f32 $0xffff, v14;
	v14 =	vld [tilespmem:s6+$0x4E20];
	v15 =	vadd.f32 v20, v15;
	v22 =	vmul.f32 v22, v6  }
0x1d4: {  	v18 =	vadd.f32 v18, v16  }
0x1d5: {  	v20 =	vld [tilespmem:s6+$0x4E30];
	v15 =	vadd.f32 v22, v15;
	v23 =	vmul.f32 v23, v7  }
0x1d6: {  	v17 =	vmul.f32 v19, v4;
	v19 =	vmul.f32 v21, v5;
	v21 =	vld [tilespmem:s6+$0x4ED0];
	(xrf2) =	vadd.scan.msk.f32 $0xffff, v18  }
0x1d7: {  	v22 =	vld [tilespmem:s6+$0x4E40];
	v15 =	vadd.f32 v23, v15;
	v23 =	vmul.f32 v61, v8  }
0x1d8: {  	v62 =	vld [tilespmem:s6+$0x4EE0];
	v19 =	vadd.f32 v19, v17;
	v14 =	vmul.f32 v14, v6  }
0x1d9: {  	v17 =	vld [tilespmem:s6+$0x4E50];
	v23 =	vadd.f32 v23, v15  }
0x1da: {  	v20 =	vmul.f32 v20, v7;
	v19 =	vadd.f32 v14, v19;
	v14 =	vld [tilespmem:s6+$0x4EF0]  }
0x1db: {  	v16 =	vld [tilespmem:s6+$0x4E60];
	v63 =	vmul.f32 v21, v9  }
0x1dc: {  	s11 =	simm.s32 $0x200;
	v15 =	vld [tilespmem:s6+$0x4E70];
	v22 =	vmul.f32 v22, v8;
	v21 =	vadd.f32 v20, v19  }
0x1dd: {  	s13 =	simm.s32 $0xC00;
	v20 =	vld [tilespmem:s11+$0x4E80];
	v19 =	vmul.f32 v62, v10;
	v18 =	vadd.f32 v63, v23;
	v23, _, _ =	vpop (xrf2)  }
.LBB2_11:
0x1de: {  	p0 =	seq.s32 s13, $0x10000;
	v24 =	vld [tilespmem:s11+$0x4E90];
	v25 =	vadd.f32 v22, v21;
	v17 =	vmul.f32 v17, v9;
	v22 =	vbroadcast v23, $0xF  }
0x1df: {  	v23 =	vld [tilespmem:s11+$0x4E00];
	v18 =	vadd.f32 v19, v18;
	v14 =	vmul.f32 v14, v11  }
0x1e0: {  	v19 =	vld [tilespmem:s11+$0x4EA0];
	v17 =	vadd.f32 v17, v25;
	v16 =	vmul.f32 v16, v10;
	[tilespmem:s10+$0x11280] =	vst v22;
	v21, _, _ =	vpop (xrf2)  }
0x1e1: {  	v22 =	vld [tilespmem:s11+$0x4E10];
	v15 =	vmul.f32 v15, v11;
	v14 =	vadd.f32 v14, v18;
	v18 =	vbroadcast v21, $0xF  }
0x1e2: {  	v21 =	vld [tilespmem:s11+$0x4EB0];
	v16 =	vadd.f32 v16, v17  }
0x1e3: {  	v20 =	vmul.f32 v20, v4;
	v17 =	vld [tilespmem:s11+$0x4E20];
	v24 =	vmul.f32 v24, v5;
	(xrf2) =	vadd.scan.msk.f32 $0xffff, v14;
	[tilespmem:s10+$0x11200] =	vst v18;
	s10 =	smov.u32 s6;
	s6 =	smov.u32 s11  }
0x1e4: {  	v14 =	vmul.f32 v23, v4;
	v18 =	vld [tilespmem:s6+$0x4EC0];
	v15 =	vadd.f32 v15, v16  }
0x1e5: {  	v16 =	vld [tilespmem:s6+$0x4E30];
	v20 =	vadd.f32 v24, v20;
	v19 =	vmul.f32 v19, v6  }
0x1e6: {  	v22 =	vmul.f32 v22, v5;
	v23 =	vld [tilespmem:s6+$0x4ED0];
	(xrf2) =	vadd.scan.msk.f32 $0xffff, v15  }
0x1e7: {  	v24 =	vld [tilespmem:s6+$0x4E40];
	v15 =	vadd.f32 v19, v20;
	v19 =	vmul.f32 v21, v7  }
0x1e8: {  	v14 =	vadd.f32 v22, v14;
	v20 =	vmul.f32 v17, v6;
	v25 =	vld [tilespmem:s6+$0x4EE0]  }
.Ltmp6:
0x1e9: {  	v17 =	vld [tilespmem:s6+$0x4E50];
	v15 =	vadd.f32 v19, v15;
	v18 =	vmul.f32 v18, v8;
	(pc) =	sbr.rel @!p0 .LBB2_11-.Ltmp6, $4  }
0x1ea: {  	v19 =	vadd.f32 v20, v14;
	v20 =	vmul.f32 v16, v7;
	v14 =	vld [tilespmem:s6+$0x4EF0]  }
0x1eb: {  	v16 =	vld [tilespmem:s6+$0x4E60];
	v18 =	vadd.f32 v18, v15;
	v26 =	vmul.f32 v23, v9  }
0x1ec: {  	s11 =	sshra.s32 s13, $0x2;
	v15 =	vld [tilespmem:s6+$0x4E70];
	v21 =	vadd.f32 v20, v19;
	v22 =	vmul.f32 v24, v8  }
0x1ed: {  	s13 =	sadd.s32 $0x400, s13;
	v20 =	vld [tilespmem:s11+$0x4E80];
	v18 =	vadd.f32 v26, v18;
	v19 =	vmul.f32 v25, v10;
	v23, _, _ =	vpop (xrf2)  }
0x1ee: {  	v24 =	vld [tilespmem:s11+$0x4E90];
	v23 =	vbroadcast v23, $0xF  }
0x1ef: {  	v25 =	vld [tilespmem:s11+$0x4E00]  }
0x1f0: {  	v26 =	vld [tilespmem:s11+$0x4EA0];
	[tilespmem:s10+$0x11280] =	vst v23  }
0x1f1: {  	v44, _, _ =	vpop (xrf2);
	v27 =	vld [tilespmem:s11+$0x4E10]  }
0x1f2: {  	v23 =	vbroadcast v44, $0xF  }
0x1f3: {  	v29 =	vld [tilespmem:s11+$0x4E20]  }
0x1f4: {  	v28 =	vld [tilespmem:s11+$0x4EB0];
	[tilespmem:s10+$0x11200] =	vst v23  }
0x1f5: {  	v20 =	vmul.f32 v20, v4;
	v45 =	vmul.f32 v24, v5;
	v46 =	vld [tilespmem:s11+$0x4E30]  }
0x1f6: {  	v25 =	vmul.f32 v25, v4;
	v30 =	vld [tilespmem:s11+$0x4EC0];
	v27 =	vmul.f32 v27, v5  }
0x1f7: {  	v47 =	vmul.f32 v26, v6;
	v48 =	vld [tilespmem:s11+$0x4E40];
	v20 =	vadd.f32 v45, v20  }
0x1f8: {  	v21 =	vadd.f32 v22, v21;
	v50 =	vld [tilespmem:s11+$0x4ED0];
	v51 =	vmul.f32 v29, v6;
	v49 =	vadd.f32 v27, v25  }
0x1f9: {  	v17 =	vmul.f32 v17, v9;
	v53 =	vld [tilespmem:s11+$0x4E50];
	v52 =	vmul.f32 v28, v7;
	v20 =	vadd.f32 v47, v20  }
0x1fa: {  	v54 =	vld [tilespmem:s11+$0x4EE0];
	v24 =	vmul.f32 v46, v7;
	v22 =	vadd.f32 v51, v49  }
0x1fb: {  	v17 =	vadd.f32 v17, v21;
	v56 =	vld [tilespmem:s11+$0x4E60];
	v20 =	vadd.f32 v52, v20;
	v55 =	vmul.f32 v30, v8  }
0x1fc: {  	v16 =	vmul.f32 v16, v10;
	v57 =	vld [tilespmem:s11+$0x4EF0];
	v26 =	vmul.f32 v48, v8;
	v22 =	vadd.f32 v24, v22  }
0x1fd: {  	v18 =	vadd.f32 v19, v18;
	v59 =	vld [tilespmem:s11+$0x4E70];
	v58 =	vmul.f32 v50, v9;
	v19 =	vadd.f32 v55, v20  }
0x1fe: {  	v16 =	vadd.f32 v16, v17;
	v60 =	vmul.f32 v53, v9;
	v17 =	vadd.f32 v26, v22  }
0x1ff: {  	v14 =	vmul.f32 v14, v11;
	v61 =	vmul.f32 v54, v10;
	v19 =	vadd.f32 v58, v19  }
0x200: {  	v15 =	vmul.f32 v15, v11;
	v62 =	vmul.f32 v56, v10;
	v17 =	vadd.f32 v60, v17  }
0x201: {  	v14 =	vadd.f32 v14, v18;
	v18 =	vadd.f32 v61, v19;
	v19 =	vmul.f32 v57, v11  }
0x202: {  	v15 =	vadd.f32 v15, v16;
	v16 =	vmul.f32 v59, v11;
	v17 =	vadd.f32 v62, v17  }
0x203: {  	(xrf2) =	vadd.scan.msk.f32 $0xffff, v14;
	v14 =	vadd.f32 v19, v18  }
0x204: {  	(xrf2) =	vadd.scan.msk.f32 $0xffff, v15;
	v15 =	vadd.f32 v16, v17  }
0x205: {  	(xrf2) =	vadd.scan.msk.f32 $0xffff, v14  }
0x206: {  	(xrf2) =	vadd.scan.msk.f32 $0xffff, v15;
	_ =	sdelay $0x6  }
0x207: {  	v14, _, _ =	vpop (xrf2)  }
0x208: {  	v14 =	vbroadcast v14, $0xF;
	v15, _, _ =	vpop (xrf2)  }
0x209: {  	v15 =	vbroadcast v15, $0xF;
	v16, _, _ =	vpop (xrf2)  }
0x20a: {  	[tilespmem:s6+$0x11280] =	vst v14;
	v14 =	vbroadcast v16, $0xF;
	v16, _, _ =	vpop (xrf2)  }
0x20b: {  	[tilespmem:s6+$0x11200] =	vst v15;
	v15 =	vbroadcast v16, $0xF  }
0x20c: {  	s21 =	simm.s32 $0x0  }
0x20d: {  	[tilespmem:s11+$0x11200] =	vst v15;
	v15 =	vmov s21  }
0x20e: {  	v15 =	vshll.u32 v15, $0x7  }
0x20f: {  	v16 =	vor.u32 v1, v15  }
0x210: {  	v15 =	vadd.s32 v3, v15;
	v16 =	vor.u32 v0, v16  }
0x211: {  	v15 =	vor.u32 v0, v15;
	_ =	sdelay $0x2  }
0x212: {  	[tilespmem:s11+$0x11280] =	vst v14  }
0x213: {  	v16 =	vld.idx.msk [tilespmem:v16+s26+$0x0], $0xffff  }
0x214: {  	v15 =	vld.idx.msk [tilespmem:v15+s26+$0x0], $0xffff;
	_ =	sdelay $0x4  }
0x215: {  	v15 =	vsub.f32 v16, v15;
	_ =	sdelay $0x1  }
0x216: {  	v15 =	vadd.f32 v15, v13;
	_ =	sdelay $0x1  }
0x217: {  	v15 =	vsub.f32 $0.0e+00, v15;
	_ =	sdelay $0x1  }
0x218: {  	v15 =	vmul.f32 $1.442695020e+00, v15;
	_ =	sdelay $0x1  }
0x219: {  	(erf) = vpow2.f32 v15;
	_ =	sdelay $0x8  }
0x21a: {  	v15 =	vpop (erf)  }
0x21b: {  	v15 =	vadd.f32 $1.000000000e+00, v15;
	_ =	sdelay $0x1  }
0x21c: {  	(erf) = vrcp.f32 v15  }
0x21d: {  	s16 =	sor.u32 $0x80, s16  }
0x21e: {  	s19 =	sor.u32 s9, s16  }
0x21f: {  	v14 =	vor.u32 s19, v0  }
0x220: {  	v15 =	vor.u32 s21, v14  }
0x221: {  	v15 =	vcvt.s32.f32 v15  }
0x222: {  	s11 =	simm.s32 $0x10  }
0x223: {  	v17 =	vmov s11;
	v16 =	vsub.f32 v12, v15;
	v15 =	vadd.f32 $1.000000000e+00, v15  }
0x224: {  	v17 =	vshll.u32 v17, $0x7  }
0x225: {  	v18 =	vadd.f32 $-1.000000000e+00, v16;
	vm0 =	vlt.f32 v15, v12;
	v15 =	vor.u32 v1, v17;
	v19 =	vpop (erf)  }
0x226: {  	s10 =	simm.s32 $0x15600;
	v17 =	vadd.s32 v3, v17;
	v16 =	vor.u32 v0, v15;
	v63 =	vnsel vm0, $0x3F800000, v19  }
0x227: {  	s13 =	simm.s32 $0x15680;
	s6 =	simm.s32 $0x15680;
	s19 =	simm.s32 $0x20;
	v15 =	vor.u32 v0, v17;
	v17 =	vadd.f32 v19, v18;
	[tilespmem:s10+$0x0] =	vst v63  }
.LBB2_13:
0x228: {  	s10 =	sadd.s32 $0x10, s10  }
0x229: {  	v17 =	vnsel vm0, $0x0, v17;
	s6 =	sadd.s32 $0x10, s6;
	s14 =	smov.u32 s19;
	s17 =	sadd.s32 $0x10, s19  }
0x22a: {  	p0 =	sne.s32 s19, $0x70;
	[tilespmem:s13+$0x0] =	vst v17;
	s13 =	smov.u32 s6  }
0x22b: {  	v16 =	vld.idx.msk [tilespmem:v16+s26+$0x0], $0xffff  }
0x22c: {  	v15 =	vld.idx.msk [tilespmem:v15+s26+$0x0], $0xffff;
	_ =	sdelay $0x5  }
0x22d: {  	v15 =	vsub.f32 v16, v15;
	_ =	sdelay $0x1  }
0x22e: {  	v15 =	vadd.f32 v15, v13;
	_ =	sdelay $0x1  }
0x22f: {  	v15 =	vsub.f32 $0.0e+00, v15;
	_ =	sdelay $0x1  }
0x230: {  	v15 =	vmul.f32 $1.442695020e+00, v15;
	_ =	sdelay $0x1  }
0x231: {  	(erf) = vpow2.f32 v15;
	_ =	sdelay $0x8  }
0x232: {  	v15 =	vpop (erf)  }
0x233: {  	v15 =	vadd.f32 $1.000000000e+00, v15;
	_ =	sdelay $0x1  }
0x234: {  	(erf) = vrcp.f32 v15;
	_ =	sdelay $0x1  }
0x235: {  	v15 =	vor.u32 s11, v14;
	s11 =	smov.u32 s14  }
0x236: {  	v15 =	vcvt.s32.f32 v15;
	_ =	sdelay $0x1  }
0x237: {  	v16 =	vsub.f32 v12, v15;
	v17 =	vadd.f32 $1.000000000e+00, v15  }
0x238: {  	v15 =	vmov s11  }
.Ltmp7:
0x239: {  	v15 =	vshll.u32 v15, $0x7;
	v18 =	vadd.f32 $-1.000000000e+00, v16;
	(pc) =	sbr.rel @p0 .LBB2_13-.Ltmp7, $4  }
0x23a: {  	v16 =	vor.u32 v1, v15;
	v15 =	vadd.s32 v3, v15  }
0x23b: {  	vm0 =	vlt.f32 v17, v12;
	v16 =	vor.u32 v0, v16;
	v15 =	vor.u32 v0, v15;
	v17 =	vpop (erf)  }
0x23c: {  	v19 =	vnsel vm0, $0x3F800000, v17;
	v17 =	vadd.f32 v17, v18  }
0x23d: {  	s19 =	smov.u32 s17;
	[tilespmem:s10+$0x0] =	vst v19  }
0x23e: {  	_ =	sdelay $0x1  }
0x23f: {  	v17 =	vnsel vm0, $0x0, v17  }
0x240: {  	[tilespmem:s13+$0x0] =	vst v17  }
0x241: {  	v16 =	vld.idx.msk [tilespmem:v16+s26+$0x0], $0xffff  }
0x242: {  	v15 =	vld.idx.msk [tilespmem:v15+s26+$0x0], $0xffff;
	_ =	sdelay $0x4  }
0x243: {  	v15 =	vsub.f32 v16, v15;
	_ =	sdelay $0x1  }
0x244: {  	v15 =	vadd.f32 v15, v13;
	_ =	sdelay $0x1  }
0x245: {  	v15 =	vsub.f32 $0.0e+00, v15;
	_ =	sdelay $0x1  }
0x246: {  	v15 =	vmul.f32 $1.442695020e+00, v15;
	_ =	sdelay $0x1  }
0x247: {  	(erf) = vpow2.f32 v15;
	_ =	sdelay $0x8  }
0x248: {  	v15 =	vpop (erf)  }
0x249: {  	v15 =	vadd.f32 $1.000000000e+00, v15;
	_ =	sdelay $0x1  }
0x24a: {  	(erf) = vrcp.f32 v15;
	_ =	sdelay $0x2  }
0x24b: {  	v14 =	vor.u32 s11, v14  }
0x24c: {  	v14 =	vcvt.s32.f32 v14;
	_ =	sdelay $0x1  }
0x24d: {  	v15 =	vsub.f32 v12, v14;
	_ =	sdelay $0x1  }
0x24e: {  	v14 =	vadd.f32 $1.000000000e+00, v14;
	v15 =	vadd.f32 $-1.000000000e+00, v15  }
0x24f: {  	v16 =	vpop (erf)  }
0x250: {  	vm15 =	vlt.f32 v14, v12;
	v14 =	vadd.f32 v16, v15  }
0x251: {  	s10 =	sadd.s32 $0x10, s10;
	v15 =	vnsel vm15, $0x3F800000, v16  }
0x252: {  	s6 =	sadd.s32 $0x10, s6;
	[tilespmem:s10+$0x0] =	vst v15;
	v14 =	vnsel vm15, $0x0, v14  }
0x253: {  	[tilespmem:s6+$0x0] =	vst v14  }
0x254: {  	v14 =	vld [tilespmem:$0x4E00]  }
0x255: {  	v15 =	vld [tilespmem:$0x4E10]  }
0x256: {  	v16 =	vld [tilespmem:$0x4E20]  }
0x257: {  	v18 =	vld [tilespmem:$0x4E30]  }
0x258: {  	s17 =	simm.s32 $0x0;
	v20 =	vld [tilespmem:$0x4E40]  }
0x259: {  	v19 =	vmov s17;
	v17 =	vld [tilespmem:$0x4E50]  }
0x25a: {  	s21 =	simm.s32 $0x4EC0;
	v19 =	vand.u32 $0xFFFFFFFE, v19;
	v21 =	vld [tilespmem:$0x4E60]  }
0x25b: {  	v19 =	vbroadcast v19, $0x0;
	v33 =	vld [tilespmem:s21+$0x10]  }
0x25c: {  	v27 =	vld [tilespmem:s21+$0xFFFFFFD0]  }
0x25d: {  	v23 =	vld [tilespmem:s21+$0xFFFFFFF0]  }
0x25e: {  	v28 =	vld [tilespmem:s21+$0xFFFFFFC0]  }
0x25f: {  	v22 =	vld [tilespmem:s21+$0x20]  }
0x260: {  	v31 =	vld [tilespmem:s21+$0xFFFFFFE0]  }
0x261: {  	v30 =	vld.idx.msk [tilespmem:v19+s29+$0x0], $0xffff  }
0x262: {  	v26 =	vld [tilespmem:s21+$0x0]  }
0x263: {  	v29 =	vld.idx.msk [tilespmem:v19+s28+$0x0], $0xffff;
	v32 =	vsub.f32 v14, v28  }
0x264: {  	v24 =	vld [tilespmem:s21+$0x30];
	v34 =	vsub.f32 v21, v22;
	v14 =	vsub.f32 v15, v27  }
0x265: {  	v25 =	vld [tilespmem:$0x4E70];
	v15 =	vsub.f32 v17, v33;
	v21 =	vsub.f32 v16, v31  }
0x266: {  	v19 =	vld [tilespmem:s21+$0xB0];
	v35 =	vsub.f32 v18, v23;
	v38 =	vadd.f32 v30, v28  }
0x267: {  	v17 =	vld [tilespmem:s21+$0xA0];
	v39 =	vadd.f32 v30, v26;
	v40 =	vadd.f32 v30, v31  }
0x268: {  	v18 =	vld [tilespmem:s21+$0x90];
	v42 =	vadd.f32 v30, v33;
	v43 =	vadd.f32 v30, v27  }
0x269: {  	v16 =	vld [tilespmem:s21+$0x80];
	v45 =	vadd.f32 v30, v24;
	v36 =	vmul.f32 v29, v14;
	v14 =	vsub.f32 v20, v26  }
0x26a: {  	v25 =	vsub.f32 v25, v24;
	v61 =	vadd.f32 v30, v22;
	v20 =	vld [tilespmem:s21+$0x60];
	v32 =	vmul.f32 v29, v32  }
0x26b: {  	v34 =	vmul.f32 v29, v34;
	v41 =	vmul.f32 v29, v14;
	v14 =	vld [tilespmem:s21+$0x50];
	v36 =	vadd.f32 v43, v36  }
0x26c: {  	s6 =	simm.s32 $0xD280;
	v44 =	vmul.f32 v29, v21;
	v21 =	vld [tilespmem:s21+$0x40];
	v25 =	vmul.f32 v29, v25;
	v32 =	vadd.f32 v38, v32  }
0x26d: {  	v30 =	vadd.f32 v30, v23;
	v37 =	vmul.f32 v29, v15;
	v15 =	vld [tilespmem:s21+$0x70];
	v34 =	vadd.f32 v61, v34;
	[tilespmem:s6+$0xFFFFFF90] =	vst v36  }
0x26e: {  	v62 =	vadd.f32 v40, v44;
	v63 =	vadd.f32 v45, v25;
	[tilespmem:s6+$0xFFFFFF80] =	vst v32  }
0x26f: {  	s19 =	simm.s32 $0x1;
	v29 =	vmul.f32 v29, v35;
	v39 =	vadd.f32 v39, v41;
	v32 =	vadd.f32 v42, v37;
	[tilespmem:s6+$0xFFFFFFE0] =	vst v34  }
0x270: {  	[tilespmem:s6+$0xFFFFFFA0] =	vst v62;
	v25 =	vsub.f32 v27, v14;
	v27 =	vsub.f32 v31, v20;
	v31 =	vmov s19  }
0x271: {  	v30 =	vadd.f32 v30, v29;
	[tilespmem:s6+$0xFFFFFFF0] =	vst v63;
	v29 =	vsub.f32 v28, v21  }
0x272: {  	s11 =	simm.s32 $0xD280;
	s10 =	simm.s32 $0x2;
	v28 =	vsub.f32 v26, v16;
	v26 =	vsub.f32 v33, v18;
	[tilespmem:s6+$0xFFFFFFC0] =	vst v39  }
.LBB2_15:
0x273: {  	p0 =	sne.s32 s10, $0x3E;
	[tilespmem:s6+$0xFFFFFFD0] =	vst v32;
	v23 =	vsub.f32 v23, v15;
	v24 =	vsub.f32 v24, v19;
	s21 =	sadd.s32 $0x100, s21;
	s11 =	sadd.s32 $0x100, s11;
	v32 =	vmov v19  }
0x274: {  	v22 =	vsub.f32 v22, v17;
	s13 =	smov.u32 s10;
	s10 =	sadd.s32 $0x2, s10;
	[tilespmem:s6+$0xFFFFFFB0] =	vst v30  }
0x275: {  	v30 =	vld.idx.msk [tilespmem:v31+s28+$0x0], $0xffff  }
0x276: {  	v31 =	vld.idx.msk [tilespmem:v31+s29+$0x0], $0xffff;
	_ =	sdelay $0x4  }
0x277: {  	v29 =	vmul.f32 v30, v29  }
0x278: {  	v27 =	vmul.f32 v30, v27;
	v33 =	vadd.f32 v31, v21;
	v34 =	vadd.f32 v31, v16  }
0x279: {  	v28 =	vmul.f32 v30, v28;
	v35 =	vadd.f32 v31, v20;
	v36 =	vadd.f32 v31, v18  }
0x27a: {  	v26 =	vmul.f32 v30, v26;
	v29 =	vadd.f32 v33, v29;
	v33 =	vadd.f32 v31, v14  }
0x27b: {  	v25 =	vmul.f32 v30, v25;
	v27 =	vadd.f32 v35, v27;
	v28 =	vadd.f32 v34, v28  }
0x27c: {  	v23 =	vmul.f32 v30, v23;
	v26 =	vadd.f32 v36, v26;
	[tilespmem:s6+$0x0] =	vst v29;
	v29 =	vadd.f32 v31, v15  }
0x27d: {  	v22 =	vmul.f32 v30, v22;
	v25 =	vadd.f32 v33, v25;
	[tilespmem:s6+$0x40] =	vst v28;
	v28 =	vadd.f32 v31, v17  }
0x27e: {  	v24 =	vmul.f32 v30, v24;
	v19 =	vadd.f32 v31, v19;
	v23 =	vadd.f32 v29, v23;
	[tilespmem:s6+$0x50] =	vst v26  }
0x27f: {  	[tilespmem:s6+$0x20] =	vst v27;
	v22 =	vadd.f32 v28, v22  }
0x280: {  	v19 =	vadd.f32 v19, v24;
	v26 =	vmov s13;
	[tilespmem:s6+$0x30] =	vst v23  }
0x281: {  	v23 =	vand.u32 $0xFFFFFFFE, v26;
	[tilespmem:s6+$0x60] =	vst v22  }
0x282: {  	v24 =	vbroadcast v23, $0x0;
	[tilespmem:s6+$0x70] =	vst v19  }
0x283: {  	[tilespmem:s6+$0x10] =	vst v25;
	s6 =	smov.u32 s11  }
0x284: {  	v26 =	vld [tilespmem:s21+$0x0]  }
0x285: {  	v33 =	vld [tilespmem:s21+$0x10]  }
0x286: {  	v25 =	vld [tilespmem:s21+$0xFFFFFFD0]  }
0x287: {  	v23 =	vld [tilespmem:s21+$0xFFFFFFF0]  }
0x288: {  	v27 =	vld [tilespmem:s21+$0xFFFFFFC0]  }
0x289: {  	v22 =	vld [tilespmem:s21+$0x20]  }
0x28a: {  	v28 =	vld [tilespmem:s21+$0xFFFFFFE0]  }
0x28b: {  	v29 =	vld.idx.msk [tilespmem:v24+s28+$0x0], $0xffff  }
0x28c: {  	v30 =	vld.idx.msk [tilespmem:v24+s29+$0x0], $0xffff;
	_ =	sdelay $0x1  }
0x28d: {  	v21 =	vsub.f32 v21, v27;
	v19 =	vld [tilespmem:s21+$0xB0];
	v31 =	vsub.f32 v17, v22  }
0x28e: {  	v34 =	vsub.f32 v18, v33;
	v14 =	vsub.f32 v14, v25;
	v24 =	vld [tilespmem:s21+$0x30]  }
0x28f: {  	v15 =	vsub.f32 v15, v23;
	v35 =	vsub.f32 v20, v28;
	v17 =	vld [tilespmem:s21+$0xA0]  }
0x290: {  	v36 =	vmul.f32 v29, v14;
	v14 =	vsub.f32 v16, v26;
	v34 =	vmul.f32 v29, v34;
	v18 =	vld [tilespmem:s21+$0x90]  }
0x291: {  	v38 =	vmul.f32 v29, v15;
	v37 =	vadd.f32 v30, v27;
	v39 =	vadd.f32 v30, v26;
	v16 =	vld [tilespmem:s21+$0x80]  }
0x292: {  	v40 =	vadd.f32 v30, v28;
	v42 =	vadd.f32 v30, v33;
	v41 =	vmul.f32 v29, v14;
	v15 =	vld [tilespmem:s21+$0x70]  }
0x293: {  	v43 =	vadd.f32 v30, v25;
	v35 =	vmul.f32 v29, v35;
	v20 =	vld [tilespmem:s21+$0x60];
	v44 =	vadd.f32 v30, v24  }
0x294: {  	v45 =	vmul.f32 v29, v21;
	v39 =	vadd.f32 v39, v41;
	v32 =	vsub.f32 v32, v24;
	v14 =	vld [tilespmem:s21+$0x50]  }
0x295: {  	v31 =	vmul.f32 v29, v31;
	v36 =	vadd.f32 v43, v36;
	v41 =	vadd.f32 v30, v22;
	v21 =	vld [tilespmem:s21+$0x40]  }
0x296: {  	v37 =	vadd.f32 v37, v45;
	v35 =	vadd.f32 v40, v35;
	v29 =	vmul.f32 v29, v32;
	[tilespmem:s11+$0xFFFFFFC0] =	vst v39  }
.Ltmp8:
0x297: {  	v30 =	vadd.f32 v30, v23;
	v31 =	vadd.f32 v41, v31;
	[tilespmem:s11+$0xFFFFFF90] =	vst v36;
	(pc) =	sbr.rel @p0 .LBB2_15-.Ltmp8, $4  }
0x298: {  	s13 =	sadd.s32 $0x1, s13;
	v32 =	vadd.f32 v42, v34;
	v34 =	vadd.f32 v44, v29;
	[tilespmem:s11+$0xFFFFFF80] =	vst v37  }
0x299: {  	v30 =	vadd.f32 v30, v38;
	[tilespmem:s11+$0xFFFFFFE0] =	vst v31;
	v31 =	vmov s13;
	v25 =	vsub.f32 v25, v14  }
0x29a: {  	[tilespmem:s11+$0xFFFFFFA0] =	vst v35;
	v29 =	vsub.f32 v27, v21;
	v27 =	vsub.f32 v28, v20  }
0x29b: {  	v28 =	vsub.f32 v26, v16;
	v26 =	vsub.f32 v33, v18;
	[tilespmem:s11+$0xFFFFFFF0] =	vst v34  }
0x29c: {  	_ =	sdelay $0x1  }
0x29d: {  	[tilespmem:s6+$0xFFFFFFD0] =	vst v32  }
0x29e: {  	[tilespmem:s6+$0xFFFFFFB0] =	vst v30  }
0x29f: {  	v30 =	vld.idx.msk [tilespmem:v31+s28+$0x0], $0xffff  }
0x2a0: {  	v31 =	vld.idx.msk [tilespmem:v31+s29+$0x0], $0xffff;
	_ =	sdelay $0x3  }
0x2a1: {  	v23 =	vsub.f32 v23, v15  }
0x2a2: {  	v24 =	vsub.f32 v24, v19;
	v29 =	vmul.f32 v30, v29;
	v60 =	vadd.f32 v31, v21  }
0x2a3: {  	v22 =	vsub.f32 v22, v17;
	v33 =	vadd.f32 v31, v16;
	v28 =	vmul.f32 v30, v28  }
0x2a4: {  	v35 =	vadd.f32 v31, v18;
	v26 =	vmul.f32 v30, v26;
	v29 =	vadd.f32 v60, v29  }
0x2a5: {  	v27 =	vmul.f32 v30, v27;
	v34 =	vadd.f32 v31, v20;
	v28 =	vadd.f32 v33, v28  }
0x2a6: {  	v62 =	vadd.f32 v31, v15;
	v23 =	vmul.f32 v30, v23;
	v26 =	vadd.f32 v35, v26;
	[tilespmem:s6+$0x0] =	vst v29  }
0x2a7: {  	v22 =	vmul.f32 v30, v22;
	v27 =	vadd.f32 v34, v27;
	v29 =	vadd.f32 v31, v17;
	[tilespmem:s6+$0x40] =	vst v28  }
0x2a8: {  	v24 =	vmul.f32 v30, v24;
	v23 =	vadd.f32 v62, v23;
	[tilespmem:s6+$0x50] =	vst v26;
	v26 =	vadd.f32 v31, v19  }
0x2a9: {  	v61 =	vadd.f32 v31, v14;
	v25 =	vmul.f32 v30, v25;
	[tilespmem:s6+$0x20] =	vst v27;
	v22 =	vadd.f32 v29, v22  }
0x2aa: {  	[tilespmem:s6+$0x30] =	vst v23;
	v23 =	vadd.f32 v26, v24  }
0x2ab: {  	s19 =	sor.u32 s7, s16;
	v24 =	vadd.f32 v61, v25;
	[tilespmem:s6+$0x60] =	vst v22  }
0x2ac: {  	s10 =	simm.s32 $0x40;
	s16 =	sshll.u32 s19, $0x4;
	[tilespmem:s6+$0x70] =	vst v23  }
0x2ad: {  	s21 =	sadd.s32 s4, s16;
	v28 =	vmov s10;
	s10 =	simm.s32 $0x6F70;
	[tilespmem:s6+$0x10] =	vst v24  }
0x2ae: {  	v28 =	vand.u32 $0xFFFFFFFE, v28;
	[hbm4b:s21+s5] =	stream.linear.scatter [tilespmem:s3], [sflag:$0x4], $0x2000, $0x38;
	[tilespmem:$0x15700] =	vst v63  }
0x2af: {  	v27 =	vbroadcast v28, $0x0;
	v22 =	vld [tilespmem:s10+$0xFFFFFF70]  }
0x2b0: {  	v26 =	vld [tilespmem:s10+$0xFFFFFF60]  }
0x2b1: {  	v24 =	vld [tilespmem:s10+$0xFFFFFF30]  }
0x2b2: {  	v30 =	vld [tilespmem:s10+$0xFFFFFF10]  }
0x2b3: {  	v23 =	vld [tilespmem:s10+$0xFFFFFF80]  }
0x2b4: {  	v29 =	vld [tilespmem:s10+$0xFFFFFF40]  }
0x2b5: {  	v28 =	vld.idx.msk [tilespmem:v27+s29+$0x0], $0xffff  }
0x2b6: {  	v32 =	vld.idx.msk [tilespmem:v27+s28+$0x0], $0xffff  }
0x2b7: {  	v27 =	vld [tilespmem:s10+$0xFFFFFF50];
	_ =	sdelay $0x1  }
0x2b8: {  	v17 =	vsub.f32 v17, v22  }
0x2b9: {  	v18 =	vsub.f32 v18, v26;
	v41 =	vsub.f32 v20, v24  }
0x2ba: {  	v25 =	vld [tilespmem:s10+$0xFFFFFF20];
	v21 =	vsub.f32 v21, v30;
	v40 =	vsub.f32 v19, v23  }
0x2bb: {  	v20 =	vld [tilespmem:s10+$0x0];
	v15 =	vsub.f32 v15, v29;
	v31 =	vadd.f32 v28, v27  }
0x2bc: {  	v63 =	vsub.f32 v16, v27;
	v33 =	vmul.f32 v32, v17;
	v16 =	vld [tilespmem:s10+$0xFFFFFFD0];
	v35 =	vadd.f32 v28, v26  }
0x2bd: {  	s11 =	simm.s32 $0x41;
	s13 =	simm.s32 $0xF2F0;
	v36 =	vmul.f32 v32, v18;
	v38 =	vadd.f32 v28, v30;
	v17 =	vld [tilespmem:s10+$0xFFFFFFB0];
	v39 =	vmul.f32 v32, v21  }
0x2be: {  	s17 =	simm.s32 $0x43;
	s19 =	simm.s32 $0x6F70;
	s6 =	simm.s32 $0xF2F0;
	v37 =	vadd.f32 v28, v23;
	v18 =	vld [tilespmem:s10+$0xFFFFFF90];
	v19 =	vmul.f32 v32, v41;
	v34 =	vmul.f32 v32, v63  }
.LBB2_17:
0x2bf: {  	p0 =	sne.s32 s17, $0x7F;
	v21 =	vld [tilespmem:s10+$0xFFFFFFF0];
	v14 =	vsub.f32 v14, v25;
	v41 =	vadd.f32 v28, v24;
	v40 =	vmul.f32 v32, v40;
	s19 =	sadd.s32 $0x100, s19;
	s13 =	sadd.s32 $0x100, s13  }
0x2c0: {  	v43 =	vadd.f32 v28, v25;
	v44 =	vadd.f32 v28, v29;
	s14 =	smov.u32 s17;
	s17 =	sadd.s32 $0x2, s17;
	v42 =	vld [tilespmem:s10+$0xFFFFFFE0];
	v45 =	vmul.f32 v32, v15  }
0x2c1: {  	v38 =	vadd.f32 v38, v39;
	v15 =	vld [tilespmem:s10+$0xFFFFFFC0];
	v32 =	vmul.f32 v32, v14;
	v39 =	vadd.f32 v41, v19;
	v19 =	vmovc v20  }
0x2c2: {  	v35 =	vadd.f32 v35, v36;
	v14 =	vld [tilespmem:s10+$0xFFFFFFA0];
	v41 =	vadd.f32 v44, v45;
	s10 =	smov.u32 s19  }
0x2c3: {  	[tilespmem:s6+$0xFFFFFF10] =	vst v38;
	v32 =	vadd.f32 v43, v32;
	v30 =	vsub.f32 v30, v18  }
0x2c4: {  	v28 =	vadd.f32 v28, v22;
	v36 =	vadd.f32 v37, v40;
	[tilespmem:s6+$0xFFFFFF40] =	vst v41  }
0x2c5: {  	v27 =	vsub.f32 v27, v16;
	[tilespmem:s6+$0xFFFFFF20] =	vst v32;
	v26 =	vsub.f32 v26, v42  }
0x2c6: {  	v28 =	vadd.f32 v28, v33;
	v32 =	vmov s11;
	s11 =	smov.u32 s14;
	[tilespmem:s6+$0xFFFFFF80] =	vst v36;
	v29 =	vsub.f32 v29, v15  }
0x2c7: {  	v24 =	vsub.f32 v24, v17;
	v22 =	vsub.f32 v22, v21;
	[tilespmem:s6+$0xFFFFFF60] =	vst v35  }
0x2c8: {  	v31 =	vadd.f32 v31, v34;
	v23 =	vsub.f32 v23, v20;
	[tilespmem:s6+$0xFFFFFF70] =	vst v28  }
0x2c9: {  	[tilespmem:s6+$0xFFFFFF30] =	vst v39  }
0x2ca: {  	v25 =	vsub.f32 v25, v14;
	[tilespmem:s6+$0xFFFFFF50] =	vst v31  }
0x2cb: {  	v28 =	vld.idx.msk [tilespmem:v32+s28+$0x0], $0xffff  }
0x2cc: {  	v31 =	vld.idx.msk [tilespmem:v32+s29+$0x0], $0xffff;
	_ =	sdelay $0x1  }
0x2cd: {  	s14 =	sadd.s32 $0xFFFFFFFF, s11  }
0x2ce: {  	v32 =	vmov s14  }
0x2cf: {  	v32 =	vand.u32 $0xFFFFFFFE, v32  }
0x2d0: {  	v32 =	vbroadcast v32, $0x0;
	v30 =	vmul.f32 v28, v30  }
0x2d1: {  	v27 =	vmul.f32 v28, v27;
	v33 =	vadd.f32 v31, v18;
	v34 =	vadd.f32 v31, v16  }
0x2d2: {  	v26 =	vmul.f32 v28, v26;
	v35 =	vadd.f32 v31, v42;
	v20 =	vadd.f32 v31, v20  }
0x2d3: {  	v29 =	vmul.f32 v28, v29;
	v30 =	vadd.f32 v33, v30;
	v27 =	vadd.f32 v34, v27  }
0x2d4: {  	v24 =	vmul.f32 v28, v24;
	v33 =	vadd.f32 v31, v17;
	v26 =	vadd.f32 v35, v26  }
0x2d5: {  	v23 =	vmul.f32 v28, v23;
	v34 =	vadd.f32 v31, v15;
	[tilespmem:s6+$0xFFFFFFD0] =	vst v27;
	v27 =	vadd.f32 v31, v21  }
0x2d6: {  	v25 =	vmul.f32 v28, v25;
	v22 =	vmul.f32 v28, v22;
	v24 =	vadd.f32 v33, v24;
	[tilespmem:s6+$0xFFFFFFE0] =	vst v26  }
0x2d7: {  	v20 =	vadd.f32 v20, v23;
	v26 =	vadd.f32 v34, v29;
	[tilespmem:s6+$0xFFFFFF90] =	vst v30  }
0x2d8: {  	v23 =	vadd.f32 v31, v14;
	v22 =	vadd.f32 v27, v22;
	[tilespmem:s6+$0xFFFFFFB0] =	vst v24  }
0x2d9: {  	[tilespmem:s6+$0x0] =	vst v20  }
0x2da: {  	v20 =	vadd.f32 v23, v25;
	[tilespmem:s6+$0xFFFFFFC0] =	vst v26  }
0x2db: {  	[tilespmem:s6+$0xFFFFFFF0] =	vst v22  }
0x2dc: {  	[tilespmem:s6+$0xFFFFFFA0] =	vst v20;
	s6 =	smov.u32 s13  }
0x2dd: {  	v28 =	vld.idx.msk [tilespmem:v32+s29+$0x0], $0xffff  }
0x2de: {  	v32 =	vld.idx.msk [tilespmem:v32+s28+$0x0], $0xffff  }
0x2df: {  	v22 =	vld [tilespmem:s19+$0xFFFFFF70]  }
0x2e0: {  	v26 =	vld [tilespmem:s19+$0xFFFFFF60]  }
0x2e1: {  	v27 =	vld [tilespmem:s19+$0xFFFFFF50]  }
0x2e2: {  	v24 =	vld [tilespmem:s19+$0xFFFFFF30]  }
0x2e3: {  	v30 =	vld [tilespmem:s19+$0xFFFFFF10]  }
0x2e4: {  	v23 =	vld [tilespmem:s19+$0xFFFFFF80];
	v20 =	vsub.f32 v21, v22  }
0x2e5: {  	v29 =	vld [tilespmem:s19+$0xFFFFFF40];
	v21 =	vsub.f32 v42, v26  }
.Ltmp9:
0x2e6: {  	v25 =	vld [tilespmem:s19+$0xFFFFFF20];
	v31 =	vadd.f32 v28, v27;
	v34 =	vsub.f32 v16, v27;
	v33 =	vmul.f32 v32, v20;
	(pc) =	sbr.rel @p0 .LBB2_17-.Ltmp9, $4  }
0x2e7: {  	v35 =	vadd.f32 v28, v26;
	v16 =	vld [tilespmem:s19+$0xFFFFFFD0];
	v41 =	vsub.f32 v17, v24;
	v36 =	vmul.f32 v32, v21  }
0x2e8: {  	v20 =	vld [tilespmem:s19+$0x0];
	v38 =	vadd.f32 v28, v30;
	v21 =	vsub.f32 v18, v30;
	v34 =	vmul.f32 v32, v34  }
0x2e9: {  	v17 =	vld [tilespmem:s19+$0xFFFFFFB0];
	v37 =	vadd.f32 v28, v23;
	v40 =	vsub.f32 v19, v23  }
0x2ea: {  	v19 =	vmul.f32 v32, v41;
	v18 =	vld [tilespmem:s19+$0xFFFFFF90];
	v39 =	vmul.f32 v32, v21;
	v15 =	vsub.f32 v15, v29  }
0x2eb: {  	_ = 	snop  }
0x2ec: {  	v21 =	vld [tilespmem:s10+$0xFFFFFFF0];
	v14 =	vsub.f32 v14, v25;
	v42 =	vadd.f32 v28, v29;
	v15 =	vmul.f32 v32, v15  }
0x2ed: {  	v41 =	vld [tilespmem:s10+$0xFFFFFFE0];
	v35 =	vadd.f32 v35, v36  }
0x2ee: {  	v43 =	vadd.f32 v28, v25;
	v44 =	vld [tilespmem:s10+$0xFFFFFFC0];
	v14 =	vmul.f32 v32, v14;
	v15 =	vadd.f32 v42, v15  }
0x2ef: {  	v46 =	vld [tilespmem:s10+$0xFFFFFFA0];
	v48 =	vadd.f32 v31, v34;
	[tilespmem:s6+$0xFFFFFF60] =	vst v35  }
0x2f0: {  	v45 =	vmul.f32 v32, v40;
	v14 =	vadd.f32 v43, v14;
	[tilespmem:s6+$0xFFFFFF40] =	vst v15;
	v15 =	vadd.f32 v28, v22  }
0x2f1: {  	v47 =	vadd.f32 v28, v24;
	v38 =	vadd.f32 v38, v39;
	[tilespmem:s6+$0xFFFFFF50] =	vst v48  }
0x2f2: {  	v32 =	vadd.f32 v37, v45;
	[tilespmem:s6+$0xFFFFFF20] =	vst v14;
	v14 =	vadd.f32 v15, v33;
	v15 =	vmov s11  }
0x2f3: {  	v19 =	vadd.f32 v47, v19;
	[tilespmem:s6+$0xFFFFFF10] =	vst v38  }
0x2f4: {  	[tilespmem:s6+$0xFFFFFF80] =	vst v32  }
0x2f5: {  	[tilespmem:s6+$0xFFFFFF30] =	vst v19  }
0x2f6: {  	[tilespmem:s6+$0xFFFFFF70] =	vst v14  }
0x2f7: {  	v14 =	vld.idx.msk [tilespmem:v15+s28+$0x0], $0xffff  }
0x2f8: {  	v15 =	vld.idx.msk [tilespmem:v15+s29+$0x0], $0xffff  }
0x2f9: {  	v27 =	vsub.f32 v27, v16;
	v23 =	vsub.f32 v23, v20  }
0x2fa: {  	v51 =	vsub.f32 v24, v17;
	v49 =	vsub.f32 v30, v18  }
0x2fb: {  	v26 =	vsub.f32 v26, v41;
	v50 =	vsub.f32 v29, v44  }
0x2fc: {  	v52 =	vsub.f32 v22, v21;
	v54 =	vsub.f32 v25, v46  }
0x2fd: {  	v53 =	vadd.f32 v15, v16;
	v27 =	vmul.f32 v14, v27;
	v55 =	vadd.f32 v15, v41  }
0x2fe: {  	v26 =	vmul.f32 v14, v26;
	v19 =	vmul.f32 v14, v49;
	v56 =	vadd.f32 v15, v18  }
0x2ff: {  	v57 =	vadd.f32 v15, v17;
	v24 =	vmul.f32 v14, v51;
	v16 =	vadd.f32 v53, v27  }
0x300: {  	v58 =	vadd.f32 v15, v20;
	v59 =	vmul.f32 v14, v23;
	v26 =	vadd.f32 v55, v26  }
0x301: {  	v60 =	vmul.f32 v14, v50;
	v61 =	vadd.f32 v15, v44;
	v18 =	vadd.f32 v56, v19;
	[tilespmem:s6+$0xFFFFFFD0] =	vst v16  }
0x302: {  	v21 =	vadd.f32 v15, v21;
	v22 =	vmul.f32 v14, v52;
	v17 =	vadd.f32 v57, v24;
	[tilespmem:s6+$0xFFFFFFE0] =	vst v26  }
0x303: {  	v14 =	vmul.f32 v14, v54;
	v15 =	vadd.f32 v15, v46;
	v62 =	vadd.f32 v61, v60;
	[tilespmem:s6+$0xFFFFFF90] =	vst v18  }
0x304: {  	v63 =	vadd.f32 v21, v22;
	[tilespmem:s6+$0xFFFFFFB0] =	vst v17  }
.Ltmp10:
0x305: {  	v14 =	vadd.f32 v15, v14;
	[tilespmem:s6+$0xFFFFFFC0] =	vst v62;
	(pc) =	sbr.rel @p1 .LBB2_20-.Ltmp10, $4  }
0x306: {  	v16 =	vadd.f32 v58, v59;
	[tilespmem:s6+$0xFFFFFFF0] =	vst v63  }
0x307: {  	s19 =	sand.u32 $0x1FFFF800, s16;
	[tilespmem:s6+$0xFFFFFFA0] =	vst v14  }
0x308: {  	s21 =	sadd.s32 s19, s12;
	[tilespmem:s6+$0x0] =	vst v16  }
0x309: {  	[hbm4b:s21+s5] =	stream.linear.scatter [tilespmem:s2], [sflag:$0x4], $0x2000, $0x38;
	[tilespmem:$0x15700] =	vst v63  }
.Ltmp11:
0x30a: {  	s6 =	sshrl.u32 s15, $0x2;
	(pc) =	sbr.rel .LBB2_2-.Ltmp11, $4  }
0x30b: {  	s10 =	sadd.s32 $0x300, s6  }
0x30c: {  	[tilespmem:s23], [sflag:$0x2] =	stream.indirect.gather [hbm4b:s1+s18], $0x80, s10, s18, $0xb8;
	[tilespmem:$0x15700] =	vst v63  }
0x30d: {  	s24 =	sadd.s32 $0x1, s24;
	s6 =	sadd.s32 $0x380, s6  }
0x30e: {  	[tilespmem:s25], [sflag:$0x2] =	stream.indirect.gather [hbm4b:s1+s20], $0x80, s6, s20, $0xb8;
	[tilespmem:$0x15700] =	vst v63  }
.LBB2_21:
0x30f: {  	_ =	sfence.sel $0x180000  }
0x310: {  	[bflag:$0x0] =	sbarrier.arrive $0xFFFF  }
0x311: {  	_ =	strace $0x90000047  }
0x312: {  	s0 =	stileid.u32;
	[bflag:$0x2] =	sbarrier.arrive $0xFFFF  }
0x313: {  	p0 =	sne.s32 s0, $0x0;
	s0 =	rddreg [dreg:$0x4]  }
0x314: {  	s0 =	sadd.s32 @!p0 $0x100000, s0  }
0x315: {  	[sflag:s0] =	ssyncadd.tile.s32 @!p0 $0x1;
	_ =	shalt  }
.Lfunc_end2:
_tile_overlayer_lowered:
.L_overlay_start_2:
0x316: {  	(tag) =	ssettag $0x2  }
0x317: {  	s0 =	rddreg [dreg:$0x0];
	s2 =	stileid.u32  }
0x318: {  	s1 =	rddreg [dreg:$0x1];
	p0 =	sne.s32 s2, $0x0  }
0x319: {  	s3 =	rddreg [dreg:$0x2];
	[bflag:$0x3] =	sbarrier.arrive $0xFFFF;
	s2 =	simm.s32 @!p0 $0x1C05  }
0x31a: {  	[timem:s3], [sflag:s2] =	dma.local @!p0 [hbm:s0], s1  }
0x31b: {  	s0 =	simm.s32 @!p0 $0x5  }
0x31c: {  	_ =	swait.ge @!p0 [sflag:s0], s1  }
0x31d: {  	s1 =	ssub.s32 @!p0 $0x0, s1;
	[sflag:s0] =	ssyncset.done @!p0 $0x0  }
0x31e: {  	[sflag:s0] =	ssyncadd.s32 @!p0 s1  }
0x31f: {  	[bflag:$0x3] =	sbarrier.arrive $0xFFFF  }
0x320: {  	_ =	shalt  }

</sc_bundles>
